<compile_context>
chip_gen: v7x
topology: tpu7x:2x2x1
jax: 0.10.2.dev20260603
libtpu: 0.0.44.dev20260713+nightly
codegen_flags: <defaults>
</compile_context>

<pallas_src>
import functools

import jax
import jax.numpy as jnp
from jax import lax
from jax.experimental import pallas as pl
from jax.experimental.pallas import tpu as pltpu
from jax.experimental.pallas import tpu_sc as plsc

N_NODES = 10000
NP = 10240
GARBAGE = N_NODES
N_EDGES = 160000
NW = 32
EPW = 5120
NBATCH = 40
BATCH = 128
NBUF = 2
ROWS_PER_SUB = NP // 16
DCH = 128
BLK = 512
GRID = NP // BLK


def _sc_agg(values, srcp, dstp, zeros_h):
    mesh = plsc.VectorSubcoreMesh(core_axis_name="c", subcore_axis_name="s")

    @functools.partial(
        pl.kernel, mesh=mesh,
        out_type=jax.ShapeDtypeStruct((2, NP, DCH), jnp.float32),
        scratch_types=[
            pltpu.VMEM((NBATCH, BATCH), jnp.int32),
            pltpu.VMEM((NBATCH, BATCH), jnp.int32),
            pltpu.VMEM((NBUF, BATCH, DCH), jnp.float32),
            pltpu.VMEM_SHARED((NP, DCH), jnp.float32),
            pltpu.SemaphoreType.DMA((NBUF,)),
            pltpu.SemaphoreType.DMA((NBUF,)),
        ],
    )
    def body(values_h, srcp_h, dstp_h, zeros_hr, out_h,
             src_v, dst_v, rows_v, acc_sh, gsem, ssem):
        cid = lax.axis_index("c")
        sid = lax.axis_index("s")
        wid = cid * 16 + sid
        rps = pl.ds(sid * ROWS_PER_SUB, ROWS_PER_SUB)
        pltpu.sync_copy(zeros_hr.at[rps], acc_sh.at[rps])
        pltpu.sync_copy(srcp_h.at[wid], src_v)
        pltpu.sync_copy(dstp_h.at[wid], dst_v)
        plsc.subcore_barrier()

        def gather(b, j):
            pltpu.make_async_copy(values_h.at[src_v.at[b]], rows_v.at[j],
                                  gsem.at[j]).start()

        def scatter(b, j):
            pltpu.make_async_copy(rows_v.at[j], acc_sh.at[dst_v.at[b]],
                                  ssem.at[j]).start(add=True)

        for j in range(NBUF):
            gather(j, j)

        def group(g, carry):
            for j in range(NBUF):
                b = g * NBUF + j
                pltpu.make_async_copy(values_h.at[src_v.at[b]],
                                      rows_v.at[j], gsem.at[j]).wait()
                scatter(b, j)
            for j in range(NBUF):
                b = g * NBUF + j
                pltpu.make_async_copy(rows_v.at[j], acc_sh.at[dst_v.at[b]],
                                      ssem.at[j]).wait()
                b2 = b + NBUF

                @pl.when(b2 < NBATCH)
                def _():
                    gather(b2, j)
            return carry
        lax.fori_loop(0, NBATCH // NBUF, group, 0)

        plsc.subcore_barrier()
        pltpu.sync_copy(acc_sh.at[rps], out_h.at[cid, rps])

    return body(values, srcp, dstp, zeros_h)


def _sc_count(dstp, ones_h, zc_h):
    mesh = plsc.VectorSubcoreMesh(core_axis_name="c", subcore_axis_name="s")

    @functools.partial(
        pl.kernel, mesh=mesh,
        out_type=jax.ShapeDtypeStruct((2, NP, DCH), jnp.float32),
        scratch_types=[
            pltpu.VMEM((NBATCH, BATCH), jnp.int32),
            pltpu.VMEM((BATCH, DCH), jnp.float32),
            pltpu.VMEM_SHARED((NP, DCH), jnp.float32),
            pltpu.SemaphoreType.DMA,
        ],
    )
    def body(dstp_h, ones_hr, zc_hr, cnt_h, dst_v, ones_v, cacc_sh, sem):
        cid = lax.axis_index("c")
        sid = lax.axis_index("s")
        wid = cid * 16 + sid
        rps = pl.ds(sid * ROWS_PER_SUB, ROWS_PER_SUB)
        pltpu.sync_copy(zc_hr.at[rps], cacc_sh.at[rps])
        pltpu.sync_copy(dstp_h.at[wid], dst_v)
        pltpu.sync_copy(ones_hr, ones_v)
        plsc.subcore_barrier()

        def batch(b, carry):
            pltpu.make_async_copy(ones_v, cacc_sh.at[dst_v.at[b]],
                                  sem).start(add=True)
            return carry
        lax.fori_loop(0, NBATCH, batch, 0)

        def drain(b, carry):
            pltpu.make_async_copy(ones_v, cacc_sh.at[dst_v.at[b]],
                                  sem).wait()
            return carry
        lax.fori_loop(0, NBATCH, drain, 0)

        plsc.subcore_barrier()
        pltpu.sync_copy(cacc_sh.at[rps], cnt_h.at[cid, rps])

    return body(dstp, ones_h, zc_h)


def _tc_mm1(a0, a1, cntp, x, W1_l, b1, W1_r, W2_l, b2, W2_r):

    def kfn(a0_r, a1_r, cnt_r, x_r, w1l_r, b1_r, w1r_r, w2l_r, b2_r, w2r_r,
            p_r, q_r):
        cnt16 = jnp.sum(cnt_r[0] + cnt_r[1], axis=1, keepdims=True)
        inv = float(DCH) / jnp.maximum(cnt16, float(DCH))
        m0 = (a0_r[0] + a0_r[1]) * inv
        m1 = (a1_r[0] + a1_r[1]) * inv
        w1l = w1l_r[...]
        h = (jnp.dot(m0, w1l[:DCH], preferred_element_type=jnp.float32)
             + jnp.dot(m1, w1l[DCH:], preferred_element_type=jnp.float32)
             + jnp.dot(x_r[...], w1r_r[...],
                       preferred_element_type=jnp.float32)
             + b1_r[...])
        h = jnp.maximum(h, 0.0)
        p_r[...] = jnp.dot(h, w2l_r[...], preferred_element_type=jnp.float32)
        q_r[...] = (jnp.dot(h, w2r_r[...], preferred_element_type=jnp.float32)
                    + b2_r[...])

    grid = (GRID,)
    return pl.pallas_call(
        kfn,
        grid=grid,
        in_specs=[
            pl.BlockSpec((2, BLK, DCH), lambda i: (0, i, 0)),
            pl.BlockSpec((2, BLK, DCH), lambda i: (0, i, 0)),
            pl.BlockSpec((2, BLK, DCH), lambda i: (0, i, 0)),
            pl.BlockSpec((BLK, 256), lambda i: (i, 0)),
            pl.BlockSpec((256, 512), lambda i: (0, 0)),
            pl.BlockSpec((1, 512), lambda i: (0, 0)),
            pl.BlockSpec((256, 512), lambda i: (0, 0)),
            pl.BlockSpec((512, 128), lambda i: (0, 0)),
            pl.BlockSpec((1, 128), lambda i: (0, 0)),
            pl.BlockSpec((512, 128), lambda i: (0, 0)),
        ],
        out_specs=[
            pl.BlockSpec((BLK, 128), lambda i: (i, 0)),
            pl.BlockSpec((BLK, 128), lambda i: (i, 0)),
        ],
        out_shape=[
            jax.ShapeDtypeStruct((NP, 128), jnp.float32),
            jax.ShapeDtypeStruct((NP, 128), jnp.float32),
        ],
    )(a0, a1, cntp, x, W1_l, b1, W1_r, W2_l, b2, W2_r)


def _tc_final(a2, cntp, q):

    def kfn(a_r, cnt_r, q_r, o_r):
        cnt16 = jnp.sum(cnt_r[0] + cnt_r[1], axis=1, keepdims=True)
        inv = float(DCH) / jnp.maximum(cnt16, float(DCH))
        s = (a_r[0] + a_r[1]) * inv + q_r[...]
        m = jnp.max(s, axis=-1, keepdims=True)
        e = jnp.exp(s - m)
        o_r[...] = s - m - jnp.log(jnp.sum(e, axis=-1, keepdims=True))

    return pl.pallas_call(
        kfn,
        grid=(GRID,),
        in_specs=[
            pl.BlockSpec((2, BLK, 128), lambda i: (0, i, 0)),
            pl.BlockSpec((2, BLK, DCH), lambda i: (0, i, 0)),
            pl.BlockSpec((BLK, 128), lambda i: (i, 0)),
        ],
        out_specs=pl.BlockSpec((BLK, 128), lambda i: (i, 0)),
        out_shape=jax.ShapeDtypeStruct((NP, 128), jnp.float32),
    )(a2, cntp, q)


def kernel(x, edge_index, W1_l, b1, W1_r, W2_l, b2, W2_r):
    src = edge_index[0].astype(jnp.int32)
    dst = edge_index[1].astype(jnp.int32)
    pad = EPW - N_EDGES // NW
    srcp = jnp.concatenate(
        [src.reshape(NW, N_EDGES // NW),
         jnp.zeros((NW, pad), jnp.int32)], axis=1)
    dstp = jnp.concatenate(
        [dst.reshape(NW, N_EDGES // NW),
         jnp.full((NW, pad), GARBAGE, jnp.int32)], axis=1)
    srcp = srcp.reshape(NW, NBATCH, BATCH)
    dstp3 = dstp.reshape(NW, NBATCH, BATCH)

    x_pad = jnp.zeros((NP, 256), jnp.float32).at[:N_NODES].set(x)
    zeros_h = jnp.zeros((NP, DCH), jnp.float32)
    ones_h = jnp.ones((BATCH, DCH), jnp.float32)

    cntp = _sc_count(dstp3, ones_h, zeros_h)
    a0 = _sc_agg(x_pad[:, :DCH], srcp, dstp3, zeros_h)
    a1 = _sc_agg(x_pad[:, DCH:], srcp, dstp3, zeros_h)
    p, q = _tc_mm1(a0, a1, cntp, x_pad, W1_l, b1.reshape(1, 512), W1_r,
                   W2_l, b2.reshape(1, 128), W2_r)
    a2 = _sc_agg(p, srcp, dstp3, zeros_h)
    out = _tc_final(a2, cntp, q)
    return out[:N_NODES]

# --- scband reference (transcript-rebuilt; emitter-appended) ---
"""Pipeline reference for scband-sage-23699629539719 (READ-ONLY COPY).

The authoritative reference and input builder live on the scoring server;
editing this copy changes nothing except your own understanding.
"""

import jax, jax.numpy as jnp
import numpy as np

N_NODES = 10000
N_EDGES = 160000
D_IN = 256
D_HID = 512
D_OUT = 128


def setup_inputs(seed: int = 0) -> dict:
    key = jax.random.key(seed)
    ks = jax.random.split(key, 8)
    x = jax.random.normal(ks[0], (N_NODES, D_IN), dtype=jnp.float32)
    edge_index = jax.random.randint(ks[1], (2, N_EDGES), 0, N_NODES, dtype=jnp.int64)
    # SAGEConv layer 1: lin_l (on aggregated neighbors, with bias), lin_r (root, no bias)
    s1 = 1.0 / np.sqrt(D_IN)
    W1_l = jax.random.uniform(ks[2], (D_IN, D_HID), jnp.float32, -s1, s1)
    b1 = jax.random.uniform(ks[3], (D_HID,), jnp.float32, -s1, s1)
    W1_r = jax.random.uniform(ks[4], (D_IN, D_HID), jnp.float32, -s1, s1)
    # SAGEConv layer 2
    s2 = 1.0 / np.sqrt(D_HID)
    W2_l = jax.random.uniform(ks[5], (D_HID, D_OUT), jnp.float32, -s2, s2)
    b2 = jax.random.uniform(ks[6], (D_OUT,), jnp.float32, -s2, s2)
    W2_r = jax.random.uniform(ks[7], (D_HID, D_OUT), jnp.float32, -s2, s2)
    return {"x": x, "edge_index": edge_index, "W1_l": W1_l, "b1": b1, "W1_r": W1_r,
            "W2_l": W2_l, "b2": b2, "W2_r": W2_r}


def _sage_conv(h, src, dst, W_l, b_l, W_r, num_nodes):
    # PyG SAGEConv with mean aggregation:
    #   out = lin_l(mean_{j in N(i)} x_j) + lin_r(x_i)
    msg = jnp.take(h, src, axis=0)                                   # gather [E, d]
    agg = jax.ops.segment_sum(msg, dst, num_segments=num_nodes)      # scatter-add
    ones = jnp.ones((src.shape[0], 1), dtype=h.dtype)
    cnt = jax.ops.segment_sum(ones, dst, num_segments=num_nodes)
    mean = agg / jnp.maximum(cnt, 1.0)
    return mean @ W_l + b_l + h @ W_r


def reference(x, edge_index, W1_l, b1, W1_r, W2_l, b2, W2_r):
    src = edge_index[0]
    dst = edge_index[1]
    n = x.shape[0]
    h = _sage_conv(x, src, dst, W1_l, b1, W1_r, n)
    h = jax.nn.relu(h)
    # dropout is identity in eval mode (training=False)
    h = _sage_conv(h, src, dst, W2_l, b2, W2_r, n)
    return jax.nn.log_softmax(h, axis=-1)

if __name__ == "__main__":
    import jax
    _d = setup_inputs()
    print(jax.jit(kernel)(*tuple(_d.values())))

</pallas_src>

<mosaic_0001>
#map = affine_map<(d0, d1) -> (0, 0)>
#map1 = affine_map<(d0, d1) -> (0, 0, 0)>
module attributes {stable_mosaic.version = 14 : i64} {
  func.func @body(%arg0: i32, %arg1: i32, %arg2: memref<10240x128xf32, #tpu.memory_space<hbm>>, %arg3: memref<32x40x128xi32, #tpu.memory_space<hbm>>, %arg4: memref<32x40x128xi32, #tpu.memory_space<hbm>>, %arg5: memref<10240x128xf32, #tpu.memory_space<hbm>>, %arg6: memref<2x10240x128xf32, #tpu.memory_space<hbm>>, %arg7: memref<40x128xi32, #tpu.memory_space<vmem>>, %arg8: memref<40x128xi32, #tpu.memory_space<vmem>>, %arg9: memref<2x128x128xf32, #tpu.memory_space<vmem>>, %arg10: memref<10240x128xf32, #tpu.memory_space<vmem_shared>>, %arg11: memref<2x!tpu.dma_semaphore, #tpu.memory_space<semaphore_mem>>, %arg12: memref<2x!tpu.dma_semaphore, #tpu.memory_space<semaphore_mem>>) attributes {dimension_semantics = [#tpu.dimension_semantics<core_parallel>, #tpu.dimension_semantics<subcore_parallel>], iteration_bounds = array<i64: 2, 16>, scalar_prefetch = 0 : i64, scratch_operands = 6 : i64, tpu.core_type = #tpu.core_type<sc_vector_subcore>, window_params = [{transform_indices = #map}, {transform_indices = #map1}, {transform_indices = #map1}, {transform_indices = #map}, {transform_indices = #map1}]} {
    %mul3A = arith.constant 16 : i32
    %mul3A_0 = arith.muli %arg0, %mul3A : i32
    %add3A = arith.addi %mul3A_0, %arg1 : i32
    %mul3A_1 = arith.constant 640 : i32
    %mul3A_2 = arith.muli %arg1, %mul3A_1 : i32
    "tpu.region"() ({
      %run_scoped3A = tpu.sem_alloc : memref<!tpu.dma_semaphore, #tpu.memory_space<semaphore_mem>>
      %dma_start3A_38 = arith.constant 0 : i32
      %dma_start3A_39 = tpu.memref_slice %arg10[%mul3A_2, %dma_start3A_38] : memref<10240x128xf32, #tpu.memory_space<vmem_shared>> -> memref<640x128xf32, #tpu.memory_space<vmem_shared>>
      %dma_start3A_40 = arith.constant 0 : i32
      %dma_start3A_41 = tpu.memref_slice %arg5[%mul3A_2, %dma_start3A_40] : memref<10240x128xf32, #tpu.memory_space<hbm>> -> memref<640x128xf32, #tpu.memory_space<hbm>>
      tpu.enqueue_dma source(%dma_start3A_41 : memref<640x128xf32, #tpu.memory_space<hbm>>) target(%dma_start3A_39 : memref<640x128xf32, #tpu.memory_space<vmem_shared>>) target_semaphore(%run_scoped3A : memref<!tpu.dma_semaphore, #tpu.memory_space<semaphore_mem>>)
      %dma_wait3A = arith.constant 0 : i32
      %dma_wait3A_42 = tpu.memref_slice %arg10[%mul3A_2, %dma_wait3A] : memref<10240x128xf32, #tpu.memory_space<vmem_shared>> -> memref<640x128xf32, #tpu.memory_space<vmem_shared>>
      %dma_wait3A_43 = arith.constant 0 : i32
      %dma_wait3A_44 = tpu.memref_slice %arg5[%mul3A_2, %dma_wait3A_43] : memref<10240x128xf32, #tpu.memory_space<hbm>> -> memref<640x128xf32, #tpu.memory_space<hbm>>
      tpu.wait_dma2 semaphore(%run_scoped3A : memref<!tpu.dma_semaphore, #tpu.memory_space<semaphore_mem>>) src(%dma_wait3A_44 : memref<640x128xf32, #tpu.memory_space<hbm>>) dst(%dma_wait3A_42 : memref<640x128xf32, #tpu.memory_space<vmem_shared>>)
      tpu.yield
    }) : () -> ()
    "tpu.region"() ({
      %run_scoped3A = tpu.sem_alloc : memref<!tpu.dma_semaphore, #tpu.memory_space<semaphore_mem>>
      %dma_start3A_38 = arith.constant 0 : i32
      %dma_start3A_39 = arith.constant 0 : i32
      %dma_start3A_40 = tpu.memref_slice %arg3[%add3A, %dma_start3A_38, %dma_start3A_39] : memref<32x40x128xi32, #tpu.memory_space<hbm>> -> memref<1x40x128xi32, #tpu.memory_space<hbm>>
      %dma_start3A_41 = tpu.memref_squeeze %dma_start3A_40 : memref<1x40x128xi32, #tpu.memory_space<hbm>> -> memref<40x128xi32, #tpu.memory_space<hbm>>
      %dma_start3A_42 = arith.constant 0 : i32
      %dma_start3A_43 = arith.constant 0 : i32
      %dma_start3A_44 = tpu.memref_slice %arg3[%add3A, %dma_start3A_42, %dma_start3A_43] : memref<32x40x128xi32, #tpu.memory_space<hbm>> -> memref<1x40x128xi32, #tpu.memory_space<hbm>>
      %dma_start3A_45 = tpu.memref_squeeze %dma_start3A_44 : memref<1x40x128xi32, #tpu.memory_space<hbm>> -> memref<40x128xi32, #tpu.memory_space<hbm>>
      tpu.enqueue_dma source(%dma_start3A_45 : memref<40x128xi32, #tpu.memory_space<hbm>>) target(%arg7 : memref<40x128xi32, #tpu.memory_space<vmem>>) target_semaphore(%run_scoped3A : memref<!tpu.dma_semaphore, #tpu.memory_space<semaphore_mem>>)
      %dma_wait3A = arith.constant 0 : i32
      %dma_wait3A_46 = arith.constant 0 : i32
      %dma_wait3A_47 = tpu.memref_slice %arg3[%add3A, %dma_wait3A, %dma_wait3A_46] : memref<32x40x128xi32, #tpu.memory_space<hbm>> -> memref<1x40x128xi32, #tpu.memory_space<hbm>>
      %dma_wait3A_48 = tpu.memref_squeeze %dma_wait3A_47 : memref<1x40x128xi32, #tpu.memory_space<hbm>> -> memref<40x128xi32, #tpu.memory_space<hbm>>
      %dma_wait3A_49 = arith.constant 0 : i32
      %dma_wait3A_50 = arith.constant 0 : i32
      %dma_wait3A_51 = tpu.memref_slice %arg3[%add3A, %dma_wait3A_49, %dma_wait3A_50] : memref<32x40x128xi32, #tpu.memory_space<hbm>> -> memref<1x40x128xi32, #tpu.memory_space<hbm>>
      %dma_wait3A_52 = tpu.memref_squeeze %dma_wait3A_51 : memref<1x40x128xi32, #tpu.memory_space<hbm>> -> memref<40x128xi32, #tpu.memory_space<hbm>>
      tpu.wait_dma2 semaphore(%run_scoped3A : memref<!tpu.dma_semaphore, #tpu.memory_space<semaphore_mem>>) src(%dma_wait3A_52 : memref<40x128xi32, #tpu.memory_space<hbm>>) dst(%arg7 : memref<40x128xi32, #tpu.memory_space<vmem>>)
      tpu.yield
    }) : () -> ()
    "tpu.region"() ({
      %run_scoped3A = tpu.sem_alloc : memref<!tpu.dma_semaphore, #tpu.memory_space<semaphore_mem>>
      %dma_start3A_38 = arith.constant 0 : i32
      %dma_start3A_39 = arith.constant 0 : i32
      %dma_start3A_40 = tpu.memref_slice %arg4[%add3A, %dma_start3A_38, %dma_start3A_39] : memref<32x40x128xi32, #tpu.memory_space<hbm>> -> memref<1x40x128xi32, #tpu.memory_space<hbm>>
      %dma_start3A_41 = tpu.memref_squeeze %dma_start3A_40 : memref<1x40x128xi32, #tpu.memory_space<hbm>> -> memref<40x128xi32, #tpu.memory_space<hbm>>
      %dma_start3A_42 = arith.constant 0 : i32
      %dma_start3A_43 = arith.constant 0 : i32
      %dma_start3A_44 = tpu.memref_slice %arg4[%add3A, %dma_start3A_42, %dma_start3A_43] : memref<32x40x128xi32, #tpu.memory_space<hbm>> -> memref<1x40x128xi32, #tpu.memory_space<hbm>>
      %dma_start3A_45 = tpu.memref_squeeze %dma_start3A_44 : memref<1x40x128xi32, #tpu.memory_space<hbm>> -> memref<40x128xi32, #tpu.memory_space<hbm>>
      tpu.enqueue_dma source(%dma_start3A_45 : memref<40x128xi32, #tpu.memory_space<hbm>>) target(%arg8 : memref<40x128xi32, #tpu.memory_space<vmem>>) target_semaphore(%run_scoped3A : memref<!tpu.dma_semaphore, #tpu.memory_space<semaphore_mem>>)
      %dma_wait3A = arith.constant 0 : i32
      %dma_wait3A_46 = arith.constant 0 : i32
      %dma_wait3A_47 = tpu.memref_slice %arg4[%add3A, %dma_wait3A, %dma_wait3A_46] : memref<32x40x128xi32, #tpu.memory_space<hbm>> -> memref<1x40x128xi32, #tpu.memory_space<hbm>>
      %dma_wait3A_48 = tpu.memref_squeeze %dma_wait3A_47 : memref<1x40x128xi32, #tpu.memory_space<hbm>> -> memref<40x128xi32, #tpu.memory_space<hbm>>
      %dma_wait3A_49 = arith.constant 0 : i32
      %dma_wait3A_50 = arith.constant 0 : i32
      %dma_wait3A_51 = tpu.memref_slice %arg4[%add3A, %dma_wait3A_49, %dma_wait3A_50] : memref<32x40x128xi32, #tpu.memory_space<hbm>> -> memref<1x40x128xi32, #tpu.memory_space<hbm>>
      %dma_wait3A_52 = tpu.memref_squeeze %dma_wait3A_51 : memref<1x40x128xi32, #tpu.memory_space<hbm>> -> memref<40x128xi32, #tpu.memory_space<hbm>>
      tpu.wait_dma2 semaphore(%run_scoped3A : memref<!tpu.dma_semaphore, #tpu.memory_space<semaphore_mem>>) src(%dma_wait3A_52 : memref<40x128xi32, #tpu.memory_space<hbm>>) dst(%arg8 : memref<40x128xi32, #tpu.memory_space<vmem>>)
      tpu.yield
    }) : () -> ()
    %barrier3A = arith.constant 0 : index
    tpu.barrier barrier_id(%barrier3A)
    %dma_start3A = arith.constant 0 : i32
    %dma_start3A_3 = arith.constant 0 : i32
    %dma_start3A_4 = arith.constant 0 : i32
    %dma_start3A_5 = arith.constant 0 : i32
    %dma_start3A_6 = arith.constant 0 : i32
    %dma_start3A_7 = tpu.memref_slice %arg9[%dma_start3A_3, %dma_start3A_5, %dma_start3A_6] : memref<2x128x128xf32, #tpu.memory_space<vmem>> -> memref<1x128x128xf32, #tpu.memory_space<vmem>>
    %dma_start3A_8 = tpu.memref_squeeze %dma_start3A_7 : memref<1x128x128xf32, #tpu.memory_space<vmem>> -> memref<128x128xf32, #tpu.memory_space<vmem>>
    %dma_start3A_9 = arith.constant 0 : i32
    %dma_start3A_10 = tpu.memref_slice %arg7[%dma_start3A, %dma_start3A_9] : memref<40x128xi32, #tpu.memory_space<vmem>> -> memref<1x128xi32, #tpu.memory_space<vmem>>
    %dma_start3A_11 = tpu.memref_squeeze %dma_start3A_10 : memref<1x128xi32, #tpu.memory_space<vmem>> -> memref<128xi32, #tpu.memory_space<vmem>>
    %dma_start3A_12 = arith.constant 0 : i32
    %dma_start3A_13 = arith.constant 0 : i32
    %dma_start3A_14 = tpu.memref_slice %arg2[%dma_start3A_12, %dma_start3A_13] : memref<10240x128xf32, #tpu.memory_space<hbm>> -> memref<10240x128xf32, #tpu.memory_space<hbm>>
    %dma_start3A_15 = tpu.memref_slice %arg11[%dma_start3A_4] : memref<2x!tpu.dma_semaphore, #tpu.memory_space<semaphore_mem>> -> memref<1x!tpu.dma_semaphore, #tpu.memory_space<semaphore_mem>>
    %dma_start3A_16 = tpu.memref_squeeze %dma_start3A_15 : memref<1x!tpu.dma_semaphore, #tpu.memory_space<semaphore_mem>> -> memref<!tpu.dma_semaphore, #tpu.memory_space<semaphore_mem>>
    tpu.enqueue_indirect_dma source(%dma_start3A_14 : memref<10240x128xf32, #tpu.memory_space<hbm>>) target(%dma_start3A_8 : memref<128x128xf32, #tpu.memory_space<vmem>>) offsets(%dma_start3A_11 : memref<128xi32, #tpu.memory_space<vmem>>) semaphore(%dma_start3A_16 : memref<!tpu.dma_semaphore, #tpu.memory_space<semaphore_mem>>)
    %dma_start3A_17 = arith.constant 1 : i32
    %dma_start3A_18 = arith.constant 1 : i32
    %dma_start3A_19 = arith.constant 1 : i32
    %dma_start3A_20 = arith.constant 0 : i32
    %dma_start3A_21 = arith.constant 0 : i32
    %dma_start3A_22 = tpu.memref_slice %arg9[%dma_start3A_18, %dma_start3A_20, %dma_start3A_21] : memref<2x128x128xf32, #tpu.memory_space<vmem>> -> memref<1x128x128xf32, #tpu.memory_space<vmem>>
    %dma_start3A_23 = tpu.memref_squeeze %dma_start3A_22 : memref<1x128x128xf32, #tpu.memory_space<vmem>> -> memref<128x128xf32, #tpu.memory_space<vmem>>
    %dma_start3A_24 = arith.constant 0 : i32
    %dma_start3A_25 = tpu.memref_slice %arg7[%dma_start3A_17, %dma_start3A_24] : memref<40x128xi32, #tpu.memory_space<vmem>> -> memref<1x128xi32, #tpu.memory_space<vmem>>
    %dma_start3A_26 = tpu.memref_squeeze %dma_start3A_25 : memref<1x128xi32, #tpu.memory_space<vmem>> -> memref<128xi32, #tpu.memory_space<vmem>>
    %dma_start3A_27 = arith.constant 0 : i32
    %dma_start3A_28 = arith.constant 0 : i32
    %dma_start3A_29 = tpu.memref_slice %arg2[%dma_start3A_27, %dma_start3A_28] : memref<10240x128xf32, #tpu.memory_space<hbm>> -> memref<10240x128xf32, #tpu.memory_space<hbm>>
    %dma_start3A_30 = tpu.memref_slice %arg11[%dma_start3A_19] : memref<2x!tpu.dma_semaphore, #tpu.memory_space<semaphore_mem>> -> memref<1x!tpu.dma_semaphore, #tpu.memory_space<semaphore_mem>>
    %dma_start3A_31 = tpu.memref_squeeze %dma_start3A_30 : memref<1x!tpu.dma_semaphore, #tpu.memory_space<semaphore_mem>> -> memref<!tpu.dma_semaphore, #tpu.memory_space<semaphore_mem>>
    tpu.enqueue_indirect_dma source(%dma_start3A_29 : memref<10240x128xf32, #tpu.memory_space<hbm>>) target(%dma_start3A_23 : memref<128x128xf32, #tpu.memory_space<vmem>>) offsets(%dma_start3A_26 : memref<128xi32, #tpu.memory_space<vmem>>) semaphore(%dma_start3A_31 : memref<!tpu.dma_semaphore, #tpu.memory_space<semaphore_mem>>)
    %scan3A = arith.constant 0 : i32
    %scan3A_32 = arith.constant 0 : i32
    %scan3A_33 = arith.constant 20 : i32
    %scan3A_34 = arith.addi %scan3A_32, %scan3A_33 : i32
    %scan3A_35 = arith.constant 1 : i32
    scf.for %scan3A_38 = %scan3A_32 to %scan3A_34 step %scan3A_35  : i32 {
      %mul3A_39 = arith.constant 2 : i32
      %mul3A_40 = arith.muli %scan3A_38, %mul3A_39 : i32
      %add3A_41 = arith.constant 0 : i32
      %add3A_42 = arith.addi %mul3A_40, %add3A_41 : i32
      %dma_wait3A = arith.constant 0 : i32
      %dma_wait3A_43 = arith.constant 0 : i32
      %dma_wait3A_44 = arith.constant 0 : i32
      %dma_wait3A_45 = arith.constant 0 : i32
      %dma_wait3A_46 = tpu.memref_slice %arg9[%dma_wait3A, %dma_wait3A_44, %dma_wait3A_45] : memref<2x128x128xf32, #tpu.memory_space<vmem>> -> memref<1x128x128xf32, #tpu.memory_space<vmem>>
      %dma_wait3A_47 = tpu.memref_squeeze %dma_wait3A_46 : memref<1x128x128xf32, #tpu.memory_space<vmem>> -> memref<128x128xf32, #tpu.memory_space<vmem>>
      %dma_wait3A_48 = arith.constant 0 : i32
      %dma_wait3A_49 = tpu.memref_slice %arg7[%add3A_42, %dma_wait3A_48] : memref<40x128xi32, #tpu.memory_space<vmem>> -> memref<1x128xi32, #tpu.memory_space<vmem>>
      %dma_wait3A_50 = tpu.memref_squeeze %dma_wait3A_49 : memref<1x128xi32, #tpu.memory_space<vmem>> -> memref<128xi32, #tpu.memory_space<vmem>>
      %dma_wait3A_51 = arith.constant 0 : i32
      %dma_wait3A_52 = arith.constant 0 : i32
      %dma_wait3A_53 = tpu.memref_slice %arg2[%dma_wait3A_51, %dma_wait3A_52] : memref<10240x128xf32, #tpu.memory_space<hbm>> -> memref<10240x128xf32, #tpu.memory_space<hbm>>
      %dma_wait3A_54 = tpu.memref_slice %arg11[%dma_wait3A_43] : memref<2x!tpu.dma_semaphore, #tpu.memory_space<semaphore_mem>> -> memref<1x!tpu.dma_semaphore, #tpu.memory_space<semaphore_mem>>
      %dma_wait3A_55 = tpu.memref_squeeze %dma_wait3A_54 : memref<1x!tpu.dma_semaphore, #tpu.memory_space<semaphore_mem>> -> memref<!tpu.dma_semaphore, #tpu.memory_space<semaphore_mem>>
      tpu.wait_indirect_dma semaphore(%dma_wait3A_55 : memref<!tpu.dma_semaphore, #tpu.memory_space<semaphore_mem>>) src(%dma_wait3A_53 : memref<10240x128xf32, #tpu.memory_space<hbm>>) dst(%dma_wait3A_47 : memref<128x128xf32, #tpu.memory_space<vmem>>)
      %dma_start3A_56 = arith.constant 0 : i32
      %dma_start3A_57 = arith.constant 0 : i32
      %dma_start3A_58 = arith.constant 0 : i32
      %dma_start3A_59 = arith.constant 0 : i32
      %dma_start3A_60 = tpu.memref_slice %arg9[%dma_start3A_56, %dma_start3A_58, %dma_start3A_59] : memref<2x128x128xf32, #tpu.memory_space<vmem>> -> memref<1x128x128xf32, #tpu.memory_space<vmem>>
      %dma_start3A_61 = tpu.memref_squeeze %dma_start3A_60 : memref<1x128x128xf32, #tpu.memory_space<vmem>> -> memref<128x128xf32, #tpu.memory_space<vmem>>
      %dma_start3A_62 = arith.constant 0 : i32
      %dma_start3A_63 = tpu.memref_slice %arg8[%add3A_42, %dma_start3A_62] : memref<40x128xi32, #tpu.memory_space<vmem>> -> memref<1x128xi32, #tpu.memory_space<vmem>>
      %dma_start3A_64 = tpu.memref_squeeze %dma_start3A_63 : memref<1x128xi32, #tpu.memory_space<vmem>> -> memref<128xi32, #tpu.memory_space<vmem>>
      %dma_start3A_65 = arith.constant 0 : i32
      %dma_start3A_66 = arith.constant 0 : i32
      %dma_start3A_67 = tpu.memref_slice %arg10[%dma_start3A_65, %dma_start3A_66] : memref<10240x128xf32, #tpu.memory_space<vmem_shared>> -> memref<10240x128xf32, #tpu.memory_space<vmem_shared>>
      %dma_start3A_68 = tpu.memref_slice %arg12[%dma_start3A_57] : memref<2x!tpu.dma_semaphore, #tpu.memory_space<semaphore_mem>> -> memref<1x!tpu.dma_semaphore, #tpu.memory_space<semaphore_mem>>
      %dma_start3A_69 = tpu.memref_squeeze %dma_start3A_68 : memref<1x!tpu.dma_semaphore, #tpu.memory_space<semaphore_mem>> -> memref<!tpu.dma_semaphore, #tpu.memory_space<semaphore_mem>>
      tpu.enqueue_indirect_dma source(%dma_start3A_61 : memref<128x128xf32, #tpu.memory_space<vmem>>) target(%dma_start3A_67 : memref<10240x128xf32, #tpu.memory_space<vmem_shared>>) offsets(%dma_start3A_64 : memref<128xi32, #tpu.memory_space<vmem>>) semaphore(%dma_start3A_69 : memref<!tpu.dma_semaphore, #tpu.memory_space<semaphore_mem>>) {add = true}
      %mul3A_70 = arith.constant 2 : i32
      %mul3A_71 = arith.muli %scan3A_38, %mul3A_70 : i32
      %add3A_72 = arith.constant 1 : i32
      %add3A_73 = arith.addi %mul3A_71, %add3A_72 : i32
      %dma_wait3A_74 = arith.constant 1 : i32
      %dma_wait3A_75 = arith.constant 1 : i32
      %dma_wait3A_76 = arith.constant 0 : i32
      %dma_wait3A_77 = arith.constant 0 : i32
      %dma_wait3A_78 = tpu.memref_slice %arg9[%dma_wait3A_74, %dma_wait3A_76, %dma_wait3A_77] : memref<2x128x128xf32, #tpu.memory_space<vmem>> -> memref<1x128x128xf32, #tpu.memory_space<vmem>>
      %dma_wait3A_79 = tpu.memref_squeeze %dma_wait3A_78 : memref<1x128x128xf32, #tpu.memory_space<vmem>> -> memref<128x128xf32, #tpu.memory_space<vmem>>
      %dma_wait3A_80 = arith.constant 0 : i32
      %dma_wait3A_81 = tpu.memref_slice %arg7[%add3A_73, %dma_wait3A_80] : memref<40x128xi32, #tpu.memory_space<vmem>> -> memref<1x128xi32, #tpu.memory_space<vmem>>
      %dma_wait3A_82 = tpu.memref_squeeze %dma_wait3A_81 : memref<1x128xi32, #tpu.memory_space<vmem>> -> memref<128xi32, #tpu.memory_space<vmem>>
      %dma_wait3A_83 = arith.constant 0 : i32
      %dma_wait3A_84 = arith.constant 0 : i32
      %dma_wait3A_85 = tpu.memref_slice %arg2[%dma_wait3A_83, %dma_wait3A_84] : memref<10240x128xf32, #tpu.memory_space<hbm>> -> memref<10240x128xf32, #tpu.memory_space<hbm>>
      %dma_wait3A_86 = tpu.memref_slice %arg11[%dma_wait3A_75] : memref<2x!tpu.dma_semaphore, #tpu.memory_space<semaphore_mem>> -> memref<1x!tpu.dma_semaphore, #tpu.memory_space<semaphore_mem>>
      %dma_wait3A_87 = tpu.memref_squeeze %dma_wait3A_86 : memref<1x!tpu.dma_semaphore, #tpu.memory_space<semaphore_mem>> -> memref<!tpu.dma_semaphore, #tpu.memory_space<semaphore_mem>>
      tpu.wait_indirect_dma semaphore(%dma_wait3A_87 : memref<!tpu.dma_semaphore, #tpu.memory_space<semaphore_mem>>) src(%dma_wait3A_85 : memref<10240x128xf32, #tpu.memory_space<hbm>>) dst(%dma_wait3A_79 : memref<128x128xf32, #tpu.memory_space<vmem>>)
      %dma_start3A_88 = arith.constant 1 : i32
      %dma_start3A_89 = arith.constant 1 : i32
      %dma_start3A_90 = arith.constant 0 : i32
      %dma_start3A_91 = arith.constant 0 : i32
      %dma_start3A_92 = tpu.memref_slice %arg9[%dma_start3A_88, %dma_start3A_90, %dma_start3A_91] : memref<2x128x128xf32, #tpu.memory_space<vmem>> -> memref<1x128x128xf32, #tpu.memory_space<vmem>>
      %dma_start3A_93 = tpu.memref_squeeze %dma_start3A_92 : memref<1x128x128xf32, #tpu.memory_space<vmem>> -> memref<128x128xf32, #tpu.memory_space<vmem>>
      %dma_start3A_94 = arith.constant 0 : i32
      %dma_start3A_95 = tpu.memref_slice %arg8[%add3A_73, %dma_start3A_94] : memref<40x128xi32, #tpu.memory_space<vmem>> -> memref<1x128xi32, #tpu.memory_space<vmem>>
      %dma_start3A_96 = tpu.memref_squeeze %dma_start3A_95 : memref<1x128xi32, #tpu.memory_space<vmem>> -> memref<128xi32, #tpu.memory_space<vmem>>
      %dma_start3A_97 = arith.constant 0 : i32
      %dma_start3A_98 = arith.constant 0 : i32
      %dma_start3A_99 = tpu.memref_slice %arg10[%dma_start3A_97, %dma_start3A_98] : memref<10240x128xf32, #tpu.memory_space<vmem_shared>> -> memref<10240x128xf32, #tpu.memory_space<vmem_shared>>
      %dma_start3A_100 = tpu.memref_slice %arg12[%dma_start3A_89] : memref<2x!tpu.dma_semaphore, #tpu.memory_space<semaphore_mem>> -> memref<1x!tpu.dma_semaphore, #tpu.memory_space<semaphore_mem>>
      %dma_start3A_101 = tpu.memref_squeeze %dma_start3A_100 : memref<1x!tpu.dma_semaphore, #tpu.memory_space<semaphore_mem>> -> memref<!tpu.dma_semaphore, #tpu.memory_space<semaphore_mem>>
      tpu.enqueue_indirect_dma source(%dma_start3A_93 : memref<128x128xf32, #tpu.memory_space<vmem>>) target(%dma_start3A_99 : memref<10240x128xf32, #tpu.memory_space<vmem_shared>>) offsets(%dma_start3A_96 : memref<128xi32, #tpu.memory_space<vmem>>) semaphore(%dma_start3A_101 : memref<!tpu.dma_semaphore, #tpu.memory_space<semaphore_mem>>) {add = true}
      %mul3A_102 = arith.constant 2 : i32
      %mul3A_103 = arith.muli %scan3A_38, %mul3A_102 : i32
      %add3A_104 = arith.constant 0 : i32
      %add3A_105 = arith.addi %mul3A_103, %add3A_104 : i32
      %dma_wait3A_106 = arith.constant 0 : i32
      %dma_wait3A_107 = arith.constant 0 : i32
      %dma_wait3A_108 = arith.constant 0 : i32
      %dma_wait3A_109 = arith.constant 0 : i32
      %dma_wait3A_110 = tpu.memref_slice %arg9[%dma_wait3A_106, %dma_wait3A_108, %dma_wait3A_109] : memref<2x128x128xf32, #tpu.memory_space<vmem>> -> memref<1x128x128xf32, #tpu.memory_space<vmem>>
      %dma_wait3A_111 = tpu.memref_squeeze %dma_wait3A_110 : memref<1x128x128xf32, #tpu.memory_space<vmem>> -> memref<128x128xf32, #tpu.memory_space<vmem>>
      %dma_wait3A_112 = arith.constant 0 : i32
      %dma_wait3A_113 = tpu.memref_slice %arg8[%add3A_105, %dma_wait3A_112] : memref<40x128xi32, #tpu.memory_space<vmem>> -> memref<1x128xi32, #tpu.memory_space<vmem>>
      %dma_wait3A_114 = tpu.memref_squeeze %dma_wait3A_113 : memref<1x128xi32, #tpu.memory_space<vmem>> -> memref<128xi32, #tpu.memory_space<vmem>>
      %dma_wait3A_115 = arith.constant 0 : i32
      %dma_wait3A_116 = arith.constant 0 : i32
      %dma_wait3A_117 = tpu.memref_slice %arg10[%dma_wait3A_115, %dma_wait3A_116] : memref<10240x128xf32, #tpu.memory_space<vmem_shared>> -> memref<10240x128xf32, #tpu.memory_space<vmem_shared>>
      %dma_wait3A_118 = tpu.memref_slice %arg12[%dma_wait3A_107] : memref<2x!tpu.dma_semaphore, #tpu.memory_space<semaphore_mem>> -> memref<1x!tpu.dma_semaphore, #tpu.memory_space<semaphore_mem>>
      %dma_wait3A_119 = tpu.memref_squeeze %dma_wait3A_118 : memref<1x!tpu.dma_semaphore, #tpu.memory_space<semaphore_mem>> -> memref<!tpu.dma_semaphore, #tpu.memory_space<semaphore_mem>>
      tpu.wait_indirect_dma semaphore(%dma_wait3A_119 : memref<!tpu.dma_semaphore, #tpu.memory_space<semaphore_mem>>) src(%dma_wait3A_111 : memref<128x128xf32, #tpu.memory_space<vmem>>) dst(%dma_wait3A_117 : memref<10240x128xf32, #tpu.memory_space<vmem_shared>>)
      %add3A_120 = arith.constant 2 : i32
      %add3A_121 = arith.addi %add3A_105, %add3A_120 : i32
      %lt3A = arith.constant 40 : i32
      %lt3A_122 = arith.cmpi slt, %add3A_121, %lt3A : i32
      %convert_element_type3A = arith.extui %lt3A_122 : i1 to i32
      %cond3A = arith.constant 0 : i32
      %cond3A_123 = arith.cmpi ne, %convert_element_type3A, %cond3A : i32
      scf.if %cond3A_123 {
        %dma_start3A_149 = arith.constant 0 : i32
        %dma_start3A_150 = arith.constant 0 : i32
        %dma_start3A_151 = arith.constant 0 : i32
        %dma_start3A_152 = arith.constant 0 : i32
        %dma_start3A_153 = tpu.memref_slice %arg9[%dma_start3A_149, %dma_start3A_151, %dma_start3A_152] : memref<2x128x128xf32, #tpu.memory_space<vmem>> -> memref<1x128x128xf32, #tpu.memory_space<vmem>>
        %dma_start3A_154 = tpu.memref_squeeze %dma_start3A_153 : memref<1x128x128xf32, #tpu.memory_space<vmem>> -> memref<128x128xf32, #tpu.memory_space<vmem>>
        %dma_start3A_155 = arith.constant 0 : i32
        %dma_start3A_156 = tpu.memref_slice %arg7[%add3A_121, %dma_start3A_155] : memref<40x128xi32, #tpu.memory_space<vmem>> -> memref<1x128xi32, #tpu.memory_space<vmem>>
        %dma_start3A_157 = tpu.memref_squeeze %dma_start3A_156 : memref<1x128xi32, #tpu.memory_space<vmem>> -> memref<128xi32, #tpu.memory_space<vmem>>
        %dma_start3A_158 = arith.constant 0 : i32
        %dma_start3A_159 = arith.constant 0 : i32
        %dma_start3A_160 = tpu.memref_slice %arg2[%dma_start3A_158, %dma_start3A_159] : memref<10240x128xf32, #tpu.memory_space<hbm>> -> memref<10240x128xf32, #tpu.memory_space<hbm>>
        %dma_start3A_161 = tpu.memref_slice %arg11[%dma_start3A_150] : memref<2x!tpu.dma_semaphore, #tpu.memory_space<semaphore_mem>> -> memref<1x!tpu.dma_semaphore, #tpu.memory_space<semaphore_mem>>
        %dma_start3A_162 = tpu.memref_squeeze %dma_start3A_161 : memref<1x!tpu.dma_semaphore, #tpu.memory_space<semaphore_mem>> -> memref<!tpu.dma_semaphore, #tpu.memory_space<semaphore_mem>>
        tpu.enqueue_indirect_dma source(%dma_start3A_160 : memref<10240x128xf32, #tpu.memory_space<hbm>>) target(%dma_start3A_154 : memref<128x128xf32, #tpu.memory_space<vmem>>) offsets(%dma_start3A_157 : memref<128xi32, #tpu.memory_space<vmem>>) semaphore(%dma_start3A_162 : memref<!tpu.dma_semaphore, #tpu.memory_space<semaphore_mem>>)
      } else {
      }
      %mul3A_124 = arith.constant 2 : i32
      %mul3A_125 = arith.muli %scan3A_38, %mul3A_124 : i32
      %add3A_126 = arith.constant 1 : i32
      %add3A_127 = arith.addi %mul3A_125, %add3A_126 : i32
      %dma_wait3A_128 = arith.constant 1 : i32
      %dma_wait3A_129 = arith.constant 1 : i32
      %dma_wait3A_130 = arith.constant 0 : i32
      %dma_wait3A_131 = arith.constant 0 : i32
      %dma_wait3A_132 = tpu.memref_slice %arg9[%dma_wait3A_128, %dma_wait3A_130, %dma_wait3A_131] : memref<2x128x128xf32, #tpu.memory_space<vmem>> -> memref<1x128x128xf32, #tpu.memory_space<vmem>>
      %dma_wait3A_133 = tpu.memref_squeeze %dma_wait3A_132 : memref<1x128x128xf32, #tpu.memory_space<vmem>> -> memref<128x128xf32, #tpu.memory_space<vmem>>
      %dma_wait3A_134 = arith.constant 0 : i32
      %dma_wait3A_135 = tpu.memref_slice %arg8[%add3A_127, %dma_wait3A_134] : memref<40x128xi32, #tpu.memory_space<vmem>> -> memref<1x128xi32, #tpu.memory_space<vmem>>
      %dma_wait3A_136 = tpu.memref_squeeze %dma_wait3A_135 : memref<1x128xi32, #tpu.memory_space<vmem>> -> memref<128xi32, #tpu.memory_space<vmem>>
      %dma_wait3A_137 = arith.constant 0 : i32
      %dma_wait3A_138 = arith.constant 0 : i32
      %dma_wait3A_139 = tpu.memref_slice %arg10[%dma_wait3A_137, %dma_wait3A_138] : memref<10240x128xf32, #tpu.memory_space<vmem_shared>> -> memref<10240x128xf32, #tpu.memory_space<vmem_shared>>
      %dma_wait3A_140 = tpu.memref_slice %arg12[%dma_wait3A_129] : memref<2x!tpu.dma_semaphore, #tpu.memory_space<semaphore_mem>> -> memref<1x!tpu.dma_semaphore, #tpu.memory_space<semaphore_mem>>
      %dma_wait3A_141 = tpu.memref_squeeze %dma_wait3A_140 : memref<1x!tpu.dma_semaphore, #tpu.memory_space<semaphore_mem>> -> memref<!tpu.dma_semaphore, #tpu.memory_space<semaphore_mem>>
      tpu.wait_indirect_dma semaphore(%dma_wait3A_141 : memref<!tpu.dma_semaphore, #tpu.memory_space<semaphore_mem>>) src(%dma_wait3A_133 : memref<128x128xf32, #tpu.memory_space<vmem>>) dst(%dma_wait3A_139 : memref<10240x128xf32, #tpu.memory_space<vmem_shared>>)
      %add3A_142 = arith.constant 2 : i32
      %add3A_143 = arith.addi %add3A_127, %add3A_142 : i32
      %lt3A_144 = arith.constant 40 : i32
      %lt3A_145 = arith.cmpi slt, %add3A_143, %lt3A_144 : i32
      %convert_element_type3A_146 = arith.extui %lt3A_145 : i1 to i32
      %cond3A_147 = arith.constant 0 : i32
      %cond3A_148 = arith.cmpi ne, %convert_element_type3A_146, %cond3A_147 : i32
      scf.if %cond3A_148 {
        %dma_start3A_149 = arith.constant 1 : i32
        %dma_start3A_150 = arith.constant 1 : i32
        %dma_start3A_151 = arith.constant 0 : i32
        %dma_start3A_152 = arith.constant 0 : i32
        %dma_start3A_153 = tpu.memref_slice %arg9[%dma_start3A_149, %dma_start3A_151, %dma_start3A_152] : memref<2x128x128xf32, #tpu.memory_space<vmem>> -> memref<1x128x128xf32, #tpu.memory_space<vmem>>
        %dma_start3A_154 = tpu.memref_squeeze %dma_start3A_153 : memref<1x128x128xf32, #tpu.memory_space<vmem>> -> memref<128x128xf32, #tpu.memory_space<vmem>>
        %dma_start3A_155 = arith.constant 0 : i32
        %dma_start3A_156 = tpu.memref_slice %arg7[%add3A_143, %dma_start3A_155] : memref<40x128xi32, #tpu.memory_space<vmem>> -> memref<1x128xi32, #tpu.memory_space<vmem>>
        %dma_start3A_157 = tpu.memref_squeeze %dma_start3A_156 : memref<1x128xi32, #tpu.memory_space<vmem>> -> memref<128xi32, #tpu.memory_space<vmem>>
        %dma_start3A_158 = arith.constant 0 : i32
        %dma_start3A_159 = arith.constant 0 : i32
        %dma_start3A_160 = tpu.memref_slice %arg2[%dma_start3A_158, %dma_start3A_159] : memref<10240x128xf32, #tpu.memory_space<hbm>> -> memref<10240x128xf32, #tpu.memory_space<hbm>>
        %dma_start3A_161 = tpu.memref_slice %arg11[%dma_start3A_150] : memref<2x!tpu.dma_semaphore, #tpu.memory_space<semaphore_mem>> -> memref<1x!tpu.dma_semaphore, #tpu.memory_space<semaphore_mem>>
        %dma_start3A_162 = tpu.memref_squeeze %dma_start3A_161 : memref<1x!tpu.dma_semaphore, #tpu.memory_space<semaphore_mem>> -> memref<!tpu.dma_semaphore, #tpu.memory_space<semaphore_mem>>
        tpu.enqueue_indirect_dma source(%dma_start3A_160 : memref<10240x128xf32, #tpu.memory_space<hbm>>) target(%dma_start3A_154 : memref<128x128xf32, #tpu.memory_space<vmem>>) offsets(%dma_start3A_157 : memref<128xi32, #tpu.memory_space<vmem>>) semaphore(%dma_start3A_162 : memref<!tpu.dma_semaphore, #tpu.memory_space<semaphore_mem>>)
      } else {
      }
    }
    %scan3A_36 = arith.constant 20 : i32
    %barrier3A_37 = arith.constant 0 : index
    tpu.barrier barrier_id(%barrier3A_37)
    "tpu.region"() ({
      %run_scoped3A = tpu.sem_alloc : memref<!tpu.dma_semaphore, #tpu.memory_space<semaphore_mem>>
      %dma_start3A_38 = arith.constant 0 : i32
      %dma_start3A_39 = tpu.memref_slice %arg6[%arg0, %mul3A_2, %dma_start3A_38] : memref<2x10240x128xf32, #tpu.memory_space<hbm>> -> memref<1x640x128xf32, #tpu.memory_space<hbm>>
      %dma_start3A_40 = tpu.memref_squeeze %dma_start3A_39 : memref<1x640x128xf32, #tpu.memory_space<hbm>> -> memref<640x128xf32, #tpu.memory_space<hbm>>
      %dma_start3A_41 = arith.constant 0 : i32
      %dma_start3A_42 = tpu.memref_slice %arg10[%mul3A_2, %dma_start3A_41] : memref<10240x128xf32, #tpu.memory_space<vmem_shared>> -> memref<640x128xf32, #tpu.memory_space<vmem_shared>>
      tpu.enqueue_dma source(%dma_start3A_42 : memref<640x128xf32, #tpu.memory_space<vmem_shared>>) target(%dma_start3A_40 : memref<640x128xf32, #tpu.memory_space<hbm>>) target_semaphore(%run_scoped3A : memref<!tpu.dma_semaphore, #tpu.memory_space<semaphore_mem>>)
      %dma_wait3A = arith.constant 0 : i32
      %dma_wait3A_43 = tpu.memref_slice %arg6[%arg0, %mul3A_2, %dma_wait3A] : memref<2x10240x128xf32, #tpu.memory_space<hbm>> -> memref<1x640x128xf32, #tpu.memory_space<hbm>>
      %dma_wait3A_44 = tpu.memref_squeeze %dma_wait3A_43 : memref<1x640x128xf32, #tpu.memory_space<hbm>> -> memref<640x128xf32, #tpu.memory_space<hbm>>
      %dma_wait3A_45 = arith.constant 0 : i32
      %dma_wait3A_46 = tpu.memref_slice %arg10[%mul3A_2, %dma_wait3A_45] : memref<10240x128xf32, #tpu.memory_space<vmem_shared>> -> memref<640x128xf32, #tpu.memory_space<vmem_shared>>
      tpu.wait_dma2 semaphore(%run_scoped3A : memref<!tpu.dma_semaphore, #tpu.memory_space<semaphore_mem>>) src(%dma_wait3A_46 : memref<640x128xf32, #tpu.memory_space<vmem_shared>>) dst(%dma_wait3A_44 : memref<640x128xf32, #tpu.memory_space<hbm>>)
      tpu.yield
    }) : () -> ()
    return
  }
}

#map = affine_map<(d0, d1) -> (0, 0)>
#map1 = affine_map<(d0, d1) -> (0, 0, 0)>
module attributes {stable_mosaic.version = 14 : i64} {
  func.func @body(%arg0: i32, %arg1: i32, %arg2: memref<10240x128xf32, #tpu.memory_space<hbm>>, %arg3: memref<32x40x128xi32, #tpu.memory_space<hbm>>, %arg4: memref<32x40x128xi32, #tpu.memory_space<hbm>>, %arg5: memref<10240x128xf32, #tpu.memory_space<hbm>>, %arg6: memref<2x10240x128xf32, #tpu.memory_space<hbm>>, %arg7: memref<40x128xi32, #tpu.memory_space<vmem>>, %arg8: memref<40x128xi32, #tpu.memory_space<vmem>>, %arg9: memref<2x128x128xf32, #tpu.memory_space<vmem>>, %arg10: memref<10240x128xf32, #tpu.memory_space<vmem_shared>>, %arg11: memref<2x!tpu.dma_semaphore, #tpu.memory_space<semaphore_mem>>, %arg12: memref<2x!tpu.dma_semaphore, #tpu.memory_space<semaphore_mem>>) attributes {dimension_semantics = [#tpu.dimension_semantics<core_parallel>, #tpu.dimension_semantics<subcore_parallel>], iteration_bounds = array<i64: 2, 16>, scalar_prefetch = 0 : i64, scratch_operands = 6 : i64, tpu.core_type = #tpu.core_type<sc_vector_subcore>, window_params = [{transform_indices = #map}, {transform_indices = #map1}, {transform_indices = #map1}, {transform_indices = #map}, {transform_indices = #map1}]} {
    %mul3A = arith.constant 16 : i32
    %mul3A_0 = arith.muli %arg0, %mul3A : i32
    %add3A = arith.addi %mul3A_0, %arg1 : i32
    %mul3A_1 = arith.constant 640 : i32
    %mul3A_2 = arith.muli %arg1, %mul3A_1 : i32
    "tpu.region"() ({
      %run_scoped3A = tpu.sem_alloc : memref<!tpu.dma_semaphore, #tpu.memory_space<semaphore_mem>>
      %dma_start3A_38 = arith.constant 0 : i32
      %dma_start3A_39 = tpu.memref_slice %arg10[%mul3A_2, %dma_start3A_38] : memref<10240x128xf32, #tpu.memory_space<vmem_shared>> -> memref<640x128xf32, #tpu.memory_space<vmem_shared>>
      %dma_start3A_40 = arith.constant 0 : i32
      %dma_start3A_41 = tpu.memref_slice %arg5[%mul3A_2, %dma_start3A_40] : memref<10240x128xf32, #tpu.memory_space<hbm>> -> memref<640x128xf32, #tpu.memory_space<hbm>>
      tpu.enqueue_dma source(%dma_start3A_41 : memref<640x128xf32, #tpu.memory_space<hbm>>) target(%dma_start3A_39 : memref<640x128xf32, #tpu.memory_space<vmem_shared>>) target_semaphore(%run_scoped3A : memref<!tpu.dma_semaphore, #tpu.memory_space<semaphore_mem>>)
      %dma_wait3A = arith.constant 0 : i32
      %dma_wait3A_42 = tpu.memref_slice %arg10[%mul3A_2, %dma_wait3A] : memref<10240x128xf32, #tpu.memory_space<vmem_shared>> -> memref<640x128xf32, #tpu.memory_space<vmem_shared>>
      %dma_wait3A_43 = arith.constant 0 : i32
      %dma_wait3A_44 = tpu.memref_slice %arg5[%mul3A_2, %dma_wait3A_43] : memref<10240x128xf32, #tpu.memory_space<hbm>> -> memref<640x128xf32, #tpu.memory_space<hbm>>
      tpu.wait_dma2 semaphore(%run_scoped3A : memref<!tpu.dma_semaphore, #tpu.memory_space<semaphore_mem>>) src(%dma_wait3A_44 : memref<640x128xf32, #tpu.memory_space<hbm>>) dst(%dma_wait3A_42 : memref<640x128xf32, #tpu.memory_space<vmem_shared>>)
      tpu.yield
    }) : () -> ()
    "tpu.region"() ({
      %run_scoped3A = tpu.sem_alloc : memref<!tpu.dma_semaphore, #tpu.memory_space<semaphore_mem>>
      %dma_start3A_38 = arith.constant 0 : i32
      %dma_start3A_39 = arith.constant 0 : i32
      %dma_start3A_40 = tpu.memref_slice %arg3[%add3A, %dma_start3A_38, %dma_start3A_39] : memref<32x40x128xi32, #tpu.memory_space<hbm>> -> memref<1x40x128xi32, #tpu.memory_space<hbm>>
      %dma_start3A_41 = tpu.memref_squeeze %dma_start3A_40 : memref<1x40x128xi32, #tpu.memory_space<hbm>> -> memref<40x128xi32, #tpu.memory_space<hbm>>
      %dma_start3A_42 = arith.constant 0 : i32
      %dma_start3A_43 = arith.constant 0 : i32
      %dma_start3A_44 = tpu.memref_slice %arg3[%add3A, %dma_start3A_42, %dma_start3A_43] : memref<32x40x128xi32, #tpu.memory_space<hbm>> -> memref<1x40x128xi32, #tpu.memory_space<hbm>>
      %dma_start3A_45 = tpu.memref_squeeze %dma_start3A_44 : memref<1x40x128xi32, #tpu.memory_space<hbm>> -> memref<40x128xi32, #tpu.memory_space<hbm>>
      tpu.enqueue_dma source(%dma_start3A_45 : memref<40x128xi32, #tpu.memory_space<hbm>>) target(%arg7 : memref<40x128xi32, #tpu.memory_space<vmem>>) target_semaphore(%run_scoped3A : memref<!tpu.dma_semaphore, #tpu.memory_space<semaphore_mem>>)
      %dma_wait3A = arith.constant 0 : i32
      %dma_wait3A_46 = arith.constant 0 : i32
      %dma_wait3A_47 = tpu.memref_slice %arg3[%add3A, %dma_wait3A, %dma_wait3A_46] : memref<32x40x128xi32, #tpu.memory_space<hbm>> -> memref<1x40x128xi32, #tpu.memory_space<hbm>>
      %dma_wait3A_48 = tpu.memref_squeeze %dma_wait3A_47 : memref<1x40x128xi32, #tpu.memory_space<hbm>> -> memref<40x128xi32, #tpu.memory_space<hbm>>
      %dma_wait3A_49 = arith.constant 0 : i32
      %dma_wait3A_50 = arith.constant 0 : i32
      %dma_wait3A_51 = tpu.memref_slice %arg3[%add3A, %dma_wait3A_49, %dma_wait3A_50] : memref<32x40x128xi32, #tpu.memory_space<hbm>> -> memref<1x40x128xi32, #tpu.memory_space<hbm>>
      %dma_wait3A_52 = tpu.memref_squeeze %dma_wait3A_51 : memref<1x40x128xi32, #tpu.memory_space<hbm>> -> memref<40x128xi32, #tpu.memory_space<hbm>>
      tpu.wait_dma2 semaphore(%run_scoped3A : memref<!tpu.dma_semaphore, #tpu.memory_space<semaphore_mem>>) src(%dma_wait3A_52 : memref<40x128xi32, #tpu.memory_space<hbm>>) dst(%arg7 : memref<40x128xi32, #tpu.memory_space<vmem>>)
      tpu.yield
    }) : () -> ()
    "tpu.region"() ({
      %run_scoped3A = tpu.sem_alloc : memref<!tpu.dma_semaphore, #tpu.memory_space<semaphore_mem>>
      %dma_start3A_38 = arith.constant 0 : i32
      %dma_start3A_39 = arith.constant 0 : i32
      %dma_start3A_40 = tpu.memref_slice %arg4[%add3A, %dma_start3A_38, %dma_start3A_39] : memref<32x40x128xi32, #tpu.memory_space<hbm>> -> memref<1x40x128xi32, #tpu.memory_space<hbm>>
      %dma_start3A_41 = tpu.memref_squeeze %dma_start3A_40 : memref<1x40x128xi32, #tpu.memory_space<hbm>> -> memref<40x128xi32, #tpu.memory_space<hbm>>
      %dma_start3A_42 = arith.constant 0 : i32
      %dma_start3A_43 = arith.constant 0 : i32
      %dma_start3A_44 = tpu.memref_slice %arg4[%add3A, %dma_start3A_42, %dma_start3A_43] : memref<32x40x128xi32, #tpu.memory_space<hbm>> -> memref<1x40x128xi32, #tpu.memory_space<hbm>>
      %dma_start3A_45 = tpu.memref_squeeze %dma_start3A_44 : memref<1x40x128xi32, #tpu.memory_space<hbm>> -> memref<40x128xi32, #tpu.memory_space<hbm>>
      tpu.enqueue_dma source(%dma_start3A_45 : memref<40x128xi32, #tpu.memory_space<hbm>>) target(%arg8 : memref<40x128xi32, #tpu.memory_space<vmem>>) target_semaphore(%run_scoped3A : memref<!tpu.dma_semaphore, #tpu.memory_space<semaphore_mem>>)
      %dma_wait3A = arith.constant 0 : i32
      %dma_wait3A_46 = arith.constant 0 : i32
      %dma_wait3A_47 = tpu.memref_slice %arg4[%add3A, %dma_wait3A, %dma_wait3A_46] : memref<32x40x128xi32, #tpu.memory_space<hbm>> -> memref<1x40x128xi32, #tpu.memory_space<hbm>>
      %dma_wait3A_48 = tpu.memref_squeeze %dma_wait3A_47 : memref<1x40x128xi32, #tpu.memory_space<hbm>> -> memref<40x128xi32, #tpu.memory_space<hbm>>
      %dma_wait3A_49 = arith.constant 0 : i32
      %dma_wait3A_50 = arith.constant 0 : i32
      %dma_wait3A_51 = tpu.memref_slice %arg4[%add3A, %dma_wait3A_49, %dma_wait3A_50] : memref<32x40x128xi32, #tpu.memory_space<hbm>> -> memref<1x40x128xi32, #tpu.memory_space<hbm>>
      %dma_wait3A_52 = tpu.memref_squeeze %dma_wait3A_51 : memref<1x40x128xi32, #tpu.memory_space<hbm>> -> memref<40x128xi32, #tpu.memory_space<hbm>>
      tpu.wait_dma2 semaphore(%run_scoped3A : memref<!tpu.dma_semaphore, #tpu.memory_space<semaphore_mem>>) src(%dma_wait3A_52 : memref<40x128xi32, #tpu.memory_space<hbm>>) dst(%arg8 : memref<40x128xi32, #tpu.memory_space<vmem>>)
      tpu.yield
    }) : () -> ()
    %barrier3A = arith.constant 0 : index
    tpu.barrier barrier_id(%barrier3A)
    %dma_start3A = arith.constant 0 : i32
    %dma_start3A_3 = arith.constant 0 : i32
    %dma_start3A_4 = arith.constant 0 : i32
    %dma_start3A_5 = arith.constant 0 : i32
    %dma_start3A_6 = arith.constant 0 : i32
    %dma_start3A_7 = tpu.memref_slice %arg9[%dma_start3A_3, %dma_start3A_5, %dma_start3A_6] : memref<2x128x128xf32, #tpu.memory_space<vmem>> -> memref<1x128x128xf32, #tpu.memory_space<vmem>>
    %dma_start3A_8 = tpu.memref_squeeze %dma_start3A_7 : memref<1x128x128xf32, #tpu.memory_space<vmem>> -> memref<128x128xf32, #tpu.memory_space<vmem>>
    %dma_start3A_9 = arith.constant 0 : i32
    %dma_start3A_10 = tpu.memref_slice %arg7[%dma_start3A, %dma_start3A_9] : memref<40x128xi32, #tpu.memory_space<vmem>> -> memref<1x128xi32, #tpu.memory_space<vmem>>
    %dma_start3A_11 = tpu.memref_squeeze %dma_start3A_10 : memref<1x128xi32, #tpu.memory_space<vmem>> -> memref<128xi32, #tpu.memory_space<vmem>>
    %dma_start3A_12 = arith.constant 0 : i32
    %dma_start3A_13 = arith.constant 0 : i32
    %dma_start3A_14 = tpu.memref_slice %arg2[%dma_start3A_12, %dma_start3A_13] : memref<10240x128xf32, #tpu.memory_space<hbm>> -> memref<10240x128xf32, #tpu.memory_space<hbm>>
    %dma_start3A_15 = tpu.memref_slice %arg11[%dma_start3A_4] : memref<2x!tpu.dma_semaphore, #tpu.memory_space<semaphore_mem>> -> memref<1x!tpu.dma_semaphore, #tpu.memory_space<semaphore_mem>>
    %dma_start3A_16 = tpu.memref_squeeze %dma_start3A_15 : memref<1x!tpu.dma_semaphore, #tpu.memory_space<semaphore_mem>> -> memref<!tpu.dma_semaphore, #tpu.memory_space<semaphore_mem>>
    tpu.enqueue_indirect_dma source(%dma_start3A_14 : memref<10240x128xf32, #tpu.memory_space<hbm>>) target(%dma_start3A_8 : memref<128x128xf32, #tpu.memory_space<vmem>>) offsets(%dma_start3A_11 : memref<128xi32, #tpu.memory_space<vmem>>) semaphore(%dma_start3A_16 : memref<!tpu.dma_semaphore, #tpu.memory_space<semaphore_mem>>)
    %dma_start3A_17 = arith.constant 1 : i32
    %dma_start3A_18 = arith.constant 1 : i32
    %dma_start3A_19 = arith.constant 1 : i32
    %dma_start3A_20 = arith.constant 0 : i32
    %dma_start3A_21 = arith.constant 0 : i32
    %dma_start3A_22 = tpu.memref_slice %arg9[%dma_start3A_18, %dma_start3A_20, %dma_start3A_21] : memref<2x128x128xf32, #tpu.memory_space<vmem>> -> memref<1x128x128xf32, #tpu.memory_space<vmem>>
    %dma_start3A_23 = tpu.memref_squeeze %dma_start3A_22 : memref<1x128x128xf32, #tpu.memory_space<vmem>> -> memref<128x128xf32, #tpu.memory_space<vmem>>
    %dma_start3A_24 = arith.constant 0 : i32
    %dma_start3A_25 = tpu.memref_slice %arg7[%dma_start3A_17, %dma_start3A_24] : memref<40x128xi32, #tpu.memory_space<vmem>> -> memref<1x128xi32, #tpu.memory_space<vmem>>
    %dma_start3A_26 = tpu.memref_squeeze %dma_start3A_25 : memref<1x128xi32, #tpu.memory_space<vmem>> -> memref<128xi32, #tpu.memory_space<vmem>>
    %dma_start3A_27 = arith.constant 0 : i32
    %dma_start3A_28 = arith.constant 0 : i32
    %dma_start3A_29 = tpu.memref_slice %arg2[%dma_start3A_27, %dma_start3A_28] : memref<10240x128xf32, #tpu.memory_space<hbm>> -> memref<10240x128xf32, #tpu.memory_space<hbm>>
    %dma_start3A_30 = tpu.memref_slice %arg11[%dma_start3A_19] : memref<2x!tpu.dma_semaphore, #tpu.memory_space<semaphore_mem>> -> memref<1x!tpu.dma_semaphore, #tpu.memory_space<semaphore_mem>>
    %dma_start3A_31 = tpu.memref_squeeze %dma_start3A_30 : memref<1x!tpu.dma_semaphore, #tpu.memory_space<semaphore_mem>> -> memref<!tpu.dma_semaphore, #tpu.memory_space<semaphore_mem>>
    tpu.enqueue_indirect_dma source(%dma_start3A_29 : memref<10240x128xf32, #tpu.memory_space<hbm>>) target(%dma_start3A_23 : memref<128x128xf32, #tpu.memory_space<vmem>>) offsets(%dma_start3A_26 : memref<128xi32, #tpu.memory_space<vmem>>) semaphore(%dma_start3A_31 : memref<!tpu.dma_semaphore, #tpu.memory_space<semaphore_mem>>)
    %scan3A = arith.constant 0 : i32
    %scan3A_32 = arith.constant 0 : i32
    %scan3A_33 = arith.constant 20 : i32
    %scan3A_34 = arith.addi %scan3A_32, %scan3A_33 : i32
    %scan3A_35 = arith.constant 1 : i32
    scf.for %scan3A_38 = %scan3A_32 to %scan3A_34 step %scan3A_35  : i32 {
      %mul3A_39 = arith.constant 2 : i32
      %mul3A_40 = arith.muli %scan3A_38, %mul3A_39 : i32
      %add3A_41 = arith.constant 0 : i32
      %add3A_42 = arith.addi %mul3A_40, %add3A_41 : i32
      %dma_wait3A = arith.constant 0 : i32
      %dma_wait3A_43 = arith.constant 0 : i32
      %dma_wait3A_44 = arith.constant 0 : i32
      %dma_wait3A_45 = arith.constant 0 : i32
      %dma_wait3A_46 = tpu.memref_slice %arg9[%dma_wait3A, %dma_wait3A_44, %dma_wait3A_45] : memref<2x128x128xf32, #tpu.memory_space<vmem>> -> memref<1x128x128xf32, #tpu.memory_space<vmem>>
      %dma_wait3A_47 = tpu.memref_squeeze %dma_wait3A_46 : memref<1x128x128xf32, #tpu.memory_space<vmem>> -> memref<128x128xf32, #tpu.memory_space<vmem>>
      %dma_wait3A_48 = arith.constant 0 : i32
      %dma_wait3A_49 = tpu.memref_slice %arg7[%add3A_42, %dma_wait3A_48] : memref<40x128xi32, #tpu.memory_space<vmem>> -> memref<1x128xi32, #tpu.memory_space<vmem>>
      %dma_wait3A_50 = tpu.memref_squeeze %dma_wait3A_49 : memref<1x128xi32, #tpu.memory_space<vmem>> -> memref<128xi32, #tpu.memory_space<vmem>>
      %dma_wait3A_51 = arith.constant 0 : i32
      %dma_wait3A_52 = arith.constant 0 : i32
      %dma_wait3A_53 = tpu.memref_slice %arg2[%dma_wait3A_51, %dma_wait3A_52] : memref<10240x128xf32, #tpu.memory_space<hbm>> -> memref<10240x128xf32, #tpu.memory_space<hbm>>
      %dma_wait3A_54 = tpu.memref_slice %arg11[%dma_wait3A_43] : memref<2x!tpu.dma_semaphore, #tpu.memory_space<semaphore_mem>> -> memref<1x!tpu.dma_semaphore, #tpu.memory_space<semaphore_mem>>
      %dma_wait3A_55 = tpu.memref_squeeze %dma_wait3A_54 : memref<1x!tpu.dma_semaphore, #tpu.memory_space<semaphore_mem>> -> memref<!tpu.dma_semaphore, #tpu.memory_space<semaphore_mem>>
      tpu.wait_indirect_dma semaphore(%dma_wait3A_55 : memref<!tpu.dma_semaphore, #tpu.memory_space<semaphore_mem>>) src(%dma_wait3A_53 : memref<10240x128xf32, #tpu.memory_space<hbm>>) dst(%dma_wait3A_47 : memref<128x128xf32, #tpu.memory_space<vmem>>)
      %dma_start3A_56 = arith.constant 0 : i32
      %dma_start3A_57 = arith.constant 0 : i32
      %dma_start3A_58 = arith.constant 0 : i32
      %dma_start3A_59 = arith.constant 0 : i32
      %dma_start3A_60 = tpu.memref_slice %arg9[%dma_start3A_56, %dma_start3A_58, %dma_start3A_59] : memref<2x128x128xf32, #tpu.memory_space<vmem>> -> memref<1x128x128xf32, #tpu.memory_space<vmem>>
      %dma_start3A_61 = tpu.memref_squeeze %dma_start3A_60 : memref<1x128x128xf32, #tpu.memory_space<vmem>> -> memref<128x128xf32, #tpu.memory_space<vmem>>
      %dma_start3A_62 = arith.constant 0 : i32
      %dma_start3A_63 = tpu.memref_slice %arg8[%add3A_42, %dma_start3A_62] : memref<40x128xi32, #tpu.memory_space<vmem>> -> memref<1x128xi32, #tpu.memory_space<vmem>>
      %dma_start3A_64 = tpu.memref_squeeze %dma_start3A_63 : memref<1x128xi32, #tpu.memory_space<vmem>> -> memref<128xi32, #tpu.memory_space<vmem>>
      %dma_start3A_65 = arith.constant 0 : i32
      %dma_start3A_66 = arith.constant 0 : i32
      %dma_start3A_67 = tpu.memref_slice %arg10[%dma_start3A_65, %dma_start3A_66] : memref<10240x128xf32, #tpu.memory_space<vmem_shared>> -> memref<10240x128xf32, #tpu.memory_space<vmem_shared>>
      %dma_start3A_68 = tpu.memref_slice %arg12[%dma_start3A_57] : memref<2x!tpu.dma_semaphore, #tpu.memory_space<semaphore_mem>> -> memref<1x!tpu.dma_semaphore, #tpu.memory_space<semaphore_mem>>
      %dma_start3A_69 = tpu.memref_squeeze %dma_start3A_68 : memref<1x!tpu.dma_semaphore, #tpu.memory_space<semaphore_mem>> -> memref<!tpu.dma_semaphore, #tpu.memory_space<semaphore_mem>>
      tpu.enqueue_indirect_dma source(%dma_start3A_61 : memref<128x128xf32, #tpu.memory_space<vmem>>) target(%dma_start3A_67 : memref<10240x128xf32, #tpu.memory_space<vmem_shared>>) offsets(%dma_start3A_64 : memref<128xi32, #tpu.memory_space<vmem>>) semaphore(%dma_start3A_69 : memref<!tpu.dma_semaphore, #tpu.memory_space<semaphore_mem>>) {add = true}
      %mul3A_70 = arith.constant 2 : i32
      %mul3A_71 = arith.muli %scan3A_38, %mul3A_70 : i32
      %add3A_72 = arith.constant 1 : i32
      %add3A_73 = arith.addi %mul3A_71, %add3A_72 : i32
      %dma_wait3A_74 = arith.constant 1 : i32
      %dma_wait3A_75 = arith.constant 1 : i32
      %dma_wait3A_76 = arith.constant 0 : i32
      %dma_wait3A_77 = arith.constant 0 : i32
      %dma_wait3A_78 = tpu.memref_slice %arg9[%dma_wait3A_74, %dma_wait3A_76, %dma_wait3A_77] : memref<2x128x128xf32, #tpu.memory_space<vmem>> -> memref<1x128x128xf32, #tpu.memory_space<vmem>>
      %dma_wait3A_79 = tpu.memref_squeeze %dma_wait3A_78 : memref<1x128x128xf32, #tpu.memory_space<vmem>> -> memref<128x128xf32, #tpu.memory_space<vmem>>
      %dma_wait3A_80 = arith.constant 0 : i32
      %dma_wait3A_81 = tpu.memref_slice %arg7[%add3A_73, %dma_wait3A_80] : memref<40x128xi32, #tpu.memory_space<vmem>> -> memref<1x128xi32, #tpu.memory_space<vmem>>
      %dma_wait3A_82 = tpu.memref_squeeze %dma_wait3A_81 : memref<1x128xi32, #tpu.memory_space<vmem>> -> memref<128xi32, #tpu.memory_space<vmem>>
      %dma_wait3A_83 = arith.constant 0 : i32
      %dma_wait3A_84 = arith.constant 0 : i32
      %dma_wait3A_85 = tpu.memref_slice %arg2[%dma_wait3A_83, %dma_wait3A_84] : memref<10240x128xf32, #tpu.memory_space<hbm>> -> memref<10240x128xf32, #tpu.memory_space<hbm>>
      %dma_wait3A_86 = tpu.memref_slice %arg11[%dma_wait3A_75] : memref<2x!tpu.dma_semaphore, #tpu.memory_space<semaphore_mem>> -> memref<1x!tpu.dma_semaphore, #tpu.memory_space<semaphore_mem>>
      %dma_wait3A_87 = tpu.memref_squeeze %dma_wait3A_86 : memref<1x!tpu.dma_semaphore, #tpu.memory_space<semaphore_mem>> -> memref<!tpu.dma_semaphore, #tpu.memory_space<semaphore_mem>>
      tpu.wait_indirect_dma semaphore(%dma_wait3A_87 : memref<!tpu.dma_semaphore, #tpu.memory_space<semaphore_mem>>) src(%dma_wait3A_85 : memref<10240x128xf32, #tpu.memory_space<hbm>>) dst(%dma_wait3A_79 : memref<128x128xf32, #tpu.memory_space<vmem>>)
      %dma_start3A_88 = arith.constant 1 : i32
      %dma_start3A_89 = arith.constant 1 : i32
      %dma_start3A_90 = arith.constant 0 : i32
      %dma_start3A_91 = arith.constant 0 : i32
      %dma_start3A_92 = tpu.memref_slice %arg9[%dma_start3A_88, %dma_start3A_90, %dma_start3A_91] : memref<2x128x128xf32, #tpu.memory_space<vmem>> -> memref<1x128x128xf32, #tpu.memory_space<vmem>>
      %dma_start3A_93 = tpu.memref_squeeze %dma_start3A_92 : memref<1x128x128xf32, #tpu.memory_space<vmem>> -> memref<128x128xf32, #tpu.memory_space<vmem>>
      %dma_start3A_94 = arith.constant 0 : i32
      %dma_start3A_95 = tpu.memref_slice %arg8[%add3A_73, %dma_start3A_94] : memref<40x128xi32, #tpu.memory_space<vmem>> -> memref<1x128xi32, #tpu.memory_space<vmem>>
      %dma_start3A_96 = tpu.memref_squeeze %dma_start3A_95 : memref<1x128xi32, #tpu.memory_space<vmem>> -> memref<128xi32, #tpu.memory_space<vmem>>
      %dma_start3A_97 = arith.constant 0 : i32
      %dma_start3A_98 = arith.constant 0 : i32
      %dma_start3A_99 = tpu.memref_slice %arg10[%dma_start3A_97, %dma_start3A_98] : memref<10240x128xf32, #tpu.memory_space<vmem_shared>> -> memref<10240x128xf32, #tpu.memory_space<vmem_shared>>
      %dma_start3A_100 = tpu.memref_slice %arg12[%dma_start3A_89] : memref<2x!tpu.dma_semaphore, #tpu.memory_space<semaphore_mem>> -> memref<1x!tpu.dma_semaphore, #tpu.memory_space<semaphore_mem>>
      %dma_start3A_101 = tpu.memref_squeeze %dma_start3A_100 : memref<1x!tpu.dma_semaphore, #tpu.memory_space<semaphore_mem>> -> memref<!tpu.dma_semaphore, #tpu.memory_space<semaphore_mem>>
      tpu.enqueue_indirect_dma source(%dma_start3A_93 : memref<128x128xf32, #tpu.memory_space<vmem>>) target(%dma_start3A_99 : memref<10240x128xf32, #tpu.memory_space<vmem_shared>>) offsets(%dma_start3A_96 : memref<128xi32, #tpu.memory_space<vmem>>) semaphore(%dma_start3A_101 : memref<!tpu.dma_semaphore, #tpu.memory_space<semaphore_mem>>) {add = true}
      %mul3A_102 = arith.constant 2 : i32
      %mul3A_103 = arith.muli %scan3A_38, %mul3A_102 : i32
      %add3A_104 = arith.constant 0 : i32
      %add3A_105 = arith.addi %mul3A_103, %add3A_104 : i32
      %dma_wait3A_106 = arith.constant 0 : i32
      %dma_wait3A_107 = arith.constant 0 : i32
      %dma_wait3A_108 = arith.constant 0 : i32
      %dma_wait3A_109 = arith.constant 0 : i32
      %dma_wait3A_110 = tpu.memref_slice %arg9[%dma_wait3A_106, %dma_wait3A_108, %dma_wait3A_109] : memref<2x128x128xf32, #tpu.memory_space<vmem>> -> memref<1x128x128xf32, #tpu.memory_space<vmem>>
      %dma_wait3A_111 = tpu.memref_squeeze %dma_wait3A_110 : memref<1x128x128xf32, #tpu.memory_space<vmem>> -> memref<128x128xf32, #tpu.memory_space<vmem>>
      %dma_wait3A_112 = arith.constant 0 : i32
      %dma_wait3A_113 = tpu.memref_slice %arg8[%add3A_105, %dma_wait3A_112] : memref<40x128xi32, #tpu.memory_space<vmem>> -> memref<1x128xi32, #tpu.memory_space<vmem>>
      %dma_wait3A_114 = tpu.memref_squeeze %dma_wait3A_113 : memref<1x128xi32, #tpu.memory_space<vmem>> -> memref<128xi32, #tpu.memory_space<vmem>>
      %dma_wait3A_115 = arith.constant 0 : i32
      %dma_wait3A_116 = arith.constant 0 : i32
      %dma_wait3A_117 = tpu.memref_slice %arg10[%dma_wait3A_115, %dma_wait3A_116] : memref<10240x128xf32, #tpu.memory_space<vmem_shared>> -> memref<10240x128xf32, #tpu.memory_space<vmem_shared>>
      %dma_wait3A_118 = tpu.memref_slice %arg12[%dma_wait3A_107] : memref<2x!tpu.dma_semaphore, #tpu.memory_space<semaphore_mem>> -> memref<1x!tpu.dma_semaphore, #tpu.memory_space<semaphore_mem>>
      %dma_wait3A_119 = tpu.memref_squeeze %dma_wait3A_118 : memref<1x!tpu.dma_semaphore, #tpu.memory_space<semaphore_mem>> -> memref<!tpu.dma_semaphore, #tpu.memory_space<semaphore_mem>>
      tpu.wait_indirect_dma semaphore(%dma_wait3A_119 : memref<!tpu.dma_semaphore, #tpu.memory_space<semaphore_mem>>) src(%dma_wait3A_111 : memref<128x128xf32, #tpu.memory_space<vmem>>) dst(%dma_wait3A_117 : memref<10240x128xf32, #tpu.memory_space<vmem_shared>>)
      %add3A_120 = arith.constant 2 : i32
      %add3A_121 = arith.addi %add3A_105, %add3A_120 : i32
      %lt3A = arith.constant 40 : i32
      %lt3A_122 = arith.cmpi slt, %add3A_121, %lt3A : i32
      %convert_element_type3A = arith.extui %lt3A_122 : i1 to i32
      %cond3A = arith.constant 0 : i32
      %cond3A_123 = arith.cmpi ne, %convert_element_type3A, %cond3A : i32
      scf.if %cond3A_123 {
        %dma_start3A_149 = arith.constant 0 : i32
        %dma_start3A_150 = arith.constant 0 : i32
        %dma_start3A_151 = arith.constant 0 : i32
        %dma_start3A_152 = arith.constant 0 : i32
        %dma_start3A_153 = tpu.memref_slice %arg9[%dma_start3A_149, %dma_start3A_151, %dma_start3A_152] : memref<2x128x128xf32, #tpu.memory_space<vmem>> -> memref<1x128x128xf32, #tpu.memory_space<vmem>>
        %dma_start3A_154 = tpu.memref_squeeze %dma_start3A_153 : memref<1x128x128xf32, #tpu.memory_space<vmem>> -> memref<128x128xf32, #tpu.memory_space<vmem>>
        %dma_start3A_155 = arith.constant 0 : i32
        %dma_start3A_156 = tpu.memref_slice %arg7[%add3A_121, %dma_start3A_155] : memref<40x128xi32, #tpu.memory_space<vmem>> -> memref<1x128xi32, #tpu.memory_space<vmem>>
        %dma_start3A_157 = tpu.memref_squeeze %dma_start3A_156 : memref<1x128xi32, #tpu.memory_space<vmem>> -> memref<128xi32, #tpu.memory_space<vmem>>
        %dma_start3A_158 = arith.constant 0 : i32
        %dma_start3A_159 = arith.constant 0 : i32
        %dma_start3A_160 = tpu.memref_slice %arg2[%dma_start3A_158, %dma_start3A_159] : memref<10240x128xf32, #tpu.memory_space<hbm>> -> memref<10240x128xf32, #tpu.memory_space<hbm>>
        %dma_start3A_161 = tpu.memref_slice %arg11[%dma_start3A_150] : memref<2x!tpu.dma_semaphore, #tpu.memory_space<semaphore_mem>> -> memref<1x!tpu.dma_semaphore, #tpu.memory_space<semaphore_mem>>
        %dma_start3A_162 = tpu.memref_squeeze %dma_start3A_161 : memref<1x!tpu.dma_semaphore, #tpu.memory_space<semaphore_mem>> -> memref<!tpu.dma_semaphore, #tpu.memory_space<semaphore_mem>>
        tpu.enqueue_indirect_dma source(%dma_start3A_160 : memref<10240x128xf32, #tpu.memory_space<hbm>>) target(%dma_start3A_154 : memref<128x128xf32, #tpu.memory_space<vmem>>) offsets(%dma_start3A_157 : memref<128xi32, #tpu.memory_space<vmem>>) semaphore(%dma_start3A_162 : memref<!tpu.dma_semaphore, #tpu.memory_space<semaphore_mem>>)
      } else {
      }
      %mul3A_124 = arith.constant 2 : i32
      %mul3A_125 = arith.muli %scan3A_38, %mul3A_124 : i32
      %add3A_126 = arith.constant 1 : i32
      %add3A_127 = arith.addi %mul3A_125, %add3A_126 : i32
      %dma_wait3A_128 = arith.constant 1 : i32
      %dma_wait3A_129 = arith.constant 1 : i32
      %dma_wait3A_130 = arith.constant 0 : i32
      %dma_wait3A_131 = arith.constant 0 : i32
      %dma_wait3A_132 = tpu.memref_slice %arg9[%dma_wait3A_128, %dma_wait3A_130, %dma_wait3A_131] : memref<2x128x128xf32, #tpu.memory_space<vmem>> -> memref<1x128x128xf32, #tpu.memory_space<vmem>>
      %dma_wait3A_133 = tpu.memref_squeeze %dma_wait3A_132 : memref<1x128x128xf32, #tpu.memory_space<vmem>> -> memref<128x128xf32, #tpu.memory_space<vmem>>
      %dma_wait3A_134 = arith.constant 0 : i32
      %dma_wait3A_135 = tpu.memref_slice %arg8[%add3A_127, %dma_wait3A_134] : memref<40x128xi32, #tpu.memory_space<vmem>> -> memref<1x128xi32, #tpu.memory_space<vmem>>
      %dma_wait3A_136 = tpu.memref_squeeze %dma_wait3A_135 : memref<1x128xi32, #tpu.memory_space<vmem>> -> memref<128xi32, #tpu.memory_space<vmem>>
      %dma_wait3A_137 = arith.constant 0 : i32
      %dma_wait3A_138 = arith.constant 0 : i32
      %dma_wait3A_139 = tpu.memref_slice %arg10[%dma_wait3A_137, %dma_wait3A_138] : memref<10240x128xf32, #tpu.memory_space<vmem_shared>> -> memref<10240x128xf32, #tpu.memory_space<vmem_shared>>
      %dma_wait3A_140 = tpu.memref_slice %arg12[%dma_wait3A_129] : memref<2x!tpu.dma_semaphore, #tpu.memory_space<semaphore_mem>> -> memref<1x!tpu.dma_semaphore, #tpu.memory_space<semaphore_mem>>
      %dma_wait3A_141 = tpu.memref_squeeze %dma_wait3A_140 : memref<1x!tpu.dma_semaphore, #tpu.memory_space<semaphore_mem>> -> memref<!tpu.dma_semaphore, #tpu.memory_space<semaphore_mem>>
      tpu.wait_indirect_dma semaphore(%dma_wait3A_141 : memref<!tpu.dma_semaphore, #tpu.memory_space<semaphore_mem>>) src(%dma_wait3A_133 : memref<128x128xf32, #tpu.memory_space<vmem>>) dst(%dma_wait3A_139 : memref<10240x128xf32, #tpu.memory_space<vmem_shared>>)
      %add3A_142 = arith.constant 2 : i32
      %add3A_143 = arith.addi %add3A_127, %add3A_142 : i32
      %lt3A_144 = arith.constant 40 : i32
      %lt3A_145 = arith.cmpi slt, %add3A_143, %lt3A_144 : i32
      %convert_element_type3A_146 = arith.extui %lt3A_145 : i1 to i32
      %cond3A_147 = arith.constant 0 : i32
      %cond3A_148 = arith.cmpi ne, %convert_element_type3A_146, %cond3A_147 : i32
      scf.if %cond3A_148 {
        %dma_start3A_149 = arith.constant 1 : i32
        %dma_start3A_150 = arith.constant 1 : i32
        %dma_start3A_151 = arith.constant 0 : i32
        %dma_start3A_152 = arith.constant 0 : i32
        %dma_start3A_153 = tpu.memref_slice %arg9[%dma_start3A_149, %dma_start3A_151, %dma_start3A_152] : memref<2x128x128xf32, #tpu.memory_space<vmem>> -> memref<1x128x128xf32, #tpu.memory_space<vmem>>
        %dma_start3A_154 = tpu.memref_squeeze %dma_start3A_153 : memref<1x128x128xf32, #tpu.memory_space<vmem>> -> memref<128x128xf32, #tpu.memory_space<vmem>>
        %dma_start3A_155 = arith.constant 0 : i32
        %dma_start3A_156 = tpu.memref_slice %arg7[%add3A_143, %dma_start3A_155] : memref<40x128xi32, #tpu.memory_space<vmem>> -> memref<1x128xi32, #tpu.memory_space<vmem>>
        %dma_start3A_157 = tpu.memref_squeeze %dma_start3A_156 : memref<1x128xi32, #tpu.memory_space<vmem>> -> memref<128xi32, #tpu.memory_space<vmem>>
        %dma_start3A_158 = arith.constant 0 : i32
        %dma_start3A_159 = arith.constant 0 : i32
        %dma_start3A_160 = tpu.memref_slice %arg2[%dma_start3A_158, %dma_start3A_159] : memref<10240x128xf32, #tpu.memory_space<hbm>> -> memref<10240x128xf32, #tpu.memory_space<hbm>>
        %dma_start3A_161 = tpu.memref_slice %arg11[%dma_start3A_150] : memref<2x!tpu.dma_semaphore, #tpu.memory_space<semaphore_mem>> -> memref<1x!tpu.dma_semaphore, #tpu.memory_space<semaphore_mem>>
        %dma_start3A_162 = tpu.memref_squeeze %dma_start3A_161 : memref<1x!tpu.dma_semaphore, #tpu.memory_space<semaphore_mem>> -> memref<!tpu.dma_semaphore, #tpu.memory_space<semaphore_mem>>
        tpu.enqueue_indirect_dma source(%dma_start3A_160 : memref<10240x128xf32, #tpu.memory_space<hbm>>) target(%dma_start3A_154 : memref<128x128xf32, #tpu.memory_space<vmem>>) offsets(%dma_start3A_157 : memref<128xi32, #tpu.memory_space<vmem>>) semaphore(%dma_start3A_162 : memref<!tpu.dma_semaphore, #tpu.memory_space<semaphore_mem>>)
      } else {
      }
    }
    %scan3A_36 = arith.constant 20 : i32
    %barrier3A_37 = arith.constant 0 : index
    tpu.barrier barrier_id(%barrier3A_37)
    "tpu.region"() ({
      %run_scoped3A = tpu.sem_alloc : memref<!tpu.dma_semaphore, #tpu.memory_space<semaphore_mem>>
      %dma_start3A_38 = arith.constant 0 : i32
      %dma_start3A_39 = tpu.memref_slice %arg6[%arg0, %mul3A_2, %dma_start3A_38] : memref<2x10240x128xf32, #tpu.memory_space<hbm>> -> memref<1x640x128xf32, #tpu.memory_space<hbm>>
      %dma_start3A_40 = tpu.memref_squeeze %dma_start3A_39 : memref<1x640x128xf32, #tpu.memory_space<hbm>> -> memref<640x128xf32, #tpu.memory_space<hbm>>
      %dma_start3A_41 = arith.constant 0 : i32
      %dma_start3A_42 = tpu.memref_slice %arg10[%mul3A_2, %dma_start3A_41] : memref<10240x128xf32, #tpu.memory_space<vmem_shared>> -> memref<640x128xf32, #tpu.memory_space<vmem_shared>>
      tpu.enqueue_dma source(%dma_start3A_42 : memref<640x128xf32, #tpu.memory_space<vmem_shared>>) target(%dma_start3A_40 : memref<640x128xf32, #tpu.memory_space<hbm>>) target_semaphore(%run_scoped3A : memref<!tpu.dma_semaphore, #tpu.memory_space<semaphore_mem>>)
      %dma_wait3A = arith.constant 0 : i32
      %dma_wait3A_43 = tpu.memref_slice %arg6[%arg0, %mul3A_2, %dma_wait3A] : memref<2x10240x128xf32, #tpu.memory_space<hbm>> -> memref<1x640x128xf32, #tpu.memory_space<hbm>>
      %dma_wait3A_44 = tpu.memref_squeeze %dma_wait3A_43 : memref<1x640x128xf32, #tpu.memory_space<hbm>> -> memref<640x128xf32, #tpu.memory_space<hbm>>
      %dma_wait3A_45 = arith.constant 0 : i32
      %dma_wait3A_46 = tpu.memref_slice %arg10[%mul3A_2, %dma_wait3A_45] : memref<10240x128xf32, #tpu.memory_space<vmem_shared>> -> memref<640x128xf32, #tpu.memory_space<vmem_shared>>
      tpu.wait_dma2 semaphore(%run_scoped3A : memref<!tpu.dma_semaphore, #tpu.memory_space<semaphore_mem>>) src(%dma_wait3A_46 : memref<640x128xf32, #tpu.memory_space<vmem_shared>>) dst(%dma_wait3A_44 : memref<640x128xf32, #tpu.memory_space<hbm>>)
      tpu.yield
    }) : () -> ()
    return
  }
}

#map = affine_map<(d0, d1) -> (0, 0)>
#map1 = affine_map<(d0, d1) -> (0, 0, 0)>
module attributes {stable_mosaic.version = 14 : i64} {
  func.func @body(%arg0: i32, %arg1: i32, %arg2: memref<10240x128xf32, #tpu.memory_space<hbm>>, %arg3: memref<32x40x128xi32, #tpu.memory_space<hbm>>, %arg4: memref<32x40x128xi32, #tpu.memory_space<hbm>>, %arg5: memref<10240x128xf32, #tpu.memory_space<hbm>>, %arg6: memref<2x10240x128xf32, #tpu.memory_space<hbm>>, %arg7: memref<40x128xi32, #tpu.memory_space<vmem>>, %arg8: memref<40x128xi32, #tpu.memory_space<vmem>>, %arg9: memref<2x128x128xf32, #tpu.memory_space<vmem>>, %arg10: memref<10240x128xf32, #tpu.memory_space<vmem_shared>>, %arg11: memref<2x!tpu.dma_semaphore, #tpu.memory_space<semaphore_mem>>, %arg12: memref<2x!tpu.dma_semaphore, #tpu.memory_space<semaphore_mem>>) attributes {dimension_semantics = [#tpu.dimension_semantics<core_parallel>, #tpu.dimension_semantics<subcore_parallel>], iteration_bounds = array<i64: 2, 16>, scalar_prefetch = 0 : i64, scratch_operands = 6 : i64, tpu.core_type = #tpu.core_type<sc_vector_subcore>, window_params = [{transform_indices = #map}, {transform_indices = #map1}, {transform_indices = #map1}, {transform_indices = #map}, {transform_indices = #map1}]} {
    %mul3A = arith.constant 16 : i32
    %mul3A_0 = arith.muli %arg0, %mul3A : i32
    %add3A = arith.addi %mul3A_0, %arg1 : i32
    %mul3A_1 = arith.constant 640 : i32
    %mul3A_2 = arith.muli %arg1, %mul3A_1 : i32
    "tpu.region"() ({
      %run_scoped3A = tpu.sem_alloc : memref<!tpu.dma_semaphore, #tpu.memory_space<semaphore_mem>>
      %dma_start3A_38 = arith.constant 0 : i32
      %dma_start3A_39 = tpu.memref_slice %arg10[%mul3A_2, %dma_start3A_38] : memref<10240x128xf32, #tpu.memory_space<vmem_shared>> -> memref<640x128xf32, #tpu.memory_space<vmem_shared>>
      %dma_start3A_40 = arith.constant 0 : i32
      %dma_start3A_41 = tpu.memref_slice %arg5[%mul3A_2, %dma_start3A_40] : memref<10240x128xf32, #tpu.memory_space<hbm>> -> memref<640x128xf32, #tpu.memory_space<hbm>>
      tpu.enqueue_dma source(%dma_start3A_41 : memref<640x128xf32, #tpu.memory_space<hbm>>) target(%dma_start3A_39 : memref<640x128xf32, #tpu.memory_space<vmem_shared>>) target_semaphore(%run_scoped3A : memref<!tpu.dma_semaphore, #tpu.memory_space<semaphore_mem>>)
      %dma_wait3A = arith.constant 0 : i32
      %dma_wait3A_42 = tpu.memref_slice %arg10[%mul3A_2, %dma_wait3A] : memref<10240x128xf32, #tpu.memory_space<vmem_shared>> -> memref<640x128xf32, #tpu.memory_space<vmem_shared>>
      %dma_wait3A_43 = arith.constant 0 : i32
      %dma_wait3A_44 = tpu.memref_slice %arg5[%mul3A_2, %dma_wait3A_43] : memref<10240x128xf32, #tpu.memory_space<hbm>> -> memref<640x128xf32, #tpu.memory_space<hbm>>
      tpu.wait_dma2 semaphore(%run_scoped3A : memref<!tpu.dma_semaphore, #tpu.memory_space<semaphore_mem>>) src(%dma_wait3A_44 : memref<640x128xf32, #tpu.memory_space<hbm>>) dst(%dma_wait3A_42 : memref<640x128xf32, #tpu.memory_space<vmem_shared>>)
      tpu.yield
    }) : () -> ()
    "tpu.region"() ({
      %run_scoped3A = tpu.sem_alloc : memref<!tpu.dma_semaphore, #tpu.memory_space<semaphore_mem>>
      %dma_start3A_38 = arith.constant 0 : i32
      %dma_start3A_39 = arith.constant 0 : i32
      %dma_start3A_40 = tpu.memref_slice %arg3[%add3A, %dma_start3A_38, %dma_start3A_39] : memref<32x40x128xi32, #tpu.memory_space<hbm>> -> memref<1x40x128xi32, #tpu.memory_space<hbm>>
      %dma_start3A_41 = tpu.memref_squeeze %dma_start3A_40 : memref<1x40x128xi32, #tpu.memory_space<hbm>> -> memref<40x128xi32, #tpu.memory_space<hbm>>
      %dma_start3A_42 = arith.constant 0 : i32
      %dma_start3A_43 = arith.constant 0 : i32
      %dma_start3A_44 = tpu.memref_slice %arg3[%add3A, %dma_start3A_42, %dma_start3A_43] : memref<32x40x128xi32, #tpu.memory_space<hbm>> -> memref<1x40x128xi32, #tpu.memory_space<hbm>>
      %dma_start3A_45 = tpu.memref_squeeze %dma_start3A_44 : memref<1x40x128xi32, #tpu.memory_space<hbm>> -> memref<40x128xi32, #tpu.memory_space<hbm>>
      tpu.enqueue_dma source(%dma_start3A_45 : memref<40x128xi32, #tpu.memory_space<hbm>>) target(%arg7 : memref<40x128xi32, #tpu.memory_space<vmem>>) target_semaphore(%run_scoped3A : memref<!tpu.dma_semaphore, #tpu.memory_space<semaphore_mem>>)
      %dma_wait3A = arith.constant 0 : i32
      %dma_wait3A_46 = arith.constant 0 : i32
      %dma_wait3A_47 = tpu.memref_slice %arg3[%add3A, %dma_wait3A, %dma_wait3A_46] : memref<32x40x128xi32, #tpu.memory_space<hbm>> -> memref<1x40x128xi32, #tpu.memory_space<hbm>>
      %dma_wait3A_48 = tpu.memref_squeeze %dma_wait3A_47 : memref<1x40x128xi32, #tpu.memory_space<hbm>> -> memref<40x128xi32, #tpu.memory_space<hbm>>
      %dma_wait3A_49 = arith.constant 0 : i32
      %dma_wait3A_50 = arith.constant 0 : i32
      %dma_wait3A_51 = tpu.memref_slice %arg3[%add3A, %dma_wait3A_49, %dma_wait3A_50] : memref<32x40x128xi32, #tpu.memory_space<hbm>> -> memref<1x40x128xi32, #tpu.memory_space<hbm>>
      %dma_wait3A_52 = tpu.memref_squeeze %dma_wait3A_51 : memref<1x40x128xi32, #tpu.memory_space<hbm>> -> memref<40x128xi32, #tpu.memory_space<hbm>>
      tpu.wait_dma2 semaphore(%run_scoped3A : memref<!tpu.dma_semaphore, #tpu.memory_space<semaphore_mem>>) src(%dma_wait3A_52 : memref<40x128xi32, #tpu.memory_space<hbm>>) dst(%arg7 : memref<40x128xi32, #tpu.memory_space<vmem>>)
      tpu.yield
    }) : () -> ()
    "tpu.region"() ({
      %run_scoped3A = tpu.sem_alloc : memref<!tpu.dma_semaphore, #tpu.memory_space<semaphore_mem>>
      %dma_start3A_38 = arith.constant 0 : i32
      %dma_start3A_39 = arith.constant 0 : i32
      %dma_start3A_40 = tpu.memref_slice %arg4[%add3A, %dma_start3A_38, %dma_start3A_39] : memref<32x40x128xi32, #tpu.memory_space<hbm>> -> memref<1x40x128xi32, #tpu.memory_space<hbm>>
      %dma_start3A_41 = tpu.memref_squeeze %dma_start3A_40 : memref<1x40x128xi32, #tpu.memory_space<hbm>> -> memref<40x128xi32, #tpu.memory_space<hbm>>
      %dma_start3A_42 = arith.constant 0 : i32
      %dma_start3A_43 = arith.constant 0 : i32
      %dma_start3A_44 = tpu.memref_slice %arg4[%add3A, %dma_start3A_42, %dma_start3A_43] : memref<32x40x128xi32, #tpu.memory_space<hbm>> -> memref<1x40x128xi32, #tpu.memory_space<hbm>>
      %dma_start3A_45 = tpu.memref_squeeze %dma_start3A_44 : memref<1x40x128xi32, #tpu.memory_space<hbm>> -> memref<40x128xi32, #tpu.memory_space<hbm>>
      tpu.enqueue_dma source(%dma_start3A_45 : memref<40x128xi32, #tpu.memory_space<hbm>>) target(%arg8 : memref<40x128xi32, #tpu.memory_space<vmem>>) target_semaphore(%run_scoped3A : memref<!tpu.dma_semaphore, #tpu.memory_space<semaphore_mem>>)
      %dma_wait3A = arith.constant 0 : i32
      %dma_wait3A_46 = arith.constant 0 : i32
      %dma_wait3A_47 = tpu.memref_slice %arg4[%add3A, %dma_wait3A, %dma_wait3A_46] : memref<32x40x128xi32, #tpu.memory_space<hbm>> -> memref<1x40x128xi32, #tpu.memory_space<hbm>>
      %dma_wait3A_48 = tpu.memref_squeeze %dma_wait3A_47 : memref<1x40x128xi32, #tpu.memory_space<hbm>> -> memref<40x128xi32, #tpu.memory_space<hbm>>
      %dma_wait3A_49 = arith.constant 0 : i32
      %dma_wait3A_50 = arith.constant 0 : i32
      %dma_wait3A_51 = tpu.memref_slice %arg4[%add3A, %dma_wait3A_49, %dma_wait3A_50] : memref<32x40x128xi32, #tpu.memory_space<hbm>> -> memref<1x40x128xi32, #tpu.memory_space<hbm>>
      %dma_wait3A_52 = tpu.memref_squeeze %dma_wait3A_51 : memref<1x40x128xi32, #tpu.memory_space<hbm>> -> memref<40x128xi32, #tpu.memory_space<hbm>>
      tpu.wait_dma2 semaphore(%run_scoped3A : memref<!tpu.dma_semaphore, #tpu.memory_space<semaphore_mem>>) src(%dma_wait3A_52 : memref<40x128xi32, #tpu.memory_space<hbm>>) dst(%arg8 : memref<40x128xi32, #tpu.memory_space<vmem>>)
      tpu.yield
    }) : () -> ()
    %barrier3A = arith.constant 0 : index
    tpu.barrier barrier_id(%barrier3A)
    %dma_start3A = arith.constant 0 : i32
    %dma_start3A_3 = arith.constant 0 : i32
    %dma_start3A_4 = arith.constant 0 : i32
    %dma_start3A_5 = arith.constant 0 : i32
    %dma_start3A_6 = arith.constant 0 : i32
    %dma_start3A_7 = tpu.memref_slice %arg9[%dma_start3A_3, %dma_start3A_5, %dma_start3A_6] : memref<2x128x128xf32, #tpu.memory_space<vmem>> -> memref<1x128x128xf32, #tpu.memory_space<vmem>>
    %dma_start3A_8 = tpu.memref_squeeze %dma_start3A_7 : memref<1x128x128xf32, #tpu.memory_space<vmem>> -> memref<128x128xf32, #tpu.memory_space<vmem>>
    %dma_start3A_9 = arith.constant 0 : i32
    %dma_start3A_10 = tpu.memref_slice %arg7[%dma_start3A, %dma_start3A_9] : memref<40x128xi32, #tpu.memory_space<vmem>> -> memref<1x128xi32, #tpu.memory_space<vmem>>
    %dma_start3A_11 = tpu.memref_squeeze %dma_start3A_10 : memref<1x128xi32, #tpu.memory_space<vmem>> -> memref<128xi32, #tpu.memory_space<vmem>>
    %dma_start3A_12 = arith.constant 0 : i32
    %dma_start3A_13 = arith.constant 0 : i32
    %dma_start3A_14 = tpu.memref_slice %arg2[%dma_start3A_12, %dma_start3A_13] : memref<10240x128xf32, #tpu.memory_space<hbm>> -> memref<10240x128xf32, #tpu.memory_space<hbm>>
    %dma_start3A_15 = tpu.memref_slice %arg11[%dma_start3A_4] : memref<2x!tpu.dma_semaphore, #tpu.memory_space<semaphore_mem>> -> memref<1x!tpu.dma_semaphore, #tpu.memory_space<semaphore_mem>>
    %dma_start3A_16 = tpu.memref_squeeze %dma_start3A_15 : memref<1x!tpu.dma_semaphore, #tpu.memory_space<semaphore_mem>> -> memref<!tpu.dma_semaphore, #tpu.memory_space<semaphore_mem>>
    tpu.enqueue_indirect_dma source(%dma_start3A_14 : memref<10240x128xf32, #tpu.memory_space<hbm>>) target(%dma_start3A_8 : memref<128x128xf32, #tpu.memory_space<vmem>>) offsets(%dma_start3A_11 : memref<128xi32, #tpu.memory_space<vmem>>) semaphore(%dma_start3A_16 : memref<!tpu.dma_semaphore, #tpu.memory_space<semaphore_mem>>)
    %dma_start3A_17 = arith.constant 1 : i32
    %dma_start3A_18 = arith.constant 1 : i32
    %dma_start3A_19 = arith.constant 1 : i32
    %dma_start3A_20 = arith.constant 0 : i32
    %dma_start3A_21 = arith.constant 0 : i32
    %dma_start3A_22 = tpu.memref_slice %arg9[%dma_start3A_18, %dma_start3A_20, %dma_start3A_21] : memref<2x128x128xf32, #tpu.memory_space<vmem>> -> memref<1x128x128xf32, #tpu.memory_space<vmem>>
    %dma_start3A_23 = tpu.memref_squeeze %dma_start3A_22 : memref<1x128x128xf32, #tpu.memory_space<vmem>> -> memref<128x128xf32, #tpu.memory_space<vmem>>
    %dma_start3A_24 = arith.constant 0 : i32
    %dma_start3A_25 = tpu.memref_slice %arg7[%dma_start3A_17, %dma_start3A_24] : memref<40x128xi32, #tpu.memory_space<vmem>> -> memref<1x128xi32, #tpu.memory_space<vmem>>
    %dma_start3A_26 = tpu.memref_squeeze %dma_start3A_25 : memref<1x128xi32, #tpu.memory_space<vmem>> -> memref<128xi32, #tpu.memory_space<vmem>>
    %dma_start3A_27 = arith.constant 0 : i32
    %dma_start3A_28 = arith.constant 0 : i32
    %dma_start3A_29 = tpu.memref_slice %arg2[%dma_start3A_27, %dma_start3A_28] : memref<10240x128xf32, #tpu.memory_space<hbm>> -> memref<10240x128xf32, #tpu.memory_space<hbm>>
    %dma_start3A_30 = tpu.memref_slice %arg11[%dma_start3A_19] : memref<2x!tpu.dma_semaphore, #tpu.memory_space<semaphore_mem>> -> memref<1x!tpu.dma_semaphore, #tpu.memory_space<semaphore_mem>>
    %dma_start3A_31 = tpu.memref_squeeze %dma_start3A_30 : memref<1x!tpu.dma_semaphore, #tpu.memory_space<semaphore_mem>> -> memref<!tpu.dma_semaphore, #tpu.memory_space<semaphore_mem>>
    tpu.enqueue_indirect_dma source(%dma_start3A_29 : memref<10240x128xf32, #tpu.memory_space<hbm>>) target(%dma_start3A_23 : memref<128x128xf32, #tpu.memory_space<vmem>>) offsets(%dma_start3A_26 : memref<128xi32, #tpu.memory_space<vmem>>) semaphore(%dma_start3A_31 : memref<!tpu.dma_semaphore, #tpu.memory_space<semaphore_mem>>)
    %scan3A = arith.constant 0 : i32
    %scan3A_32 = arith.constant 0 : i32
    %scan3A_33 = arith.constant 20 : i32
    %scan3A_34 = arith.addi %scan3A_32, %scan3A_33 : i32
    %scan3A_35 = arith.constant 1 : i32
    scf.for %scan3A_38 = %scan3A_32 to %scan3A_34 step %scan3A_35  : i32 {
      %mul3A_39 = arith.constant 2 : i32
      %mul3A_40 = arith.muli %scan3A_38, %mul3A_39 : i32
      %add3A_41 = arith.constant 0 : i32
      %add3A_42 = arith.addi %mul3A_40, %add3A_41 : i32
      %dma_wait3A = arith.constant 0 : i32
      %dma_wait3A_43 = arith.constant 0 : i32
      %dma_wait3A_44 = arith.constant 0 : i32
      %dma_wait3A_45 = arith.constant 0 : i32
      %dma_wait3A_46 = tpu.memref_slice %arg9[%dma_wait3A, %dma_wait3A_44, %dma_wait3A_45] : memref<2x128x128xf32, #tpu.memory_space<vmem>> -> memref<1x128x128xf32, #tpu.memory_space<vmem>>
      %dma_wait3A_47 = tpu.memref_squeeze %dma_wait3A_46 : memref<1x128x128xf32, #tpu.memory_space<vmem>> -> memref<128x128xf32, #tpu.memory_space<vmem>>
      %dma_wait3A_48 = arith.constant 0 : i32
      %dma_wait3A_49 = tpu.memref_slice %arg7[%add3A_42, %dma_wait3A_48] : memref<40x128xi32, #tpu.memory_space<vmem>> -> memref<1x128xi32, #tpu.memory_space<vmem>>
      %dma_wait3A_50 = tpu.memref_squeeze %dma_wait3A_49 : memref<1x128xi32, #tpu.memory_space<vmem>> -> memref<128xi32, #tpu.memory_space<vmem>>
      %dma_wait3A_51 = arith.constant 0 : i32
      %dma_wait3A_52 = arith.constant 0 : i32
      %dma_wait3A_53 = tpu.memref_slice %arg2[%dma_wait3A_51, %dma_wait3A_52] : memref<10240x128xf32, #tpu.memory_space<hbm>> -> memref<10240x128xf32, #tpu.memory_space<hbm>>
      %dma_wait3A_54 = tpu.memref_slice %arg11[%dma_wait3A_43] : memref<2x!tpu.dma_semaphore, #tpu.memory_space<semaphore_mem>> -> memref<1x!tpu.dma_semaphore, #tpu.memory_space<semaphore_mem>>
      %dma_wait3A_55 = tpu.memref_squeeze %dma_wait3A_54 : memref<1x!tpu.dma_semaphore, #tpu.memory_space<semaphore_mem>> -> memref<!tpu.dma_semaphore, #tpu.memory_space<semaphore_mem>>
      tpu.wait_indirect_dma semaphore(%dma_wait3A_55 : memref<!tpu.dma_semaphore, #tpu.memory_space<semaphore_mem>>) src(%dma_wait3A_53 : memref<10240x128xf32, #tpu.memory_space<hbm>>) dst(%dma_wait3A_47 : memref<128x128xf32, #tpu.memory_space<vmem>>)
      %dma_start3A_56 = arith.constant 0 : i32
      %dma_start3A_57 = arith.constant 0 : i32
      %dma_start3A_58 = arith.constant 0 : i32
      %dma_start3A_59 = arith.constant 0 : i32
      %dma_start3A_60 = tpu.memref_slice %arg9[%dma_start3A_56, %dma_start3A_58, %dma_start3A_59] : memref<2x128x128xf32, #tpu.memory_space<vmem>> -> memref<1x128x128xf32, #tpu.memory_space<vmem>>
      %dma_start3A_61 = tpu.memref_squeeze %dma_start3A_60 : memref<1x128x128xf32, #tpu.memory_space<vmem>> -> memref<128x128xf32, #tpu.memory_space<vmem>>
      %dma_start3A_62 = arith.constant 0 : i32
      %dma_start3A_63 = tpu.memref_slice %arg8[%add3A_42, %dma_start3A_62] : memref<40x128xi32, #tpu.memory_space<vmem>> -> memref<1x128xi32, #tpu.memory_space<vmem>>
      %dma_start3A_64 = tpu.memref_squeeze %dma_start3A_63 : memref<1x128xi32, #tpu.memory_space<vmem>> -> memref<128xi32, #tpu.memory_space<vmem>>
      %dma_start3A_65 = arith.constant 0 : i32
      %dma_start3A_66 = arith.constant 0 : i32
      %dma_start3A_67 = tpu.memref_slice %arg10[%dma_start3A_65, %dma_start3A_66] : memref<10240x128xf32, #tpu.memory_space<vmem_shared>> -> memref<10240x128xf32, #tpu.memory_space<vmem_shared>>
      %dma_start3A_68 = tpu.memref_slice %arg12[%dma_start3A_57] : memref<2x!tpu.dma_semaphore, #tpu.memory_space<semaphore_mem>> -> memref<1x!tpu.dma_semaphore, #tpu.memory_space<semaphore_mem>>
      %dma_start3A_69 = tpu.memref_squeeze %dma_start3A_68 : memref<1x!tpu.dma_semaphore, #tpu.memory_space<semaphore_mem>> -> memref<!tpu.dma_semaphore, #tpu.memory_space<semaphore_mem>>
      tpu.enqueue_indirect_dma source(%dma_start3A_61 : memref<128x128xf32, #tpu.memory_space<vmem>>) target(%dma_start3A_67 : memref<10240x128xf32, #tpu.memory_space<vmem_shared>>) offsets(%dma_start3A_64 : memref<128xi32, #tpu.memory_space<vmem>>) semaphore(%dma_start3A_69 : memref<!tpu.dma_semaphore, #tpu.memory_space<semaphore_mem>>) {add = true}
      %mul3A_70 = arith.constant 2 : i32
      %mul3A_71 = arith.muli %scan3A_38, %mul3A_70 : i32
      %add3A_72 = arith.constant 1 : i32
      %add3A_73 = arith.addi %mul3A_71, %add3A_72 : i32
      %dma_wait3A_74 = arith.constant 1 : i32
      %dma_wait3A_75 = arith.constant 1 : i32
      %dma_wait3A_76 = arith.constant 0 : i32
      %dma_wait3A_77 = arith.constant 0 : i32
      %dma_wait3A_78 = tpu.memref_slice %arg9[%dma_wait3A_74, %dma_wait3A_76, %dma_wait3A_77] : memref<2x128x128xf32, #tpu.memory_space<vmem>> -> memref<1x128x128xf32, #tpu.memory_space<vmem>>
      %dma_wait3A_79 = tpu.memref_squeeze %dma_wait3A_78 : memref<1x128x128xf32, #tpu.memory_space<vmem>> -> memref<128x128xf32, #tpu.memory_space<vmem>>
      %dma_wait3A_80 = arith.constant 0 : i32
      %dma_wait3A_81 = tpu.memref_slice %arg7[%add3A_73, %dma_wait3A_80] : memref<40x128xi32, #tpu.memory_space<vmem>> -> memref<1x128xi32, #tpu.memory_space<vmem>>
      %dma_wait3A_82 = tpu.memref_squeeze %dma_wait3A_81 : memref<1x128xi32, #tpu.memory_space<vmem>> -> memref<128xi32, #tpu.memory_space<vmem>>
      %dma_wait3A_83 = arith.constant 0 : i32
      %dma_wait3A_84 = arith.constant 0 : i32
      %dma_wait3A_85 = tpu.memref_slice %arg2[%dma_wait3A_83, %dma_wait3A_84] : memref<10240x128xf32, #tpu.memory_space<hbm>> -> memref<10240x128xf32, #tpu.memory_space<hbm>>
      %dma_wait3A_86 = tpu.memref_slice %arg11[%dma_wait3A_75] : memref<2x!tpu.dma_semaphore, #tpu.memory_space<semaphore_mem>> -> memref<1x!tpu.dma_semaphore, #tpu.memory_space<semaphore_mem>>
      %dma_wait3A_87 = tpu.memref_squeeze %dma_wait3A_86 : memref<1x!tpu.dma_semaphore, #tpu.memory_space<semaphore_mem>> -> memref<!tpu.dma_semaphore, #tpu.memory_space<semaphore_mem>>
      tpu.wait_indirect_dma semaphore(%dma_wait3A_87 : memref<!tpu.dma_semaphore, #tpu.memory_space<semaphore_mem>>) src(%dma_wait3A_85 : memref<10240x128xf32, #tpu.memory_space<hbm>>) dst(%dma_wait3A_79 : memref<128x128xf32, #tpu.memory_space<vmem>>)
      %dma_start3A_88 = arith.constant 1 : i32
      %dma_start3A_89 = arith.constant 1 : i32
      %dma_start3A_90 = arith.constant 0 : i32
      %dma_start3A_91 = arith.constant 0 : i32
      %dma_start3A_92 = tpu.memref_slice %arg9[%dma_start3A_88, %dma_start3A_90, %dma_start3A_91] : memref<2x128x128xf32, #tpu.memory_space<vmem>> -> memref<1x128x128xf32, #tpu.memory_space<vmem>>
      %dma_start3A_93 = tpu.memref_squeeze %dma_start3A_92 : memref<1x128x128xf32, #tpu.memory_space<vmem>> -> memref<128x128xf32, #tpu.memory_space<vmem>>
      %dma_start3A_94 = arith.constant 0 : i32
      %dma_start3A_95 = tpu.memref_slice %arg8[%add3A_73, %dma_start3A_94] : memref<40x128xi32, #tpu.memory_space<vmem>> -> memref<1x128xi32, #tpu.memory_space<vmem>>
      %dma_start3A_96 = tpu.memref_squeeze %dma_start3A_95 : memref<1x128xi32, #tpu.memory_space<vmem>> -> memref<128xi32, #tpu.memory_space<vmem>>
      %dma_start3A_97 = arith.constant 0 : i32
      %dma_start3A_98 = arith.constant 0 : i32
      %dma_start3A_99 = tpu.memref_slice %arg10[%dma_start3A_97, %dma_start3A_98] : memref<10240x128xf32, #tpu.memory_space<vmem_shared>> -> memref<10240x128xf32, #tpu.memory_space<vmem_shared>>
      %dma_start3A_100 = tpu.memref_slice %arg12[%dma_start3A_89] : memref<2x!tpu.dma_semaphore, #tpu.memory_space<semaphore_mem>> -> memref<1x!tpu.dma_semaphore, #tpu.memory_space<semaphore_mem>>
      %dma_start3A_101 = tpu.memref_squeeze %dma_start3A_100 : memref<1x!tpu.dma_semaphore, #tpu.memory_space<semaphore_mem>> -> memref<!tpu.dma_semaphore, #tpu.memory_space<semaphore_mem>>
      tpu.enqueue_indirect_dma source(%dma_start3A_93 : memref<128x128xf32, #tpu.memory_space<vmem>>) target(%dma_start3A_99 : memref<10240x128xf32, #tpu.memory_space<vmem_shared>>) offsets(%dma_start3A_96 : memref<128xi32, #tpu.memory_space<vmem>>) semaphore(%dma_start3A_101 : memref<!tpu.dma_semaphore, #tpu.memory_space<semaphore_mem>>) {add = true}
      %mul3A_102 = arith.constant 2 : i32
      %mul3A_103 = arith.muli %scan3A_38, %mul3A_102 : i32
      %add3A_104 = arith.constant 0 : i32
      %add3A_105 = arith.addi %mul3A_103, %add3A_104 : i32
      %dma_wait3A_106 = arith.constant 0 : i32
      %dma_wait3A_107 = arith.constant 0 : i32
      %dma_wait3A_108 = arith.constant 0 : i32
      %dma_wait3A_109 = arith.constant 0 : i32
      %dma_wait3A_110 = tpu.memref_slice %arg9[%dma_wait3A_106, %dma_wait3A_108, %dma_wait3A_109] : memref<2x128x128xf32, #tpu.memory_space<vmem>> -> memref<1x128x128xf32, #tpu.memory_space<vmem>>
      %dma_wait3A_111 = tpu.memref_squeeze %dma_wait3A_110 : memref<1x128x128xf32, #tpu.memory_space<vmem>> -> memref<128x128xf32, #tpu.memory_space<vmem>>
      %dma_wait3A_112 = arith.constant 0 : i32
      %dma_wait3A_113 = tpu.memref_slice %arg8[%add3A_105, %dma_wait3A_112] : memref<40x128xi32, #tpu.memory_space<vmem>> -> memref<1x128xi32, #tpu.memory_space<vmem>>
      %dma_wait3A_114 = tpu.memref_squeeze %dma_wait3A_113 : memref<1x128xi32, #tpu.memory_space<vmem>> -> memref<128xi32, #tpu.memory_space<vmem>>
      %dma_wait3A_115 = arith.constant 0 : i32
      %dma_wait3A_116 = arith.constant 0 : i32
      %dma_wait3A_117 = tpu.memref_slice %arg10[%dma_wait3A_115, %dma_wait3A_116] : memref<10240x128xf32, #tpu.memory_space<vmem_shared>> -> memref<10240x128xf32, #tpu.memory_space<vmem_shared>>
      %dma_wait3A_118 = tpu.memref_slice %arg12[%dma_wait3A_107] : memref<2x!tpu.dma_semaphore, #tpu.memory_space<semaphore_mem>> -> memref<1x!tpu.dma_semaphore, #tpu.memory_space<semaphore_mem>>
      %dma_wait3A_119 = tpu.memref_squeeze %dma_wait3A_118 : memref<1x!tpu.dma_semaphore, #tpu.memory_space<semaphore_mem>> -> memref<!tpu.dma_semaphore, #tpu.memory_space<semaphore_mem>>
      tpu.wait_indirect_dma semaphore(%dma_wait3A_119 : memref<!tpu.dma_semaphore, #tpu.memory_space<semaphore_mem>>) src(%dma_wait3A_111 : memref<128x128xf32, #tpu.memory_space<vmem>>) dst(%dma_wait3A_117 : memref<10240x128xf32, #tpu.memory_space<vmem_shared>>)
      %add3A_120 = arith.constant 2 : i32
      %add3A_121 = arith.addi %add3A_105, %add3A_120 : i32
      %lt3A = arith.constant 40 : i32
      %lt3A_122 = arith.cmpi slt, %add3A_121, %lt3A : i32
      %convert_element_type3A = arith.extui %lt3A_122 : i1 to i32
      %cond3A = arith.constant 0 : i32
      %cond3A_123 = arith.cmpi ne, %convert_element_type3A, %cond3A : i32
      scf.if %cond3A_123 {
        %dma_start3A_149 = arith.constant 0 : i32
        %dma_start3A_150 = arith.constant 0 : i32
        %dma_start3A_151 = arith.constant 0 : i32
        %dma_start3A_152 = arith.constant 0 : i32
        %dma_start3A_153 = tpu.memref_slice %arg9[%dma_start3A_149, %dma_start3A_151, %dma_start3A_152] : memref<2x128x128xf32, #tpu.memory_space<vmem>> -> memref<1x128x128xf32, #tpu.memory_space<vmem>>
        %dma_start3A_154 = tpu.memref_squeeze %dma_start3A_153 : memref<1x128x128xf32, #tpu.memory_space<vmem>> -> memref<128x128xf32, #tpu.memory_space<vmem>>
        %dma_start3A_155 = arith.constant 0 : i32
        %dma_start3A_156 = tpu.memref_slice %arg7[%add3A_121, %dma_start3A_155] : memref<40x128xi32, #tpu.memory_space<vmem>> -> memref<1x128xi32, #tpu.memory_space<vmem>>
        %dma_start3A_157 = tpu.memref_squeeze %dma_start3A_156 : memref<1x128xi32, #tpu.memory_space<vmem>> -> memref<128xi32, #tpu.memory_space<vmem>>
        %dma_start3A_158 = arith.constant 0 : i32
        %dma_start3A_159 = arith.constant 0 : i32
        %dma_start3A_160 = tpu.memref_slice %arg2[%dma_start3A_158, %dma_start3A_159] : memref<10240x128xf32, #tpu.memory_space<hbm>> -> memref<10240x128xf32, #tpu.memory_space<hbm>>
        %dma_start3A_161 = tpu.memref_slice %arg11[%dma_start3A_150] : memref<2x!tpu.dma_semaphore, #tpu.memory_space<semaphore_mem>> -> memref<1x!tpu.dma_semaphore, #tpu.memory_space<semaphore_mem>>
        %dma_start3A_162 = tpu.memref_squeeze %dma_start3A_161 : memref<1x!tpu.dma_semaphore, #tpu.memory_space<semaphore_mem>> -> memref<!tpu.dma_semaphore, #tpu.memory_space<semaphore_mem>>
        tpu.enqueue_indirect_dma source(%dma_start3A_160 : memref<10240x128xf32, #tpu.memory_space<hbm>>) target(%dma_start3A_154 : memref<128x128xf32, #tpu.memory_space<vmem>>) offsets(%dma_start3A_157 : memref<128xi32, #tpu.memory_space<vmem>>) semaphore(%dma_start3A_162 : memref<!tpu.dma_semaphore, #tpu.memory_space<semaphore_mem>>)
      } else {
      }
      %mul3A_124 = arith.constant 2 : i32
      %mul3A_125 = arith.muli %scan3A_38, %mul3A_124 : i32
      %add3A_126 = arith.constant 1 : i32
      %add3A_127 = arith.addi %mul3A_125, %add3A_126 : i32
      %dma_wait3A_128 = arith.constant 1 : i32
      %dma_wait3A_129 = arith.constant 1 : i32
      %dma_wait3A_130 = arith.constant 0 : i32
      %dma_wait3A_131 = arith.constant 0 : i32
      %dma_wait3A_132 = tpu.memref_slice %arg9[%dma_wait3A_128, %dma_wait3A_130, %dma_wait3A_131] : memref<2x128x128xf32, #tpu.memory_space<vmem>> -> memref<1x128x128xf32, #tpu.memory_space<vmem>>
      %dma_wait3A_133 = tpu.memref_squeeze %dma_wait3A_132 : memref<1x128x128xf32, #tpu.memory_space<vmem>> -> memref<128x128xf32, #tpu.memory_space<vmem>>
      %dma_wait3A_134 = arith.constant 0 : i32
      %dma_wait3A_135 = tpu.memref_slice %arg8[%add3A_127, %dma_wait3A_134] : memref<40x128xi32, #tpu.memory_space<vmem>> -> memref<1x128xi32, #tpu.memory_space<vmem>>
      %dma_wait3A_136 = tpu.memref_squeeze %dma_wait3A_135 : memref<1x128xi32, #tpu.memory_space<vmem>> -> memref<128xi32, #tpu.memory_space<vmem>>
      %dma_wait3A_137 = arith.constant 0 : i32
      %dma_wait3A_138 = arith.constant 0 : i32
      %dma_wait3A_139 = tpu.memref_slice %arg10[%dma_wait3A_137, %dma_wait3A_138] : memref<10240x128xf32, #tpu.memory_space<vmem_shared>> -> memref<10240x128xf32, #tpu.memory_space<vmem_shared>>
      %dma_wait3A_140 = tpu.memref_slice %arg12[%dma_wait3A_129] : memref<2x!tpu.dma_semaphore, #tpu.memory_space<semaphore_mem>> -> memref<1x!tpu.dma_semaphore, #tpu.memory_space<semaphore_mem>>
      %dma_wait3A_141 = tpu.memref_squeeze %dma_wait3A_140 : memref<1x!tpu.dma_semaphore, #tpu.memory_space<semaphore_mem>> -> memref<!tpu.dma_semaphore, #tpu.memory_space<semaphore_mem>>
      tpu.wait_indirect_dma semaphore(%dma_wait3A_141 : memref<!tpu.dma_semaphore, #tpu.memory_space<semaphore_mem>>) src(%dma_wait3A_133 : memref<128x128xf32, #tpu.memory_space<vmem>>) dst(%dma_wait3A_139 : memref<10240x128xf32, #tpu.memory_space<vmem_shared>>)
      %add3A_142 = arith.constant 2 : i32
      %add3A_143 = arith.addi %add3A_127, %add3A_142 : i32
      %lt3A_144 = arith.constant 40 : i32
      %lt3A_145 = arith.cmpi slt, %add3A_143, %lt3A_144 : i32
      %convert_element_type3A_146 = arith.extui %lt3A_145 : i1 to i32
      %cond3A_147 = arith.constant 0 : i32
      %cond3A_148 = arith.cmpi ne, %convert_element_type3A_146, %cond3A_147 : i32
      scf.if %cond3A_148 {
        %dma_start3A_149 = arith.constant 1 : i32
        %dma_start3A_150 = arith.constant 1 : i32
        %dma_start3A_151 = arith.constant 0 : i32
        %dma_start3A_152 = arith.constant 0 : i32
        %dma_start3A_153 = tpu.memref_slice %arg9[%dma_start3A_149, %dma_start3A_151, %dma_start3A_152] : memref<2x128x128xf32, #tpu.memory_space<vmem>> -> memref<1x128x128xf32, #tpu.memory_space<vmem>>
        %dma_start3A_154 = tpu.memref_squeeze %dma_start3A_153 : memref<1x128x128xf32, #tpu.memory_space<vmem>> -> memref<128x128xf32, #tpu.memory_space<vmem>>
        %dma_start3A_155 = arith.constant 0 : i32
        %dma_start3A_156 = tpu.memref_slice %arg7[%add3A_143, %dma_start3A_155] : memref<40x128xi32, #tpu.memory_space<vmem>> -> memref<1x128xi32, #tpu.memory_space<vmem>>
        %dma_start3A_157 = tpu.memref_squeeze %dma_start3A_156 : memref<1x128xi32, #tpu.memory_space<vmem>> -> memref<128xi32, #tpu.memory_space<vmem>>
        %dma_start3A_158 = arith.constant 0 : i32
        %dma_start3A_159 = arith.constant 0 : i32
        %dma_start3A_160 = tpu.memref_slice %arg2[%dma_start3A_158, %dma_start3A_159] : memref<10240x128xf32, #tpu.memory_space<hbm>> -> memref<10240x128xf32, #tpu.memory_space<hbm>>
        %dma_start3A_161 = tpu.memref_slice %arg11[%dma_start3A_150] : memref<2x!tpu.dma_semaphore, #tpu.memory_space<semaphore_mem>> -> memref<1x!tpu.dma_semaphore, #tpu.memory_space<semaphore_mem>>
        %dma_start3A_162 = tpu.memref_squeeze %dma_start3A_161 : memref<1x!tpu.dma_semaphore, #tpu.memory_space<semaphore_mem>> -> memref<!tpu.dma_semaphore, #tpu.memory_space<semaphore_mem>>
        tpu.enqueue_indirect_dma source(%dma_start3A_160 : memref<10240x128xf32, #tpu.memory_space<hbm>>) target(%dma_start3A_154 : memref<128x128xf32, #tpu.memory_space<vmem>>) offsets(%dma_start3A_157 : memref<128xi32, #tpu.memory_space<vmem>>) semaphore(%dma_start3A_162 : memref<!tpu.dma_semaphore, #tpu.memory_space<semaphore_mem>>)
      } else {
      }
    }
    %scan3A_36 = arith.constant 20 : i32
    %barrier3A_37 = arith.constant 0 : index
    tpu.barrier barrier_id(%barrier3A_37)
    "tpu.region"() ({
      %run_scoped3A = tpu.sem_alloc : memref<!tpu.dma_semaphore, #tpu.memory_space<semaphore_mem>>
      %dma_start3A_38 = arith.constant 0 : i32
      %dma_start3A_39 = tpu.memref_slice %arg6[%arg0, %mul3A_2, %dma_start3A_38] : memref<2x10240x128xf32, #tpu.memory_space<hbm>> -> memref<1x640x128xf32, #tpu.memory_space<hbm>>
      %dma_start3A_40 = tpu.memref_squeeze %dma_start3A_39 : memref<1x640x128xf32, #tpu.memory_space<hbm>> -> memref<640x128xf32, #tpu.memory_space<hbm>>
      %dma_start3A_41 = arith.constant 0 : i32
      %dma_start3A_42 = tpu.memref_slice %arg10[%mul3A_2, %dma_start3A_41] : memref<10240x128xf32, #tpu.memory_space<vmem_shared>> -> memref<640x128xf32, #tpu.memory_space<vmem_shared>>
      tpu.enqueue_dma source(%dma_start3A_42 : memref<640x128xf32, #tpu.memory_space<vmem_shared>>) target(%dma_start3A_40 : memref<640x128xf32, #tpu.memory_space<hbm>>) target_semaphore(%run_scoped3A : memref<!tpu.dma_semaphore, #tpu.memory_space<semaphore_mem>>)
      %dma_wait3A = arith.constant 0 : i32
      %dma_wait3A_43 = tpu.memref_slice %arg6[%arg0, %mul3A_2, %dma_wait3A] : memref<2x10240x128xf32, #tpu.memory_space<hbm>> -> memref<1x640x128xf32, #tpu.memory_space<hbm>>
      %dma_wait3A_44 = tpu.memref_squeeze %dma_wait3A_43 : memref<1x640x128xf32, #tpu.memory_space<hbm>> -> memref<640x128xf32, #tpu.memory_space<hbm>>
      %dma_wait3A_45 = arith.constant 0 : i32
      %dma_wait3A_46 = tpu.memref_slice %arg10[%mul3A_2, %dma_wait3A_45] : memref<10240x128xf32, #tpu.memory_space<vmem_shared>> -> memref<640x128xf32, #tpu.memory_space<vmem_shared>>
      tpu.wait_dma2 semaphore(%run_scoped3A : memref<!tpu.dma_semaphore, #tpu.memory_space<semaphore_mem>>) src(%dma_wait3A_46 : memref<640x128xf32, #tpu.memory_space<vmem_shared>>) dst(%dma_wait3A_44 : memref<640x128xf32, #tpu.memory_space<hbm>>)
      tpu.yield
    }) : () -> ()
    return
  }
}

#map = affine_map<(d0, d1) -> (0, 0, 0)>
#map1 = affine_map<(d0, d1) -> (0, 0)>
module attributes {stable_mosaic.version = 14 : i64} {
  func.func @body(%arg0: i32, %arg1: i32, %arg2: memref<32x40x128xi32, #tpu.memory_space<hbm>>, %arg3: memref<128x128xf32, #tpu.memory_space<hbm>>, %arg4: memref<10240x128xf32, #tpu.memory_space<hbm>>, %arg5: memref<2x10240x128xf32, #tpu.memory_space<hbm>>, %arg6: memref<40x128xi32, #tpu.memory_space<vmem>>, %arg7: memref<128x128xf32, #tpu.memory_space<vmem>>, %arg8: memref<10240x128xf32, #tpu.memory_space<vmem_shared>>, %arg9: memref<!tpu.dma_semaphore, #tpu.memory_space<semaphore_mem>>) attributes {dimension_semantics = [#tpu.dimension_semantics<core_parallel>, #tpu.dimension_semantics<subcore_parallel>], iteration_bounds = array<i64: 2, 16>, scalar_prefetch = 0 : i64, scratch_operands = 4 : i64, tpu.core_type = #tpu.core_type<sc_vector_subcore>, window_params = [{transform_indices = #map}, {transform_indices = #map1}, {transform_indices = #map1}, {transform_indices = #map}]} {
    %mul3A = arith.constant 16 : i32
    %mul3A_0 = arith.muli %arg0, %mul3A : i32
    %add3A = arith.addi %mul3A_0, %arg1 : i32
    %mul3A_1 = arith.constant 640 : i32
    %mul3A_2 = arith.muli %arg1, %mul3A_1 : i32
    "tpu.region"() ({
      %run_scoped3A = tpu.sem_alloc : memref<!tpu.dma_semaphore, #tpu.memory_space<semaphore_mem>>
      %dma_start3A = arith.constant 0 : i32
      %dma_start3A_15 = tpu.memref_slice %arg8[%mul3A_2, %dma_start3A] : memref<10240x128xf32, #tpu.memory_space<vmem_shared>> -> memref<640x128xf32, #tpu.memory_space<vmem_shared>>
      %dma_start3A_16 = arith.constant 0 : i32
      %dma_start3A_17 = tpu.memref_slice %arg4[%mul3A_2, %dma_start3A_16] : memref<10240x128xf32, #tpu.memory_space<hbm>> -> memref<640x128xf32, #tpu.memory_space<hbm>>
      tpu.enqueue_dma source(%dma_start3A_17 : memref<640x128xf32, #tpu.memory_space<hbm>>) target(%dma_start3A_15 : memref<640x128xf32, #tpu.memory_space<vmem_shared>>) target_semaphore(%run_scoped3A : memref<!tpu.dma_semaphore, #tpu.memory_space<semaphore_mem>>)
      %dma_wait3A = arith.constant 0 : i32
      %dma_wait3A_18 = tpu.memref_slice %arg8[%mul3A_2, %dma_wait3A] : memref<10240x128xf32, #tpu.memory_space<vmem_shared>> -> memref<640x128xf32, #tpu.memory_space<vmem_shared>>
      %dma_wait3A_19 = arith.constant 0 : i32
      %dma_wait3A_20 = tpu.memref_slice %arg4[%mul3A_2, %dma_wait3A_19] : memref<10240x128xf32, #tpu.memory_space<hbm>> -> memref<640x128xf32, #tpu.memory_space<hbm>>
      tpu.wait_dma2 semaphore(%run_scoped3A : memref<!tpu.dma_semaphore, #tpu.memory_space<semaphore_mem>>) src(%dma_wait3A_20 : memref<640x128xf32, #tpu.memory_space<hbm>>) dst(%dma_wait3A_18 : memref<640x128xf32, #tpu.memory_space<vmem_shared>>)
      tpu.yield
    }) : () -> ()
    "tpu.region"() ({
      %run_scoped3A = tpu.sem_alloc : memref<!tpu.dma_semaphore, #tpu.memory_space<semaphore_mem>>
      %dma_start3A = arith.constant 0 : i32
      %dma_start3A_15 = arith.constant 0 : i32
      %dma_start3A_16 = tpu.memref_slice %arg2[%add3A, %dma_start3A, %dma_start3A_15] : memref<32x40x128xi32, #tpu.memory_space<hbm>> -> memref<1x40x128xi32, #tpu.memory_space<hbm>>
      %dma_start3A_17 = tpu.memref_squeeze %dma_start3A_16 : memref<1x40x128xi32, #tpu.memory_space<hbm>> -> memref<40x128xi32, #tpu.memory_space<hbm>>
      %dma_start3A_18 = arith.constant 0 : i32
      %dma_start3A_19 = arith.constant 0 : i32
      %dma_start3A_20 = tpu.memref_slice %arg2[%add3A, %dma_start3A_18, %dma_start3A_19] : memref<32x40x128xi32, #tpu.memory_space<hbm>> -> memref<1x40x128xi32, #tpu.memory_space<hbm>>
      %dma_start3A_21 = tpu.memref_squeeze %dma_start3A_20 : memref<1x40x128xi32, #tpu.memory_space<hbm>> -> memref<40x128xi32, #tpu.memory_space<hbm>>
      tpu.enqueue_dma source(%dma_start3A_21 : memref<40x128xi32, #tpu.memory_space<hbm>>) target(%arg6 : memref<40x128xi32, #tpu.memory_space<vmem>>) target_semaphore(%run_scoped3A : memref<!tpu.dma_semaphore, #tpu.memory_space<semaphore_mem>>)
      %dma_wait3A = arith.constant 0 : i32
      %dma_wait3A_22 = arith.constant 0 : i32
      %dma_wait3A_23 = tpu.memref_slice %arg2[%add3A, %dma_wait3A, %dma_wait3A_22] : memref<32x40x128xi32, #tpu.memory_space<hbm>> -> memref<1x40x128xi32, #tpu.memory_space<hbm>>
      %dma_wait3A_24 = tpu.memref_squeeze %dma_wait3A_23 : memref<1x40x128xi32, #tpu.memory_space<hbm>> -> memref<40x128xi32, #tpu.memory_space<hbm>>
      %dma_wait3A_25 = arith.constant 0 : i32
      %dma_wait3A_26 = arith.constant 0 : i32
      %dma_wait3A_27 = tpu.memref_slice %arg2[%add3A, %dma_wait3A_25, %dma_wait3A_26] : memref<32x40x128xi32, #tpu.memory_space<hbm>> -> memref<1x40x128xi32, #tpu.memory_space<hbm>>
      %dma_wait3A_28 = tpu.memref_squeeze %dma_wait3A_27 : memref<1x40x128xi32, #tpu.memory_space<hbm>> -> memref<40x128xi32, #tpu.memory_space<hbm>>
      tpu.wait_dma2 semaphore(%run_scoped3A : memref<!tpu.dma_semaphore, #tpu.memory_space<semaphore_mem>>) src(%dma_wait3A_28 : memref<40x128xi32, #tpu.memory_space<hbm>>) dst(%arg6 : memref<40x128xi32, #tpu.memory_space<vmem>>)
      tpu.yield
    }) : () -> ()
    "tpu.region"() ({
      %run_scoped3A = tpu.sem_alloc : memref<!tpu.dma_semaphore, #tpu.memory_space<semaphore_mem>>
      tpu.enqueue_dma source(%arg3 : memref<128x128xf32, #tpu.memory_space<hbm>>) target(%arg7 : memref<128x128xf32, #tpu.memory_space<vmem>>) target_semaphore(%run_scoped3A : memref<!tpu.dma_semaphore, #tpu.memory_space<semaphore_mem>>)
      tpu.wait_dma2 semaphore(%run_scoped3A : memref<!tpu.dma_semaphore, #tpu.memory_space<semaphore_mem>>) src(%arg3 : memref<128x128xf32, #tpu.memory_space<hbm>>) dst(%arg7 : memref<128x128xf32, #tpu.memory_space<vmem>>)
      tpu.yield
    }) : () -> ()
    %barrier3A = arith.constant 0 : index
    tpu.barrier barrier_id(%barrier3A)
    %scan3A = arith.constant 0 : i32
    %scan3A_3 = arith.constant 0 : i32
    %scan3A_4 = arith.constant 40 : i32
    %scan3A_5 = arith.addi %scan3A_3, %scan3A_4 : i32
    %scan3A_6 = arith.constant 1 : i32
    scf.for %scan3A_15 = %scan3A_3 to %scan3A_5 step %scan3A_6  : i32 {
      %dma_start3A = arith.constant 0 : i32
      %dma_start3A_16 = tpu.memref_slice %arg6[%scan3A_15, %dma_start3A] : memref<40x128xi32, #tpu.memory_space<vmem>> -> memref<1x128xi32, #tpu.memory_space<vmem>>
      %dma_start3A_17 = tpu.memref_squeeze %dma_start3A_16 : memref<1x128xi32, #tpu.memory_space<vmem>> -> memref<128xi32, #tpu.memory_space<vmem>>
      %dma_start3A_18 = arith.constant 0 : i32
      %dma_start3A_19 = arith.constant 0 : i32
      %dma_start3A_20 = tpu.memref_slice %arg8[%dma_start3A_18, %dma_start3A_19] : memref<10240x128xf32, #tpu.memory_space<vmem_shared>> -> memref<10240x128xf32, #tpu.memory_space<vmem_shared>>
      tpu.enqueue_indirect_dma source(%arg7 : memref<128x128xf32, #tpu.memory_space<vmem>>) target(%dma_start3A_20 : memref<10240x128xf32, #tpu.memory_space<vmem_shared>>) offsets(%dma_start3A_17 : memref<128xi32, #tpu.memory_space<vmem>>) semaphore(%arg9 : memref<!tpu.dma_semaphore, #tpu.memory_space<semaphore_mem>>) {add = true}
    }
    %scan3A_7 = arith.constant 40 : i32
    %scan3A_8 = arith.constant 0 : i32
    %scan3A_9 = arith.constant 0 : i32
    %scan3A_10 = arith.constant 40 : i32
    %scan3A_11 = arith.addi %scan3A_9, %scan3A_10 : i32
    %scan3A_12 = arith.constant 1 : i32
    scf.for %scan3A_15 = %scan3A_9 to %scan3A_11 step %scan3A_12  : i32 {
      %dma_wait3A = arith.constant 0 : i32
      %dma_wait3A_16 = tpu.memref_slice %arg6[%scan3A_15, %dma_wait3A] : memref<40x128xi32, #tpu.memory_space<vmem>> -> memref<1x128xi32, #tpu.memory_space<vmem>>
      %dma_wait3A_17 = tpu.memref_squeeze %dma_wait3A_16 : memref<1x128xi32, #tpu.memory_space<vmem>> -> memref<128xi32, #tpu.memory_space<vmem>>
      %dma_wait3A_18 = arith.constant 0 : i32
      %dma_wait3A_19 = arith.constant 0 : i32
      %dma_wait3A_20 = tpu.memref_slice %arg8[%dma_wait3A_18, %dma_wait3A_19] : memref<10240x128xf32, #tpu.memory_space<vmem_shared>> -> memref<10240x128xf32, #tpu.memory_space<vmem_shared>>
      tpu.wait_indirect_dma semaphore(%arg9 : memref<!tpu.dma_semaphore, #tpu.memory_space<semaphore_mem>>) src(%arg7 : memref<128x128xf32, #tpu.memory_space<vmem>>) dst(%dma_wait3A_20 : memref<10240x128xf32, #tpu.memory_space<vmem_shared>>)
    }
    %scan3A_13 = arith.constant 40 : i32
    %barrier3A_14 = arith.constant 0 : index
    tpu.barrier barrier_id(%barrier3A_14)
    "tpu.region"() ({
      %run_scoped3A = tpu.sem_alloc : memref<!tpu.dma_semaphore, #tpu.memory_space<semaphore_mem>>
      %dma_start3A = arith.constant 0 : i32
      %dma_start3A_15 = tpu.memref_slice %arg5[%arg0, %mul3A_2, %dma_start3A] : memref<2x10240x128xf32, #tpu.memory_space<hbm>> -> memref<1x640x128xf32, #tpu.memory_space<hbm>>
      %dma_start3A_16 = tpu.memref_squeeze %dma_start3A_15 : memref<1x640x128xf32, #tpu.memory_space<hbm>> -> memref<640x128xf32, #tpu.memory_space<hbm>>
      %dma_start3A_17 = arith.constant 0 : i32
      %dma_start3A_18 = tpu.memref_slice %arg8[%mul3A_2, %dma_start3A_17] : memref<10240x128xf32, #tpu.memory_space<vmem_shared>> -> memref<640x128xf32, #tpu.memory_space<vmem_shared>>
      tpu.enqueue_dma source(%dma_start3A_18 : memref<640x128xf32, #tpu.memory_space<vmem_shared>>) target(%dma_start3A_16 : memref<640x128xf32, #tpu.memory_space<hbm>>) target_semaphore(%run_scoped3A : memref<!tpu.dma_semaphore, #tpu.memory_space<semaphore_mem>>)
      %dma_wait3A = arith.constant 0 : i32
      %dma_wait3A_19 = tpu.memref_slice %arg5[%arg0, %mul3A_2, %dma_wait3A] : memref<2x10240x128xf32, #tpu.memory_space<hbm>> -> memref<1x640x128xf32, #tpu.memory_space<hbm>>
      %dma_wait3A_20 = tpu.memref_squeeze %dma_wait3A_19 : memref<1x640x128xf32, #tpu.memory_space<hbm>> -> memref<640x128xf32, #tpu.memory_space<hbm>>
      %dma_wait3A_21 = arith.constant 0 : i32
      %dma_wait3A_22 = tpu.memref_slice %arg8[%mul3A_2, %dma_wait3A_21] : memref<10240x128xf32, #tpu.memory_space<vmem_shared>> -> memref<640x128xf32, #tpu.memory_space<vmem_shared>>
      tpu.wait_dma2 semaphore(%run_scoped3A : memref<!tpu.dma_semaphore, #tpu.memory_space<semaphore_mem>>) src(%dma_wait3A_22 : memref<640x128xf32, #tpu.memory_space<vmem_shared>>) dst(%dma_wait3A_20 : memref<640x128xf32, #tpu.memory_space<hbm>>)
      tpu.yield
    }) : () -> ()
    return
  }
}

module attributes {stable_mosaic.version = 14 : i64} {
  func.func @kfn(%arg0: i32, %arg1: memref<2x512x128xf32, #tpu.memory_space<vmem>>, %arg2: memref<2x512x128xf32, #tpu.memory_space<vmem>>, %arg3: memref<2x512x128xf32, #tpu.memory_space<vmem>>, %arg4: memref<512x256xf32, #tpu.memory_space<vmem>>, %arg5: memref<256x512xf32, #tpu.memory_space<vmem>>, %arg6: memref<1x512xf32, #tpu.memory_space<vmem>>, %arg7: memref<256x512xf32, #tpu.memory_space<vmem>>, %arg8: memref<512x128xf32, #tpu.memory_space<vmem>>, %arg9: memref<1x128xf32, #tpu.memory_space<vmem>>, %arg10: memref<512x128xf32, #tpu.memory_space<vmem>>, %arg11: memref<512x128xf32, #tpu.memory_space<vmem>>, %arg12: memref<512x128xf32, #tpu.memory_space<vmem>>) attributes {dimension_semantics = [#tpu.dimension_semantics<arbitrary>], iteration_bounds = array<i64: 20>, scalar_prefetch = 0 : i64, scratch_operands = 0 : i64, tpu.core_type = #tpu.core_type<tc>, window_params = [{transform_indices = @transform_0, window_bounds = array<i64: 2, 512, 128>}, {transform_indices = @transform_1, window_bounds = array<i64: 2, 512, 128>}, {transform_indices = @transform_2, window_bounds = array<i64: 2, 512, 128>}, {transform_indices = @transform_3, window_bounds = array<i64: 512, 256>}, {pipeline_mode = #tpu.pipeline_mode<synchronous>, transform_indices = @transform_4, window_bounds = array<i64: 256, 512>}, {pipeline_mode = #tpu.pipeline_mode<synchronous>, transform_indices = @transform_5, window_bounds = array<i64: 1, 512>}, {pipeline_mode = #tpu.pipeline_mode<synchronous>, transform_indices = @transform_6, window_bounds = array<i64: 256, 512>}, {pipeline_mode = #tpu.pipeline_mode<synchronous>, transform_indices = @transform_7, window_bounds = array<i64: 512, 128>}, {pipeline_mode = #tpu.pipeline_mode<synchronous>, transform_indices = @transform_8, window_bounds = array<i64: 1, 128>}, {pipeline_mode = #tpu.pipeline_mode<synchronous>, transform_indices = @transform_9, window_bounds = array<i64: 512, 128>}, {transform_indices = @transform_10, window_bounds = array<i64: 512, 128>}, {transform_indices = @transform_11, window_bounds = array<i64: 512, 128>}]} {
    %get3A = arith.constant 0 : index
    %get3A_0 = arith.constant 0 : index
    %get3A_1 = arith.constant 0 : index
    %get3A_2 = vector.load %arg3[%get3A, %get3A_0, %get3A_1] : memref<2x512x128xf32, #tpu.memory_space<vmem>>, vector<1x512x128xf32>
    %get3A_3 = vector.shape_cast %get3A_2 : vector<1x512x128xf32> to vector<512x128xf32>
    %get3A_4 = arith.constant 1 : index
    %get3A_5 = arith.constant 0 : index
    %get3A_6 = arith.constant 0 : index
    %get3A_7 = vector.load %arg3[%get3A_4, %get3A_5, %get3A_6] : memref<2x512x128xf32, #tpu.memory_space<vmem>>, vector<1x512x128xf32>
    %get3A_8 = vector.shape_cast %get3A_7 : vector<1x512x128xf32> to vector<512x128xf32>
    %add3A = arith.addf %get3A_3, %get3A_8 : vector<512x128xf32>
    %reduce_sum3A = arith.constant dense<0.000000e+00> : vector<512xf32>
    %reduce_sum3A_9 = vector.multi_reduction <add>, %add3A, %reduce_sum3A [1] : vector<512x128xf32> to vector<512xf32>
    %broadcast_in_dim3A = vector.shape_cast %reduce_sum3A_9 : vector<512xf32> to vector<512x1xf32>
    %max3A = arith.constant 1.280000e+02 : f32
    %max3A_10 = vector.broadcast %max3A : f32 to vector<512x1xf32>
    %max3A_11 = arith.maximumf %broadcast_in_dim3A, %max3A_10 : vector<512x1xf32>
    %div3A = arith.constant 1.280000e+02 : f32
    %div3A_12 = vector.broadcast %div3A : f32 to vector<512x1xf32>
    %div3A_13 = arith.divf %div3A_12, %max3A_11 : vector<512x1xf32>
    %get3A_14 = arith.constant 0 : index
    %get3A_15 = arith.constant 0 : index
    %get3A_16 = arith.constant 0 : index
    %get3A_17 = vector.load %arg1[%get3A_14, %get3A_15, %get3A_16] : memref<2x512x128xf32, #tpu.memory_space<vmem>>, vector<1x512x128xf32>
    %get3A_18 = vector.shape_cast %get3A_17 : vector<1x512x128xf32> to vector<512x128xf32>
    %get3A_19 = arith.constant 1 : index
    %get3A_20 = arith.constant 0 : index
    %get3A_21 = arith.constant 0 : index
    %get3A_22 = vector.load %arg1[%get3A_19, %get3A_20, %get3A_21] : memref<2x512x128xf32, #tpu.memory_space<vmem>>, vector<1x512x128xf32>
    %get3A_23 = vector.shape_cast %get3A_22 : vector<1x512x128xf32> to vector<512x128xf32>
    %add3A_24 = arith.addf %get3A_18, %get3A_23 : vector<512x128xf32>
    %mul3A = vector.broadcast %div3A_13 : vector<512x1xf32> to vector<512x128xf32>
    %mul3A_25 = arith.mulf %add3A_24, %mul3A : vector<512x128xf32>
    %get3A_26 = arith.constant 0 : index
    %get3A_27 = arith.constant 0 : index
    %get3A_28 = arith.constant 0 : index
    %get3A_29 = vector.load %arg2[%get3A_26, %get3A_27, %get3A_28] : memref<2x512x128xf32, #tpu.memory_space<vmem>>, vector<1x512x128xf32>
    %get3A_30 = vector.shape_cast %get3A_29 : vector<1x512x128xf32> to vector<512x128xf32>
    %get3A_31 = arith.constant 1 : index
    %get3A_32 = arith.constant 0 : index
    %get3A_33 = arith.constant 0 : index
    %get3A_34 = vector.load %arg2[%get3A_31, %get3A_32, %get3A_33] : memref<2x512x128xf32, #tpu.memory_space<vmem>>, vector<1x512x128xf32>
    %get3A_35 = vector.shape_cast %get3A_34 : vector<1x512x128xf32> to vector<512x128xf32>
    %add3A_36 = arith.addf %get3A_30, %get3A_35 : vector<512x128xf32>
    %mul3A_37 = vector.broadcast %div3A_13 : vector<512x1xf32> to vector<512x128xf32>
    %mul3A_38 = arith.mulf %add3A_36, %mul3A_37 : vector<512x128xf32>
    %get3A_39 = arith.constant 0 : index
    %get3A_40 = arith.constant 0 : index
    %get3A_41 = vector.load %arg5[%get3A_39, %get3A_40] : memref<256x512xf32, #tpu.memory_space<vmem>>, vector<256x512xf32>
    %slice3A = vector.extract_strided_slice %get3A_41 {offsets = [0, 0], sizes = [128, 512], strides = [1, 1]} : vector<256x512xf32> to vector<128x512xf32>
    %dot_general3A = arith.constant dense<0.000000e+00> : vector<512x512xf32>
    %dot_general3A_42 = tpu.matmul %mul3A_25, %slice3A, %dot_general3A {dimension_numbers = #tpu.dot_dimension_numbers<[1], [0], [0], [1], [0, 0, 1, 1], [], []>, transpose_lhs_hint = false} : vector<512x128xf32>, vector<128x512xf32>, vector<512x512xf32> -> vector<512x512xf32>
    %slice3A_43 = vector.extract_strided_slice %get3A_41 {offsets = [128, 0], sizes = [128, 512], strides = [1, 1]} : vector<256x512xf32> to vector<128x512xf32>
    %dot_general3A_44 = arith.constant dense<0.000000e+00> : vector<512x512xf32>
    %dot_general3A_45 = tpu.matmul %mul3A_38, %slice3A_43, %dot_general3A_44 {dimension_numbers = #tpu.dot_dimension_numbers<[1], [0], [0], [1], [0, 0, 1, 1], [], []>, transpose_lhs_hint = false} : vector<512x128xf32>, vector<128x512xf32>, vector<512x512xf32> -> vector<512x512xf32>
    %add3A_46 = arith.addf %dot_general3A_42, %dot_general3A_45 : vector<512x512xf32>
    %get3A_47 = arith.constant 0 : index
    %get3A_48 = arith.constant 0 : index
    %get3A_49 = vector.load %arg4[%get3A_47, %get3A_48] : memref<512x256xf32, #tpu.memory_space<vmem>>, vector<512x256xf32>
    %get3A_50 = arith.constant 0 : index
    %get3A_51 = arith.constant 0 : index
    %get3A_52 = vector.load %arg7[%get3A_50, %get3A_51] : memref<256x512xf32, #tpu.memory_space<vmem>>, vector<256x512xf32>
    %dot_general3A_53 = arith.constant dense<0.000000e+00> : vector<512x512xf32>
    %dot_general3A_54 = tpu.matmul %get3A_49, %get3A_52, %dot_general3A_53 {dimension_numbers = #tpu.dot_dimension_numbers<[1], [0], [0], [1], [0, 0, 1, 1], [], []>, transpose_lhs_hint = false} : vector<512x256xf32>, vector<256x512xf32>, vector<512x512xf32> -> vector<512x512xf32>
    %add3A_55 = arith.addf %add3A_46, %dot_general3A_54 : vector<512x512xf32>
    %get3A_56 = arith.constant 0 : index
    %get3A_57 = arith.constant 0 : index
    %get3A_58 = vector.load %arg6[%get3A_56, %get3A_57] : memref<1x512xf32, #tpu.memory_space<vmem>>, vector<1x512xf32>
    %add3A_59 = vector.broadcast %get3A_58 : vector<1x512xf32> to vector<512x512xf32>
    %add3A_60 = arith.addf %add3A_55, %add3A_59 : vector<512x512xf32>
    %max3A_61 = arith.constant 0.000000e+00 : f32
    %max3A_62 = vector.broadcast %max3A_61 : f32 to vector<512x512xf32>
    %max3A_63 = arith.maximumf %add3A_60, %max3A_62 : vector<512x512xf32>
    %get3A_64 = arith.constant 0 : index
    %get3A_65 = arith.constant 0 : index
    %get3A_66 = vector.load %arg8[%get3A_64, %get3A_65] : memref<512x128xf32, #tpu.memory_space<vmem>>, vector<512x128xf32>
    %dot_general3A_67 = arith.constant dense<0.000000e+00> : vector<512x128xf32>
    %dot_general3A_68 = tpu.matmul %max3A_63, %get3A_66, %dot_general3A_67 {dimension_numbers = #tpu.dot_dimension_numbers<[1], [0], [0], [1], [0, 0, 1, 1], [], []>, transpose_lhs_hint = false} : vector<512x512xf32>, vector<512x128xf32>, vector<512x128xf32> -> vector<512x128xf32>
    %swap3A = arith.constant 0 : index
    %swap3A_69 = arith.constant 0 : index
    %swap3A_70 = vector.load %arg11[%swap3A, %swap3A_69] : memref<512x128xf32, #tpu.memory_space<vmem>>, vector<512x128xf32>
    tpu.vector_store %arg11[%swap3A, %swap3A_69], %dot_general3A_68 {strides = array<i32>} : memref<512x128xf32, #tpu.memory_space<vmem>>, vector<512x128xf32>,
    %get3A_71 = arith.constant 0 : index
    %get3A_72 = arith.constant 0 : index
    %get3A_73 = vector.load %arg10[%get3A_71, %get3A_72] : memref<512x128xf32, #tpu.memory_space<vmem>>, vector<512x128xf32>
    %dot_general3A_74 = arith.constant dense<0.000000e+00> : vector<512x128xf32>
    %dot_general3A_75 = tpu.matmul %max3A_63, %get3A_73, %dot_general3A_74 {dimension_numbers = #tpu.dot_dimension_numbers<[1], [0], [0], [1], [0, 0, 1, 1], [], []>, transpose_lhs_hint = false} : vector<512x512xf32>, vector<512x128xf32>, vector<512x128xf32> -> vector<512x128xf32>
    %get3A_76 = arith.constant 0 : index
    %get3A_77 = arith.constant 0 : index
    %get3A_78 = vector.load %arg9[%get3A_76, %get3A_77] : memref<1x128xf32, #tpu.memory_space<vmem>>, vector<1x128xf32>
    %add3A_79 = vector.broadcast %get3A_78 : vector<1x128xf32> to vector<512x128xf32>
    %add3A_80 = arith.addf %dot_general3A_75, %add3A_79 : vector<512x128xf32>
    %swap3A_81 = arith.constant 0 : index
    %swap3A_82 = arith.constant 0 : index
    %swap3A_83 = vector.load %arg12[%swap3A_81, %swap3A_82] : memref<512x128xf32, #tpu.memory_space<vmem>>, vector<512x128xf32>
    tpu.vector_store %arg12[%swap3A_81, %swap3A_82], %add3A_80 {strides = array<i32>} : memref<512x128xf32, #tpu.memory_space<vmem>>, vector<512x128xf32>,
    return
  }
  func.func @transform_0(%arg0: i32) -> (i32, i32, i32) {
    %c0_i32 = arith.constant 0 : i32
    %c0_i32_0 = arith.constant 0 : i32
    %c0_i32_1 = arith.constant 0 : i32
    return %c0_i32, %arg0, %c0_i32_0 : i32, i32, i32
  }
  func.func @transform_1(%arg0: i32) -> (i32, i32, i32) {
    %c0_i32 = arith.constant 0 : i32
    %c0_i32_0 = arith.constant 0 : i32
    %c0_i32_1 = arith.constant 0 : i32
    return %c0_i32, %arg0, %c0_i32_0 : i32, i32, i32
  }
  func.func @transform_2(%arg0: i32) -> (i32, i32, i32) {
    %c0_i32 = arith.constant 0 : i32
    %c0_i32_0 = arith.constant 0 : i32
    %c0_i32_1 = arith.constant 0 : i32
    return %c0_i32, %arg0, %c0_i32_0 : i32, i32, i32
  }
  func.func @transform_3(%arg0: i32) -> (i32, i32) {
    %c0_i32 = arith.constant 0 : i32
    %c0_i32_0 = arith.constant 0 : i32
    return %arg0, %c0_i32 : i32, i32
  }
  func.func @transform_4(%arg0: i32) -> (i32, i32) {
    %c0_i32 = arith.constant 0 : i32
    %c0_i32_0 = arith.constant 0 : i32
    %c0_i32_1 = arith.constant 0 : i32
    return %c0_i32, %c0_i32_0 : i32, i32
  }
  func.func @transform_5(%arg0: i32) -> (i32, i32) {
    %c0_i32 = arith.constant 0 : i32
    %c0_i32_0 = arith.constant 0 : i32
    %c0_i32_1 = arith.constant 0 : i32
    return %c0_i32, %c0_i32_0 : i32, i32
  }
  func.func @transform_6(%arg0: i32) -> (i32, i32) {
    %c0_i32 = arith.constant 0 : i32
    %c0_i32_0 = arith.constant 0 : i32
    %c0_i32_1 = arith.constant 0 : i32
    return %c0_i32, %c0_i32_0 : i32, i32
  }
  func.func @transform_7(%arg0: i32) -> (i32, i32) {
    %c0_i32 = arith.constant 0 : i32
    %c0_i32_0 = arith.constant 0 : i32
    %c0_i32_1 = arith.constant 0 : i32
    return %c0_i32, %c0_i32_0 : i32, i32
  }
  func.func @transform_8(%arg0: i32) -> (i32, i32) {
    %c0_i32 = arith.constant 0 : i32
    %c0_i32_0 = arith.constant 0 : i32
    %c0_i32_1 = arith.constant 0 : i32
    return %c0_i32, %c0_i32_0 : i32, i32
  }
  func.func @transform_9(%arg0: i32) -> (i32, i32) {
    %c0_i32 = arith.constant 0 : i32
    %c0_i32_0 = arith.constant 0 : i32
    %c0_i32_1 = arith.constant 0 : i32
    return %c0_i32, %c0_i32_0 : i32, i32
  }
  func.func @transform_10(%arg0: i32) -> (i32, i32) {
    %c0_i32 = arith.constant 0 : i32
    %c0_i32_0 = arith.constant 0 : i32
    return %arg0, %c0_i32 : i32, i32
  }
  func.func @transform_11(%arg0: i32) -> (i32, i32) {
    %c0_i32 = arith.constant 0 : i32
    %c0_i32_0 = arith.constant 0 : i32
    return %arg0, %c0_i32 : i32, i32
  }
}

module attributes {stable_mosaic.version = 14 : i64} {
  func.func @kfn(%arg0: i32, %arg1: memref<2x512x128xf32, #tpu.memory_space<vmem>>, %arg2: memref<2x512x128xf32, #tpu.memory_space<vmem>>, %arg3: memref<512x128xf32, #tpu.memory_space<vmem>>, %arg4: memref<512x128xf32, #tpu.memory_space<vmem>>) attributes {dimension_semantics = [#tpu.dimension_semantics<arbitrary>], iteration_bounds = array<i64: 20>, scalar_prefetch = 0 : i64, scratch_operands = 0 : i64, tpu.core_type = #tpu.core_type<tc>, window_params = [{transform_indices = @transform_0, window_bounds = array<i64: 2, 512, 128>}, {transform_indices = @transform_1, window_bounds = array<i64: 2, 512, 128>}, {transform_indices = @transform_2, window_bounds = array<i64: 512, 128>}, {transform_indices = @transform_3, window_bounds = array<i64: 512, 128>}]} {
    %get3A = arith.constant 0 : index
    %get3A_0 = arith.constant 0 : index
    %get3A_1 = arith.constant 0 : index
    %get3A_2 = vector.load %arg2[%get3A, %get3A_0, %get3A_1] : memref<2x512x128xf32, #tpu.memory_space<vmem>>, vector<1x512x128xf32>
    %get3A_3 = vector.shape_cast %get3A_2 : vector<1x512x128xf32> to vector<512x128xf32>
    %get3A_4 = arith.constant 1 : index
    %get3A_5 = arith.constant 0 : index
    %get3A_6 = arith.constant 0 : index
    %get3A_7 = vector.load %arg2[%get3A_4, %get3A_5, %get3A_6] : memref<2x512x128xf32, #tpu.memory_space<vmem>>, vector<1x512x128xf32>
    %get3A_8 = vector.shape_cast %get3A_7 : vector<1x512x128xf32> to vector<512x128xf32>
    %add3A = arith.addf %get3A_3, %get3A_8 : vector<512x128xf32>
    %reduce_sum3A = arith.constant dense<0.000000e+00> : vector<512xf32>
    %reduce_sum3A_9 = vector.multi_reduction <add>, %add3A, %reduce_sum3A [1] : vector<512x128xf32> to vector<512xf32>
    %broadcast_in_dim3A = vector.shape_cast %reduce_sum3A_9 : vector<512xf32> to vector<512x1xf32>
    %max3A = arith.constant 1.280000e+02 : f32
    %max3A_10 = vector.broadcast %max3A : f32 to vector<512x1xf32>
    %max3A_11 = arith.maximumf %broadcast_in_dim3A, %max3A_10 : vector<512x1xf32>
    %div3A = arith.constant 1.280000e+02 : f32
    %div3A_12 = vector.broadcast %div3A : f32 to vector<512x1xf32>
    %div3A_13 = arith.divf %div3A_12, %max3A_11 : vector<512x1xf32>
    %get3A_14 = arith.constant 0 : index
    %get3A_15 = arith.constant 0 : index
    %get3A_16 = arith.constant 0 : index
    %get3A_17 = vector.load %arg1[%get3A_14, %get3A_15, %get3A_16] : memref<2x512x128xf32, #tpu.memory_space<vmem>>, vector<1x512x128xf32>
    %get3A_18 = vector.shape_cast %get3A_17 : vector<1x512x128xf32> to vector<512x128xf32>
    %get3A_19 = arith.constant 1 : index
    %get3A_20 = arith.constant 0 : index
    %get3A_21 = arith.constant 0 : index
    %get3A_22 = vector.load %arg1[%get3A_19, %get3A_20, %get3A_21] : memref<2x512x128xf32, #tpu.memory_space<vmem>>, vector<1x512x128xf32>
    %get3A_23 = vector.shape_cast %get3A_22 : vector<1x512x128xf32> to vector<512x128xf32>
    %add3A_24 = arith.addf %get3A_18, %get3A_23 : vector<512x128xf32>
    %mul3A = vector.broadcast %div3A_13 : vector<512x1xf32> to vector<512x128xf32>
    %mul3A_25 = arith.mulf %add3A_24, %mul3A : vector<512x128xf32>
    %get3A_26 = arith.constant 0 : index
    %get3A_27 = arith.constant 0 : index
    %get3A_28 = vector.load %arg3[%get3A_26, %get3A_27] : memref<512x128xf32, #tpu.memory_space<vmem>>, vector<512x128xf32>
    %add3A_29 = arith.addf %mul3A_25, %get3A_28 : vector<512x128xf32>
    %reduce_max3A = arith.constant dense<0xFF800000> : vector<512xf32>
    %reduce_max3A_30 = vector.multi_reduction <maximumf>, %add3A_29, %reduce_max3A [1] : vector<512x128xf32> to vector<512xf32>
    %broadcast_in_dim3A_31 = vector.shape_cast %reduce_max3A_30 : vector<512xf32> to vector<512x1xf32>
    %sub3A = vector.broadcast %broadcast_in_dim3A_31 : vector<512x1xf32> to vector<512x128xf32>
    %sub3A_32 = arith.subf %add3A_29, %sub3A : vector<512x128xf32>
    %exp3A = math.exp %sub3A_32 : vector<512x128xf32>
    %sub3A_33 = vector.broadcast %broadcast_in_dim3A_31 : vector<512x1xf32> to vector<512x128xf32>
    %sub3A_34 = arith.subf %add3A_29, %sub3A_33 : vector<512x128xf32>
    %reduce_sum3A_35 = arith.constant dense<0.000000e+00> : vector<512xf32>
    %reduce_sum3A_36 = vector.multi_reduction <add>, %exp3A, %reduce_sum3A_35 [1] : vector<512x128xf32> to vector<512xf32>
    %broadcast_in_dim3A_37 = vector.shape_cast %reduce_sum3A_36 : vector<512xf32> to vector<512x1xf32>
    %log3A = math.log %broadcast_in_dim3A_37 : vector<512x1xf32>
    %sub3A_38 = vector.broadcast %log3A : vector<512x1xf32> to vector<512x128xf32>
    %sub3A_39 = arith.subf %sub3A_34, %sub3A_38 : vector<512x128xf32>
    %swap3A = arith.constant 0 : index
    %swap3A_40 = arith.constant 0 : index
    %swap3A_41 = vector.load %arg4[%swap3A, %swap3A_40] : memref<512x128xf32, #tpu.memory_space<vmem>>, vector<512x128xf32>
    tpu.vector_store %arg4[%swap3A, %swap3A_40], %sub3A_39 {strides = array<i32>} : memref<512x128xf32, #tpu.memory_space<vmem>>, vector<512x128xf32>,
    return
  }
  func.func @transform_0(%arg0: i32) -> (i32, i32, i32) {
    %c0_i32 = arith.constant 0 : i32
    %c0_i32_0 = arith.constant 0 : i32
    %c0_i32_1 = arith.constant 0 : i32
    return %c0_i32, %arg0, %c0_i32_0 : i32, i32, i32
  }
  func.func @transform_1(%arg0: i32) -> (i32, i32, i32) {
    %c0_i32 = arith.constant 0 : i32
    %c0_i32_0 = arith.constant 0 : i32
    %c0_i32_1 = arith.constant 0 : i32
    return %c0_i32, %arg0, %c0_i32_0 : i32, i32, i32
  }
  func.func @transform_2(%arg0: i32) -> (i32, i32) {
    %c0_i32 = arith.constant 0 : i32
    %c0_i32_0 = arith.constant 0 : i32
    return %arg0, %c0_i32 : i32, i32
  }
  func.func @transform_3(%arg0: i32) -> (i32, i32) {
    %c0_i32 = arith.constant 0 : i32
    %c0_i32_0 = arith.constant 0 : i32
    return %arg0, %c0_i32 : i32, i32
  }
}

</mosaic_0001>

<sc_bundles>
// kernel: kernel.11.cloned.1.call-start
scs
__scs_entry_jumppad:
0x0: {  	(pc) =	sbr.rel $0x88, $3  }
0x1: {  	(tag) =	ssettag $0x0;
	lr =	simm.s32 $0x1  }
0x2: {  	[smem:$0x3F99] =	sst lr;
	_ =	strace $0xD0000000  }
0x3: {  	_ = 	snop  }
0x4: {  	_ = 	snop  }
0x5: {  	_ = 	snop  }
0x6: {  	_ = 	snop  }
0x7: {  	_ = 	snop  }
__scs_overlays_trampoline_lowered:
0x8: {  	[smem:$0x3FA8] =	sst s0  }
0x9: {  	[smem:$0x3FA9] =	sst s1  }
0xa: {  	[smem:$0x3FAA] =	sst s2  }
0xb: {  	[smem:$0x3FAB] =	sst s3  }
0xc: {  	[smem:$0x3FAC] =	sst s4  }
0xd: {  	[smem:$0x3FAD] =	sst s5  }
0xe: {  	[smem:$0x3FAE] =	sst s6  }
0xf: {  	[smem:$0x3FAF] =	sst s7  }
0x10: {  	[smem:$0x3FB0] =	sst s8  }
0x11: {  	[smem:$0x3FB1] =	sst s9;
	s0 =	simm.s32 @!p0 $0x0  }
0x12: {  	s1 =	sld [smem:$0x3F97];
	s0 =	simm.s32 @p0 $0x1  }
0x13: {  	[smem:$0x3FB2] =	sst s0;
	s0 =	simm.s32 @!p1 $0x0  }
0x14: {  	s2 =	sld [smem:$0x3F96];
	s0 =	simm.s32 @p1 $0x1  }
0x15: {  	[smem:$0x3FB3] =	sst s0;
	s0 =	simm.s32 @!p2 $0x0  }
0x16: {  	s3 =	sld [smem:$0x3FDB];
	s0 =	simm.s32 @p2 $0x1  }
0x17: {  	s4 =	simm.s32 $0x1BF5;
	[smem:$0x3FB5] =	sst s0  }
0x18: {  	s0 =	sld [smem:$0x3F98];
	_ =	swait.ge [sflag:s4], $0x0  }
0x19: {  	s7 =	sld [smem:$0x3F99]  }
0x1a: {  	s8 =	sadd.s32 $0xFFFFE003, lr  }
0x1b: {  	s9 =	sadd.s32 $0xFFFFFEF7, lr;
	s5 =	simm.s32 $0xFFFFFFFF;
	p2 =	slt.u32 s8, $0xFFFFF086  }
0x1c: {  	p1 =	slt.u32 s9, $0xF7A;
	s5 =	simm.s32 @!p2 $0x0  }
0x1d: {  	s5 =	simm.s32 @p1 $0x1;
	p0 =	seq.s32 s7, s2  }
0x1e: {  	s7 =	smul.u32 @!p0 $0xF7A, s2;
	p2 =	seq.s32 @!p0 s5, $0x0  }
0x1f: {  	s9 =	smul.u32 $0xF7A, s1;
	s8 =	simm.s32 @!p0 $0x1BF5;
	p2 =	por !p2, p0  }
0x20: {  	[sflag:s8] =	ssyncset.s32 @!p0 $0xFFFFF086;
	s6 =	sadd.s32 @!p0 s3, s7;
	s7 =	simm.s32 @!p0 $0x108  }
0x21: {  	s3 =	sadd.s32 s3, s9;
	s6 =	sadd.s32 @!p0 $0x88, s6;
	s7 =	simm.s32 @p2 $0x1082  }
0x22: {  	[simem:s7], [sflag:s8] =	dma.local @!p0 [hbm:s6], $0xF7A  }
0x23: {  	s9 =	sor.u32 $0xD0000000, s2;
	s6 =	simm.s32 $0x108;
	_ =	swait.ge @!p0 [sflag:s8], $0x0  }
0x24: {  	s3 =	sadd.s32 $0x88, s3;
	s6 =	simm.s32 @!p1 $0x1082;
	[sflag:s4] =	ssyncset.s32 $0xFFFFF086  }
0x25: {  	[simem:s6], [sflag:s4] =	dma.local [hbm:s3], $0xF7A  }
0x26: {  	[smem:$0x3F99] =	sst s1;
	(tag) =	ssettag s2;
	_ =	strace s9  }
0x27: {  	s1 =	sld [smem:$0x3FA9]  }
0x28: {  	s2 =	sld [smem:$0x3FAA]  }
0x29: {  	s4 =	sld [smem:$0x3FAC]  }
0x2a: {  	p0 =	seq.s32 s5, $0x0;
	s5 =	sld [smem:$0x3FAD]  }
0x2b: {  	s6 =	sld [smem:$0x3FAE]  }
0x2c: {  	s7 =	sld [smem:$0x3FAF]  }
0x2d: {  	s3 =	simm.s32 $0x108;
	s8 =	sld [smem:$0x3FB0]  }
0x2e: {  	s3 =	simm.s32 @!p0 $0x1082;
	s9 =	sld [smem:$0x3FB1]  }
0x2f: {  	lr =	sadd.s32 s0, s3;
	s0 =	sld [smem:$0x3FA8]  }
0x30: {  	s3 =	sld [smem:$0x3FAB]  }
0x31: {  	[smem:$0x3FB4] =	sst s10  }
0x32: {  	s10 =	sld [smem:$0x3FB2];
	_ =	sdelay $0x3  }
0x33: {  	p0 =	seq.s32 s10, $0x1;
	s10 =	sld [smem:$0x3FB4];
	_ =	sdelay $0x3  }
0x34: {  	[smem:$0x3FB4] =	sst s10  }
0x35: {  	s10 =	sld [smem:$0x3FB3];
	_ =	sdelay $0x3  }
0x36: {  	p1 =	seq.s32 s10, $0x1;
	s10 =	sld [smem:$0x3FB4];
	_ =	sdelay $0x3  }
0x37: {  	[smem:$0x3FB4] =	sst s10  }
0x38: {  	s10 =	sld [smem:$0x3FB5]  }
0x39: {  	_ = 	snop;
	(pc) =	sbr.ind lr, $3  }
0x3a: {  	_ = 	snop  }
0x3b: {  	_ = 	snop  }
0x3c: {  	p2 =	seq.s32 s10, $0x1;
	s10 =	sld [smem:$0x3FB4]  }
0x3d: {  	_ =	shalt  }
0x3e: {  	_ =	shalt  }
0x3f: {  	_ =	shalt  }
0x40: {  	_ =	shalt  }
0x41: {  	_ =	shalt  }
0x42: {  	_ =	shalt  }
0x43: {  	_ =	shalt  }
0x44: {  	_ =	shalt  }
0x45: {  	_ =	shalt  }
0x46: {  	_ =	shalt  }
0x47: {  	_ =	shalt  }
0x48: {  	_ =	shalt  }
0x49: {  	_ =	shalt  }
0x4a: {  	_ =	shalt  }
0x4b: {  	_ =	shalt  }
0x4c: {  	_ =	shalt  }
0x4d: {  	_ =	shalt  }
0x4e: {  	_ =	shalt  }
0x4f: {  	_ =	shalt  }
0x50: {  	_ =	shalt  }
0x51: {  	_ =	shalt  }
0x52: {  	_ =	shalt  }
0x53: {  	_ =	shalt  }
0x54: {  	_ =	shalt  }
0x55: {  	_ =	shalt  }
0x56: {  	_ =	shalt  }
0x57: {  	_ =	shalt  }
0x58: {  	_ =	shalt  }
0x59: {  	_ =	shalt  }
0x5a: {  	_ =	shalt  }
0x5b: {  	_ =	shalt  }
0x5c: {  	_ =	shalt  }
0x5d: {  	_ =	shalt  }
0x5e: {  	_ =	shalt  }
0x5f: {  	_ =	shalt  }
0x60: {  	_ =	shalt  }
0x61: {  	_ =	shalt  }
0x62: {  	_ =	shalt  }
0x63: {  	_ =	shalt  }
0x64: {  	_ =	shalt  }
0x65: {  	_ =	shalt  }
0x66: {  	_ =	shalt  }
0x67: {  	_ =	shalt  }
0x68: {  	_ =	shalt  }
0x69: {  	_ =	shalt  }
0x6a: {  	_ =	shalt  }
0x6b: {  	_ =	shalt  }
0x6c: {  	_ =	shalt  }
0x6d: {  	_ =	shalt  }
0x6e: {  	_ =	shalt  }
0x6f: {  	_ =	shalt  }
0x70: {  	_ =	shalt  }
0x71: {  	_ =	shalt  }
0x72: {  	_ =	shalt  }
0x73: {  	_ =	shalt  }
0x74: {  	_ =	shalt  }
0x75: {  	_ =	shalt  }
0x76: {  	_ =	shalt  }
0x77: {  	_ =	shalt  }
0x78: {  	_ =	shalt  }
0x79: {  	_ =	shalt  }
0x7a: {  	_ =	shalt  }
0x7b: {  	_ =	shalt  }
0x7c: {  	_ =	shalt  }
0x7d: {  	_ =	shalt  }
0x7e: {  	_ =	shalt  }
0x7f: {  	_ =	shalt  }
0x80: {  	_ =	shalt  }
0x81: {  	_ =	shalt  }
0x82: {  	_ =	shalt  }
0x83: {  	_ =	shalt  }
0x84: {  	_ =	shalt  }
0x85: {  	_ =	shalt  }
0x86: {  	_ =	shalt  }
0x87: {  	_ =	shalt  }
.Lfunc_end0:
.L_simem_size_0:
called_computation.1_lowered:
.L_overlay_start_0:
0x88: {  	s2 =	sld [smem:$0x3FD9]  }
0x89: {  	s3 =	sld [smem:$0x3FFE];
	_ =	sdelay $0x1  }
0x8a: {  	s1 =	srdreg.scid  }
0x8b: {  	s0 =	sand.u32 $0x1, s1  }
0x8c: {  	s17 =	sshll.u32 s0, $0xA;
	s2 =	sadd.s32 s3, s2  }
0x8d: {  	s2 =	sadd.s32 s2, s17  }
0x8e: {  	[smem:$0x3FC0] =	sst s2  }
0x8f: {  	_ = 	snop  }
0x90: {  	s18 =	sld [smem:$0x3FD0];
	(tm) =	ssettm $0x1  }
0x91: {  	s19 =	sld [smem:$0x3FFB];
	_ =	sdelay $0x3  }
0x92: {  	_ =	strace s19  }
0x93: {  	s2 =	sld [smem:$0x3FFC];
	_ =	sdelay $0x3  }
0x94: {  	_ =	strace s2  }
0x95: {  	s2 =	sld [smem:$0x3FFD];
	_ =	sdelay $0x3  }
0x96: {  	_ =	strace s2  }
0x97: {  	_ =	strace $0x8FFFFFFF  }
0x98: {  	s20 =	sld [smem:$0x3FDB];
	_ =	sdelay $0x1  }
0x99: {  	s4 =	simm.s32 $_scs_section_size  }
0x9a: {  	s5 =	simm.s32 $_size__tile_overlayer_lowered;
	s6 =	simm.s32 $_tile_overlayer_lowered  }
0x9b: {  	s7 =	simm.s32 $0x1BFF;
	s21 =	sshll.u32 s6, $0x1;
	s4 =	sadd.s32 s4, s20  }
0x9c: {  	s22 =	simm.s32 $0x0;
	s5 =	sshll.u32 s5, $0x1;
	s6 =	sadd.s32 s21, s4  }
0x9d: {  	[timem:s22], [sflag:s7] =	dma.local [hbm:s6], s5  }
0x9e: {  	_ =	swait.ge [sflag:s7], s5  }
0x9f: {  	s5 =	ssub.s32 $0x0, s5;
	[sflag:s7] =	ssyncset.done $0x0  }
0xa0: {  	[sflag:s7] =	ssyncadd.s32 s5;
	_ =	sdelay $0x1  }
0xa1: {  	s23 =	simm.s32 $0x1B8B  }
0xa2: {  	_ =	swait.ge [sflag:s23], $0x1  }
0xa3: {  	[sflag:s23] =	ssyncset.done $0x0  }
0xa4: {  	[sflag:s23] =	ssyncadd.s32 $0xFFFFFFFF  }
0xa5: {  	s5 =	sld [smem:$0x0]  }
0xa6: {  	s6 =	sand.u32 $0xFFFFFFFE, s1  }
0xa7: {  	p0 =	sne.s32 s1, s6  }
0xa8: {  	s6 =	sshll.u32 @p0 s6, $0xE  }
0xa9: {  	s6 =	sadd.s32 @p0 $0x11B8D, s6;
	s7 =	sshll.u32 @p0 s5, $0x11  }
0xaa: {  	s6 =	sor.u32 @p0 s7, s6  }
0xab: {  	[sflag:s6] =	ssyncadd.remote.s32 @p0 $0x1;
	_ =	sdelay $0x1  }
0xac: {  	s6 =	simm.s32 @p0 $0x1B8D  }
0xad: {  	_ =	swait.eq @p0 [sflag:s6], $0x1  }
0xae: {  	[sflag:s6] =	ssyncadd.s32 @p0 $0xFFFFFFFF  }
0xaf: {  	s7 =	sshll.u32 @!p0 s1, $0xE  }
0xb0: {  	s7 =	sor.u32 @!p0 $0x4000, s7;
	s6 =	simm.s32 @!p0 $0x1B8D  }
0xb1: {  	s5 =	sshll.u32 @!p0 s5, $0x11;
	s7 =	sadd.s32 @!p0 $0x11B8D, s7;
	_ =	swait.eq @!p0 [sflag:s6], $0x1  }
0xb2: {  	s5 =	sor.u32 @!p0 s5, s7;
	[sflag:s6] =	ssyncadd.s32 @!p0 $0xFFFFFFFF  }
0xb3: {  	s25 =	simm.s32 $0x1B8E;
	s24 =	sld [smem:$0x3FFE];
	[sflag:s5] =	ssyncadd.remote.s32 @!p0 $0x1  }
0xb4: {  	s26 =	simm.s32 $execute0_lowered;
	[smem:$0x3FD2] =	sst s25  }
0xb5: {  	s6 =	sshll.u32 s26, $0x1;
	_ =	strace $0x80000049;
	[dreg:$0x1] =	wrdreg $0xFFFFFFFF  }
0xb6: {  	s28 =	simm.s32 $_size_execute0_lowered;
	s4 =	sadd.s32 s4, s6;
	[dreg:$0x0] =	wrdreg $0x0  }
0xb7: {  	s6 =	sshll.u32 s28, $0x1;
	[dreg:$0x2] =	wrdreg s4  }
0xb8: {  	[dreg:$0x3] =	wrdreg s6  }
0xb9: {  	[dreg:$0x4] =	wrdreg $0xC0  }
0xba: {  	_ =	task [dreg:s22], $0x5FFFF  }
0xbb: {  	[dreg:$0x1] =	wrdreg $0xFFFFFFFF  }
0xbc: {  	[dreg:$0x0] =	wrdreg $0x60  }
0xbd: {  	[dreg:$0x2] =	wrdreg s24  }
0xbe: {  	[dreg:$0x3] =	wrdreg s18  }
0xbf: {  	[dreg:$0x4] =	wrdreg $0xA8000  }
0xc0: {  	[dreg:$0x5] =	wrdreg $0xA  }
0xc1: {  	_ =	task.clear_ibuf [dreg:s22], $0x6FFFF;
	_ =	strace $0x90000049  }
0xc2: {  	s29 =	simm.s32 $0xA;
	_ =	strace $0x8000004B  }
0xc3: {  	_ =	swait.ge [sflag:s29], $0x1  }
0xc4: {  	[sflag:s29] =	ssyncadd.s32 $0xFFFFFFFF  }
0xc5: {  	_ =	strace $0x9000004B  }
0xc6: {  	_ =	sfence  }
0xc7: {  	s30 =	sld [smem:$0x0];
	_ =	sdelay $0x2  }
0xc8: {  	s31 =	sshll.u32 s1, $0xD;
	s1 =	sshrl.u32 s1, $0x2  }
0xc9: {  	s4 =	sand.u32 $0x4000, s31;
	s1 =	sadd.s32 s1, s30  }
0xca: {  	s0 =	sor.u32 s4, s0;
	s1 =	sshll.u32 s1, $0x11  }
0xcb: {  	s0 =	sor.u32 s1, s0  }
0xcc: {  	s0 =	sadd.s32 $0x8F2B, s0  }
0xcd: {  	[sflag:s0] =	ssyncadd.remote.s32 $0x1  }
0xce: {  	_ =	sfence.sel $0xFFFF  }
0xcf: {  	[dreg:$0x0] =	wrdreg $0xFFFFFFFF;
	(pc) =	sbr.abs _section_cstart, $3  }
0xd0: {  	[dreg:$0x1] =	wrdreg $0xFFFFFFFF  }
0xd1: {  	_ =	task.clear_ibuf [dreg:s22], $0x2FFFF;
	_ =	strace $0x9FFFFFFF  }
0xd2: {  	(tm) =	ssettm $0x7FFFFFFF  }
0xd3: {  	_ =	shalt  }
tec
execute0_lowered:
.L_overlay_start_1:
0x0: {  	(tag) =	ssettag $0x1  }
0x1: {  	s5 =	rddreg [dreg:$0x0]  }
0x2: {  	s0 =	srdreg.scid;
	s7 =	rddreg [dreg:$0x1]  }
0x3: {  	s2 =	rddreg [dreg:$0x2];
	s3 =	simm.s32 $0x0;
	s15 =	simm.s32 $0x2800  }
0x4: {  	s16 =	simm.s32 $0x6800;
	s17 =	simm.s32 $0x1;
	s18 =	simm.s32 $0x2  }
0x5: {  	s19 =	simm.s32 $0x3;
	s20 =	simm.s32 $0x4;
	s21 =	simm.s32 $0x2700  }
0x6: {  	s22 =	simm.s32 $0x2780;
	s6 =	sand.u32 $0x1, s0;
	s0 =	stileid.u32  }
0x7: {  	s23 =	simm.s32 $0x0;
	[smem:$0x7FF] =	sst s3;
	s9 =	smul.u32 $0x14000, s0  }
0x8: {  	s1 =	sshll.u32 s6, $0x4;
	s10 =	smul.u32 $0x140000, s6;
	s6 =	ssub.s32 $0x2, s6  }
0x9: {  	s29 =	smul.u32 $0x50000, s0;
	s31 =	sshll.u32 s0, $0x6;
	s4 =	sor.u32 s0, s1  }
0xa: {  	s1 =	rddreg [dreg:$0x3];
	_ =	strace $0x8000004A;
	s13 =	sshrl.u32 s6, $0x1  }
0xb: {  	s8 =	smul.u32 $0x280, s4;
	s4 =	sadd.s32 $0x2F000, s5;
	s12 =	sshrl.u32 s9, $0x3  }
0xc: {  	s9 =	sadd.s32 s9, s10;
	s13 =	ssub.s32 s6, s13;
	s30 =	sshrl.u32 s29, $0x2  }
0xd: {  	s6 =	sor.u32 $0x1C05, s31;
	s12 =	sadd.s32 s12, s5;
	s9 =	sshrl.u32 s9, $0x3  }
0xe: {  	s14 =	sadd.s32 s30, s2;
	s10 =	smax.u32 s13, $0x1;
	s13 =	simm.s32 $0x1400  }
0xf: {  	s11 =	sadd.s32 s8, s5;
	s9 =	sadd.s32 s9, s5;
	s5 =	sadd.s32 $0x57000, s12  }
0x10: {  	s7 =	sadd.s32 s7, s8;
	s12 =	simm.s32 $0x5;
	s8 =	sadd.s32 $0x2000, s11  }
0x11: {  	s9 =	sadd.s32 $0xCF000, s9;
	s11 =	sshrl.u32 s14, $0x3;
	s14 =	simm.s32 $0x80  }
.LBB2_1:
0x12: {  	[spmem:s11], [sflag:s6] =	dma.local [hbm:s5], $0x2800  }
0x13: {  	_ =	swait.ge [sflag:s12], $0x2800  }
0x14: {  	[sflag:s12] =	ssyncset.done $0x0  }
0x15: {  	[sflag:s12] =	ssyncadd.s32 $0xFFFFD800  }
0x16: {  	[tilespmem:s3], [sflag:$0x5] =	stream.linear.gather [hbm4b:s7+s3], $0x1400, $0x38;
	[tilespmem:$0x1E800] =	vst v63  }
0x17: {  	_ =	swait.ge [sflag:s12], $0x1400  }
0x18: {  	[sflag:s12] =	ssyncset.done $0x0  }
0x19: {  	[sflag:s12] =	ssyncadd.s32 $0xFFFFEC00  }
0x1a: {  	[tilespmem:s13], [sflag:$0x5] =	stream.linear.gather [hbm4b:s8+s3], $0x1400, $0x38;
	[tilespmem:$0x1E800] =	vst v63  }
0x1b: {  	_ =	swait.ge [sflag:s12], $0x1400  }
0x1c: {  	[sflag:s12] =	ssyncset.done $0x0  }
0x1d: {  	[sflag:s12] =	ssyncadd.s32 $0xFFFFEC00  }
0x1e: {  	[bflag:$0x0] =	sbarrier.arrive $0xFFFF  }
0x1f: {  	[tilespmem:s15], [sflag:$0x1] =	stream.indirect.gather [hbm4b:s4+s14], $0x80, s3, s14, $0xb8;
	[tilespmem:$0x1E800] =	vst v63  }
0x20: {  	_ = 	snop  }
0x21: {  	[tilespmem:s16], [sflag:$0x2] =	stream.indirect.gather [hbm4b:s4+s14], $0x80, s14, s14, $0xb8;
	[tilespmem:$0x1E800] =	vst v63  }
0x22: {  	_ =	swait.ge [sflag:s17], $0x4000  }
0x23: {  	[sflag:s17] =	ssyncset.done $0x0  }
0x24: {  	s24 =	simm.s32 $0x1400;
	[sflag:s17] =	ssyncadd.s32 $0xFFFFC000  }
0x25: {  	[spmem:s2] =	stream.indirect.scatter.add.f32 [tilespmem:s15], [sflag:$0x3], $0x80, s24, s14, $0xb8;
	[tilespmem:$0x1E800] =	vst v63  }
0x26: {  	_ =	swait.ge [sflag:s18], $0x4000  }
0x27: {  	[sflag:s18] =	ssyncset.done $0x0  }
0x28: {  	s30 =	simm.s32 $0x1480;
	[sflag:s18] =	ssyncadd.s32 $0xFFFFC000  }
0x29: {  	[spmem:s2] =	stream.indirect.scatter.add.f32 [tilespmem:s16], [sflag:$0x4], $0x80, s30, s14, $0xb8;
	[tilespmem:$0x1E800] =	vst v63  }
0x2a: {  	_ =	swait.ge [sflag:s19], $0x4000  }
0x2b: {  	[sflag:s19] =	ssyncset.done $0x0  }
0x2c: {  	s31 =	simm.s32 $0x100;
	[sflag:s19] =	ssyncadd.s32 $0xFFFFC000  }
0x2d: {  	[tilespmem:s15], [sflag:$0x1] =	stream.indirect.gather [hbm4b:s4+s14], $0x80, s31, s14, $0xb8;
	[tilespmem:$0x1E800] =	vst v63  }
0x2e: {  	_ =	swait.ge [sflag:s20], $0x4000  }
0x2f: {  	[sflag:s20] =	ssyncset.done $0x0  }
0x30: {  	s25 =	simm.s32 $0x180;
	s24 =	simm.s32 $0x400;
	[sflag:s20] =	ssyncadd.s32 $0xFFFFC000  }
.LBB2_2:
0x31: {  	[tilespmem:s16], [sflag:$0x2] =	stream.indirect.gather [hbm4b:s4+s14], $0x80, s25, s14, $0xb8;
	[tilespmem:$0x1E800] =	vst v63  }
0x32: {  	s25 =	smov.u32 s24  }
0x33: {  	p0 =	sne.s32 s24, $0x4800;
	s24 =	sadd.s32 $0x400, s24;
	_ =	swait.ge [sflag:s17], $0x4000  }
0x34: {  	s25 =	sshra.s32 s25, $0x2;
	[sflag:s17] =	ssyncset.done $0x0  }
0x35: {  	s26 =	sadd.s32 $0x1400, s25;
	[sflag:s17] =	ssyncadd.s32 $0xFFFFC000  }
0x36: {  	[spmem:s2] =	stream.indirect.scatter.add.f32 [tilespmem:s15], [sflag:$0x3], $0x80, s26, s14, $0xb8;
	[tilespmem:$0x1E800] =	vst v63  }
0x37: {  	_ =	swait.ge [sflag:s18], $0x4000  }
0x38: {  	[sflag:s18] =	ssyncset.done $0x0  }
0x39: {  	s26 =	sadd.s32 $0x1480, s25;
	[sflag:s18] =	ssyncadd.s32 $0xFFFFC000  }
0x3a: {  	[spmem:s2] =	stream.indirect.scatter.add.f32 [tilespmem:s16], [sflag:$0x4], $0x80, s26, s14, $0xb8;
	[tilespmem:$0x1E800] =	vst v63  }
0x3b: {  	_ =	swait.ge [sflag:s19], $0x4000  }
0x3c: {  	[sflag:s19] =	ssyncset.done $0x0  }
.Ltmp0:
0x3d: {  	s26 =	sadd.s32 $0x100, s25;
	[sflag:s19] =	ssyncadd.s32 $0xFFFFC000;
	(pc) =	sbr.rel @p0 .LBB2_2-.Ltmp0, $4  }
0x3e: {  	[tilespmem:s15], [sflag:$0x1] =	stream.indirect.gather [hbm4b:s4+s14], $0x80, s26, s14, $0xb8;
	[tilespmem:$0x1E800] =	vst v63  }
0x3f: {  	_ =	swait.ge [sflag:s20], $0x4000  }
0x40: {  	[sflag:s20] =	ssyncset.done $0x0  }
0x41: {  	s25 =	sadd.s32 $0x180, s25;
	[sflag:s20] =	ssyncadd.s32 $0xFFFFC000  }
0x42: {  	[tilespmem:s16], [sflag:$0x2] =	stream.indirect.gather [hbm4b:s4+s14], $0x80, s25, s14, $0xb8;
	[tilespmem:$0x1E800] =	vst v63  }
0x43: {  	_ =	swait.ge [sflag:s17], $0x4000  }
0x44: {  	[sflag:s17] =	ssyncset.done $0x0  }
0x45: {  	[sflag:s17] =	ssyncadd.s32 $0xFFFFC000  }
0x46: {  	[spmem:s2] =	stream.indirect.scatter.add.f32 [tilespmem:s15], [sflag:$0x3], $0x80, s21, s14, $0xb8;
	[tilespmem:$0x1E800] =	vst v63  }
0x47: {  	_ =	swait.ge [sflag:s18], $0x4000  }
0x48: {  	[sflag:s18] =	ssyncset.done $0x0  }
0x49: {  	[sflag:s18] =	ssyncadd.s32 $0xFFFFC000  }
0x4a: {  	[spmem:s2] =	stream.indirect.scatter.add.f32 [tilespmem:s16], [sflag:$0x4], $0x80, s22, s14, $0xb8;
	[tilespmem:$0x1E800] =	vst v63  }
0x4b: {  	_ =	swait.ge [sflag:s19], $0x4000  }
0x4c: {  	[sflag:s19] =	ssyncset.done $0x0  }
0x4d: {  	[sflag:s19] =	ssyncadd.s32 $0xFFFFC000  }
0x4e: {  	_ =	swait.ge [sflag:s20], $0x4000  }
0x4f: {  	s23 =	sadd.s32 $0x1, s23;
	[sflag:s20] =	ssyncset.done $0x0  }
0x50: {  	p0 =	sne.s32 s23, s10;
	[sflag:s20] =	ssyncadd.s32 $0xFFFFC000  }
.Ltmp1:
0x51: {  	[bflag:$0x0] =	sbarrier.arrive $0xFFFF;
	(pc) =	sbr.rel @p0 .LBB2_1-.Ltmp1, $4  }
0x52: {  	[hbm:s9], [sflag:s6] =	dma.local [spmem:s11], $0x2800  }
0x53: {  	_ =	swait.ge [sflag:s12], $0x2800  }
0x54: {  	[sflag:s12] =	ssyncset.done $0x0  }
0x55: {  	[sflag:s12] =	ssyncadd.s32 $0xFFFFD800  }
0x56: {  	_ =	sfence.sel $0x180000  }
0x57: {  	[bflag:$0x0] =	sbarrier.arrive $0xFFFF  }
0x58: {  	p0 =	sne.s32 s0, $0x0;
	_ =	strace $0x9000004A  }
0x59: {  	s0 =	sadd.s32 @!p0 $0x100000, s1;
	[bflag:$0x2] =	sbarrier.arrive $0xFFFF  }
0x5a: {  	[sflag:s0] =	ssyncadd.tile.s32 @!p0 $0x1;
	_ =	shalt  }
.Lfunc_end2:
_tile_overlayer_lowered:
.L_overlay_start_2:
0x5b: {  	(tag) =	ssettag $0x2  }
0x5c: {  	s0 =	rddreg [dreg:$0x0];
	s2 =	stileid.u32  }
0x5d: {  	s1 =	rddreg [dreg:$0x1];
	p0 =	sne.s32 s2, $0x0  }
0x5e: {  	s3 =	rddreg [dreg:$0x2];
	[bflag:$0x3] =	sbarrier.arrive $0xFFFF;
	s2 =	simm.s32 @!p0 $0x1C05  }
0x5f: {  	[timem:s3], [sflag:s2] =	dma.local @!p0 [hbm:s0], s1  }
0x60: {  	s0 =	simm.s32 @!p0 $0x5  }
0x61: {  	_ =	swait.ge @!p0 [sflag:s0], s1  }
0x62: {  	s1 =	ssub.s32 @!p0 $0x0, s1;
	[sflag:s0] =	ssyncset.done @!p0 $0x0  }
0x63: {  	[sflag:s0] =	ssyncadd.s32 @!p0 s1  }
0x64: {  	[bflag:$0x3] =	sbarrier.arrive $0xFFFF  }
0x65: {  	_ =	shalt  }

// kernel: kernel.14.cloned.1.call-start
scs
__scs_entry_jumppad:
0x0: {  	(pc) =	sbr.rel $0x88, $3  }
0x1: {  	(tag) =	ssettag $0x0;
	lr =	simm.s32 $0x1  }
0x2: {  	[smem:$0x3F99] =	sst lr;
	_ =	strace $0xD0000000  }
0x3: {  	_ = 	snop  }
0x4: {  	_ = 	snop  }
0x5: {  	_ = 	snop  }
0x6: {  	_ = 	snop  }
0x7: {  	_ = 	snop  }
__scs_overlays_trampoline_lowered:
0x8: {  	[smem:$0x3FA8] =	sst s0  }
0x9: {  	[smem:$0x3FA9] =	sst s1  }
0xa: {  	[smem:$0x3FAA] =	sst s2  }
0xb: {  	[smem:$0x3FAB] =	sst s3  }
0xc: {  	[smem:$0x3FAC] =	sst s4  }
0xd: {  	[smem:$0x3FAD] =	sst s5  }
0xe: {  	[smem:$0x3FAE] =	sst s6  }
0xf: {  	[smem:$0x3FAF] =	sst s7  }
0x10: {  	[smem:$0x3FB0] =	sst s8  }
0x11: {  	[smem:$0x3FB1] =	sst s9;
	s0 =	simm.s32 @!p0 $0x0  }
0x12: {  	s1 =	sld [smem:$0x3F97];
	s0 =	simm.s32 @p0 $0x1  }
0x13: {  	[smem:$0x3FB2] =	sst s0;
	s0 =	simm.s32 @!p1 $0x0  }
0x14: {  	s2 =	sld [smem:$0x3F96];
	s0 =	simm.s32 @p1 $0x1  }
0x15: {  	[smem:$0x3FB3] =	sst s0;
	s0 =	simm.s32 @!p2 $0x0  }
0x16: {  	s3 =	sld [smem:$0x3FDB];
	s0 =	simm.s32 @p2 $0x1  }
0x17: {  	s4 =	simm.s32 $0x1BF5;
	[smem:$0x3FB5] =	sst s0  }
0x18: {  	s0 =	sld [smem:$0x3F98];
	_ =	swait.ge [sflag:s4], $0x0  }
0x19: {  	s7 =	sld [smem:$0x3F99]  }
0x1a: {  	s8 =	sadd.s32 $0xFFFFE003, lr  }
0x1b: {  	s9 =	sadd.s32 $0xFFFFFEF7, lr;
	s5 =	simm.s32 $0xFFFFFFFF;
	p2 =	slt.u32 s8, $0xFFFFF086  }
0x1c: {  	p1 =	slt.u32 s9, $0xF7A;
	s5 =	simm.s32 @!p2 $0x0  }
0x1d: {  	s5 =	simm.s32 @p1 $0x1;
	p0 =	seq.s32 s7, s2  }
0x1e: {  	s7 =	smul.u32 @!p0 $0xF7A, s2;
	p2 =	seq.s32 @!p0 s5, $0x0  }
0x1f: {  	s9 =	smul.u32 $0xF7A, s1;
	s8 =	simm.s32 @!p0 $0x1BF5;
	p2 =	por !p2, p0  }
0x20: {  	[sflag:s8] =	ssyncset.s32 @!p0 $0xFFFFF086;
	s6 =	sadd.s32 @!p0 s3, s7;
	s7 =	simm.s32 @!p0 $0x108  }
0x21: {  	s3 =	sadd.s32 s3, s9;
	s6 =	sadd.s32 @!p0 $0x88, s6;
	s7 =	simm.s32 @p2 $0x1082  }
0x22: {  	[simem:s7], [sflag:s8] =	dma.local @!p0 [hbm:s6], $0xF7A  }
0x23: {  	s9 =	sor.u32 $0xD0000000, s2;
	s6 =	simm.s32 $0x108;
	_ =	swait.ge @!p0 [sflag:s8], $0x0  }
0x24: {  	s3 =	sadd.s32 $0x88, s3;
	s6 =	simm.s32 @!p1 $0x1082;
	[sflag:s4] =	ssyncset.s32 $0xFFFFF086  }
0x25: {  	[simem:s6], [sflag:s4] =	dma.local [hbm:s3], $0xF7A  }
0x26: {  	[smem:$0x3F99] =	sst s1;
	(tag) =	ssettag s2;
	_ =	strace s9  }
0x27: {  	s1 =	sld [smem:$0x3FA9]  }
0x28: {  	s2 =	sld [smem:$0x3FAA]  }
0x29: {  	s4 =	sld [smem:$0x3FAC]  }
0x2a: {  	p0 =	seq.s32 s5, $0x0;
	s5 =	sld [smem:$0x3FAD]  }
0x2b: {  	s6 =	sld [smem:$0x3FAE]  }
0x2c: {  	s7 =	sld [smem:$0x3FAF]  }
0x2d: {  	s3 =	simm.s32 $0x108;
	s8 =	sld [smem:$0x3FB0]  }
0x2e: {  	s3 =	simm.s32 @!p0 $0x1082;
	s9 =	sld [smem:$0x3FB1]  }
0x2f: {  	lr =	sadd.s32 s0, s3;
	s0 =	sld [smem:$0x3FA8]  }
0x30: {  	s3 =	sld [smem:$0x3FAB]  }
0x31: {  	[smem:$0x3FB4] =	sst s10  }
0x32: {  	s10 =	sld [smem:$0x3FB2];
	_ =	sdelay $0x3  }
0x33: {  	p0 =	seq.s32 s10, $0x1;
	s10 =	sld [smem:$0x3FB4];
	_ =	sdelay $0x3  }
0x34: {  	[smem:$0x3FB4] =	sst s10  }
0x35: {  	s10 =	sld [smem:$0x3FB3];
	_ =	sdelay $0x3  }
0x36: {  	p1 =	seq.s32 s10, $0x1;
	s10 =	sld [smem:$0x3FB4];
	_ =	sdelay $0x3  }
0x37: {  	[smem:$0x3FB4] =	sst s10  }
0x38: {  	s10 =	sld [smem:$0x3FB5]  }
0x39: {  	_ = 	snop;
	(pc) =	sbr.ind lr, $3  }
0x3a: {  	_ = 	snop  }
0x3b: {  	_ = 	snop  }
0x3c: {  	p2 =	seq.s32 s10, $0x1;
	s10 =	sld [smem:$0x3FB4]  }
0x3d: {  	_ =	shalt  }
0x3e: {  	_ =	shalt  }
0x3f: {  	_ =	shalt  }
0x40: {  	_ =	shalt  }
0x41: {  	_ =	shalt  }
0x42: {  	_ =	shalt  }
0x43: {  	_ =	shalt  }
0x44: {  	_ =	shalt  }
0x45: {  	_ =	shalt  }
0x46: {  	_ =	shalt  }
0x47: {  	_ =	shalt  }
0x48: {  	_ =	shalt  }
0x49: {  	_ =	shalt  }
0x4a: {  	_ =	shalt  }
0x4b: {  	_ =	shalt  }
0x4c: {  	_ =	shalt  }
0x4d: {  	_ =	shalt  }
0x4e: {  	_ =	shalt  }
0x4f: {  	_ =	shalt  }
0x50: {  	_ =	shalt  }
0x51: {  	_ =	shalt  }
0x52: {  	_ =	shalt  }
0x53: {  	_ =	shalt  }
0x54: {  	_ =	shalt  }
0x55: {  	_ =	shalt  }
0x56: {  	_ =	shalt  }
0x57: {  	_ =	shalt  }
0x58: {  	_ =	shalt  }
0x59: {  	_ =	shalt  }
0x5a: {  	_ =	shalt  }
0x5b: {  	_ =	shalt  }
0x5c: {  	_ =	shalt  }
0x5d: {  	_ =	shalt  }
0x5e: {  	_ =	shalt  }
0x5f: {  	_ =	shalt  }
0x60: {  	_ =	shalt  }
0x61: {  	_ =	shalt  }
0x62: {  	_ =	shalt  }
0x63: {  	_ =	shalt  }
0x64: {  	_ =	shalt  }
0x65: {  	_ =	shalt  }
0x66: {  	_ =	shalt  }
0x67: {  	_ =	shalt  }
0x68: {  	_ =	shalt  }
0x69: {  	_ =	shalt  }
0x6a: {  	_ =	shalt  }
0x6b: {  	_ =	shalt  }
0x6c: {  	_ =	shalt  }
0x6d: {  	_ =	shalt  }
0x6e: {  	_ =	shalt  }
0x6f: {  	_ =	shalt  }
0x70: {  	_ =	shalt  }
0x71: {  	_ =	shalt  }
0x72: {  	_ =	shalt  }
0x73: {  	_ =	shalt  }
0x74: {  	_ =	shalt  }
0x75: {  	_ =	shalt  }
0x76: {  	_ =	shalt  }
0x77: {  	_ =	shalt  }
0x78: {  	_ =	shalt  }
0x79: {  	_ =	shalt  }
0x7a: {  	_ =	shalt  }
0x7b: {  	_ =	shalt  }
0x7c: {  	_ =	shalt  }
0x7d: {  	_ =	shalt  }
0x7e: {  	_ =	shalt  }
0x7f: {  	_ =	shalt  }
0x80: {  	_ =	shalt  }
0x81: {  	_ =	shalt  }
0x82: {  	_ =	shalt  }
0x83: {  	_ =	shalt  }
0x84: {  	_ =	shalt  }
0x85: {  	_ =	shalt  }
0x86: {  	_ =	shalt  }
0x87: {  	_ =	shalt  }
.Lfunc_end0:
.L_simem_size_0:
called_computation.2_lowered:
.L_overlay_start_0:
0x88: {  	s2 =	sld [smem:$0x3FD9]  }
0x89: {  	s3 =	sld [smem:$0x3FFE];
	_ =	sdelay $0x1  }
0x8a: {  	s1 =	srdreg.scid  }
0x8b: {  	s0 =	sand.u32 $0x1, s1  }
0x8c: {  	s17 =	sshll.u32 s0, $0xA;
	s2 =	sadd.s32 s3, s2  }
0x8d: {  	s2 =	sadd.s32 s2, s17  }
0x8e: {  	[smem:$0x3FC0] =	sst s2  }
0x8f: {  	_ = 	snop  }
0x90: {  	s2 =	sld [smem:$0x3FD0];
	(tm) =	ssettm $0x1  }
0x91: {  	s18 =	sld [smem:$0x3FFB];
	_ =	sdelay $0x3  }
0x92: {  	_ =	strace s18  }
0x93: {  	s3 =	sld [smem:$0x3FFC];
	_ =	sdelay $0x3  }
0x94: {  	_ =	strace s3  }
0x95: {  	s3 =	sld [smem:$0x3FFD];
	_ =	sdelay $0x3  }
0x96: {  	_ =	strace s3  }
0x97: {  	_ =	strace $0x8FFFFFFF  }
0x98: {  	s19 =	sld [smem:$0x3FDB];
	_ =	sdelay $0x1  }
0x99: {  	s4 =	simm.s32 $_scs_section_size  }
0x9a: {  	s5 =	simm.s32 $_size__tile_overlayer_lowered;
	s6 =	simm.s32 $_tile_overlayer_lowered  }
0x9b: {  	s22 =	simm.s32 $0x1BFF;
	s21 =	sshll.u32 s6, $0x1;
	s3 =	sadd.s32 s4, s19  }
0x9c: {  	s7 =	simm.s32 $0x0;
	s20 =	sshll.u32 s5, $0x1;
	s5 =	sadd.s32 s21, s3  }
0x9d: {  	[timem:s7], [sflag:s22] =	dma.local [hbm:s5], s20  }
0x9e: {  	_ =	swait.ge [sflag:s22], s20  }
0x9f: {  	s4 =	ssub.s32 $0x0, s20;
	[sflag:s22] =	ssyncset.done $0x0  }
0xa0: {  	[sflag:s22] =	ssyncadd.s32 s4;
	_ =	sdelay $0x1  }
0xa1: {  	s23 =	simm.s32 $0x1B8B  }
0xa2: {  	_ =	swait.ge [sflag:s23], $0x1  }
0xa3: {  	[sflag:s23] =	ssyncset.done $0x0  }
0xa4: {  	s25 =	simm.s32 $0x1B8E;
	s24 =	sld [smem:$0x3FFE];
	[sflag:s23] =	ssyncadd.s32 $0xFFFFFFFF  }
0xa5: {  	s26 =	simm.s32 $execute0_lowered;
	[smem:$0x3FD2] =	sst s25  }
0xa6: {  	s5 =	sshll.u32 s26, $0x1;
	_ =	strace $0x80000046;
	[dreg:$0x1] =	wrdreg $0xFFFFFFFF  }
0xa7: {  	s28 =	simm.s32 $_size_execute0_lowered;
	s3 =	sadd.s32 s3, s5;
	[dreg:$0x0] =	wrdreg $0x0  }
0xa8: {  	s5 =	sshll.u32 s28, $0x1;
	[dreg:$0x2] =	wrdreg s3  }
0xa9: {  	[dreg:$0x3] =	wrdreg s5  }
0xaa: {  	[dreg:$0x4] =	wrdreg $0xC0  }
0xab: {  	_ =	task [dreg:s7], $0x5FFFF  }
0xac: {  	[dreg:$0x1] =	wrdreg $0xFFFFFFFF  }
0xad: {  	[dreg:$0x0] =	wrdreg $0x60  }
0xae: {  	[dreg:$0x2] =	wrdreg s24  }
0xaf: {  	[dreg:$0x3] =	wrdreg s2  }
0xb0: {  	[dreg:$0x4] =	wrdreg $0xA8000  }
0xb1: {  	[dreg:$0x5] =	wrdreg $0xB  }
0xb2: {  	_ =	task.clear_ibuf [dreg:s7], $0x6FFFF;
	_ =	strace $0x90000046  }
0xb3: {  	s29 =	simm.s32 $0xB;
	_ =	strace $0x80000048  }
0xb4: {  	_ =	swait.ge [sflag:s29], $0x1  }
0xb5: {  	[sflag:s29] =	ssyncadd.s32 $0xFFFFFFFF  }
0xb6: {  	_ =	strace $0x90000048  }
0xb7: {  	_ =	sfence  }
0xb8: {  	s30 =	sld [smem:$0x0];
	_ =	sdelay $0x2  }
0xb9: {  	s31 =	sshll.u32 s1, $0xD;
	s1 =	sshrl.u32 s1, $0x2  }
0xba: {  	s3 =	sand.u32 $0x4000, s31;
	s1 =	sadd.s32 s1, s30  }
0xbb: {  	s0 =	sor.u32 s3, s0;
	s1 =	sshll.u32 s1, $0x11  }
0xbc: {  	s0 =	sor.u32 s1, s0  }
0xbd: {  	s0 =	sadd.s32 $0x8F2B, s0  }
0xbe: {  	[sflag:s0] =	ssyncadd.remote.s32 $0x1  }
0xbf: {  	_ =	sfence.sel $0xFFFF  }
0xc0: {  	[dreg:$0x0] =	wrdreg $0xFFFFFFFF;
	(pc) =	sbr.abs _section_cstart, $3  }
0xc1: {  	[dreg:$0x1] =	wrdreg $0xFFFFFFFF  }
0xc2: {  	_ =	task.clear_ibuf [dreg:s7], $0x2FFFF;
	_ =	strace $0x9FFFFFFF  }
0xc3: {  	(tm) =	ssettm $0x7FFFFFFF  }
tec
execute0_lowered:
.L_overlay_start_1:
0x0: {  	(tag) =	ssettag $0x1  }
0x1: {  	s5 =	rddreg [dreg:$0x0]  }
0x2: {  	s0 =	srdreg.scid;
	s7 =	rddreg [dreg:$0x1]  }
0x3: {  	s2 =	rddreg [dreg:$0x2];
	s3 =	simm.s32 $0x0;
	s15 =	simm.s32 $0x2800  }
0x4: {  	s16 =	simm.s32 $0x6800;
	s17 =	simm.s32 $0x1;
	s18 =	simm.s32 $0x2  }
0x5: {  	s19 =	simm.s32 $0x3;
	s20 =	simm.s32 $0x4;
	s21 =	simm.s32 $0x2700  }
0x6: {  	s22 =	simm.s32 $0x2780;
	s6 =	sand.u32 $0x1, s0;
	s0 =	stileid.u32  }
0x7: {  	s23 =	simm.s32 $0x0;
	[smem:$0x7FF] =	sst s3;
	s9 =	smul.u32 $0x14000, s0  }
0x8: {  	s1 =	sshll.u32 s6, $0x4;
	s10 =	smul.u32 $0x140000, s6;
	s6 =	ssub.s32 $0x2, s6  }
0x9: {  	s29 =	smul.u32 $0x50000, s0;
	s31 =	sshll.u32 s0, $0x6;
	s4 =	sor.u32 s0, s1  }
0xa: {  	s1 =	rddreg [dreg:$0x3];
	_ =	strace $0x80000047;
	s13 =	sshrl.u32 s6, $0x1  }
0xb: {  	s8 =	smul.u32 $0x280, s4;
	s4 =	sadd.s32 $0x7000, s5;
	s12 =	sshrl.u32 s9, $0x3  }
0xc: {  	s9 =	sadd.s32 s9, s10;
	s13 =	ssub.s32 s6, s13;
	s30 =	sshrl.u32 s29, $0x2  }
0xd: {  	s6 =	sor.u32 $0x1C05, s31;
	s12 =	sadd.s32 s12, s5;
	s9 =	sshrl.u32 s9, $0x3  }
0xe: {  	s14 =	sadd.s32 s30, s2;
	s10 =	smax.u32 s13, $0x1;
	s13 =	simm.s32 $0x1400  }
0xf: {  	s11 =	sadd.s32 s8, s5;
	s9 =	sadd.s32 s9, s5;
	s5 =	sadd.s32 $0x57000, s12  }
0x10: {  	s7 =	sadd.s32 s7, s8;
	s12 =	simm.s32 $0x5;
	s8 =	sadd.s32 $0x2000, s11  }
0x11: {  	s9 =	sadd.s32 $0x7F000, s9;
	s11 =	sshrl.u32 s14, $0x3;
	s14 =	simm.s32 $0x80  }
.LBB2_1:
0x12: {  	[spmem:s11], [sflag:s6] =	dma.local [hbm:s5], $0x2800  }
0x13: {  	_ =	swait.ge [sflag:s12], $0x2800  }
0x14: {  	[sflag:s12] =	ssyncset.done $0x0  }
0x15: {  	[sflag:s12] =	ssyncadd.s32 $0xFFFFD800  }
0x16: {  	[tilespmem:s3], [sflag:$0x5] =	stream.linear.gather [hbm4b:s7+s3], $0x1400, $0x38;
	[tilespmem:$0x1E800] =	vst v63  }
0x17: {  	_ =	swait.ge [sflag:s12], $0x1400  }
0x18: {  	[sflag:s12] =	ssyncset.done $0x0  }
0x19: {  	[sflag:s12] =	ssyncadd.s32 $0xFFFFEC00  }
0x1a: {  	[tilespmem:s13], [sflag:$0x5] =	stream.linear.gather [hbm4b:s8+s3], $0x1400, $0x38;
	[tilespmem:$0x1E800] =	vst v63  }
0x1b: {  	_ =	swait.ge [sflag:s12], $0x1400  }
0x1c: {  	[sflag:s12] =	ssyncset.done $0x0  }
0x1d: {  	[sflag:s12] =	ssyncadd.s32 $0xFFFFEC00  }
0x1e: {  	[bflag:$0x0] =	sbarrier.arrive $0xFFFF  }
0x1f: {  	[tilespmem:s15], [sflag:$0x1] =	stream.indirect.gather [hbm4b:s4+s14], $0x80, s3, s14, $0xb8;
	[tilespmem:$0x1E800] =	vst v63  }
0x20: {  	_ = 	snop  }
0x21: {  	[tilespmem:s16], [sflag:$0x2] =	stream.indirect.gather [hbm4b:s4+s14], $0x80, s14, s14, $0xb8;
	[tilespmem:$0x1E800] =	vst v63  }
0x22: {  	_ =	swait.ge [sflag:s17], $0x4000  }
0x23: {  	[sflag:s17] =	ssyncset.done $0x0  }
0x24: {  	s24 =	simm.s32 $0x1400;
	[sflag:s17] =	ssyncadd.s32 $0xFFFFC000  }
0x25: {  	[spmem:s2] =	stream.indirect.scatter.add.f32 [tilespmem:s15], [sflag:$0x3], $0x80, s24, s14, $0xb8;
	[tilespmem:$0x1E800] =	vst v63  }
0x26: {  	_ =	swait.ge [sflag:s18], $0x4000  }
0x27: {  	[sflag:s18] =	ssyncset.done $0x0  }
0x28: {  	s30 =	simm.s32 $0x1480;
	[sflag:s18] =	ssyncadd.s32 $0xFFFFC000  }
0x29: {  	[spmem:s2] =	stream.indirect.scatter.add.f32 [tilespmem:s16], [sflag:$0x4], $0x80, s30, s14, $0xb8;
	[tilespmem:$0x1E800] =	vst v63  }
0x2a: {  	_ =	swait.ge [sflag:s19], $0x4000  }
0x2b: {  	[sflag:s19] =	ssyncset.done $0x0  }
0x2c: {  	s31 =	simm.s32 $0x100;
	[sflag:s19] =	ssyncadd.s32 $0xFFFFC000  }
0x2d: {  	[tilespmem:s15], [sflag:$0x1] =	stream.indirect.gather [hbm4b:s4+s14], $0x80, s31, s14, $0xb8;
	[tilespmem:$0x1E800] =	vst v63  }
0x2e: {  	_ =	swait.ge [sflag:s20], $0x4000  }
0x2f: {  	[sflag:s20] =	ssyncset.done $0x0  }
0x30: {  	s25 =	simm.s32 $0x180;
	s24 =	simm.s32 $0x400;
	[sflag:s20] =	ssyncadd.s32 $0xFFFFC000  }
.LBB2_2:
0x31: {  	[tilespmem:s16], [sflag:$0x2] =	stream.indirect.gather [hbm4b:s4+s14], $0x80, s25, s14, $0xb8;
	[tilespmem:$0x1E800] =	vst v63  }
0x32: {  	s25 =	smov.u32 s24  }
0x33: {  	p0 =	sne.s32 s24, $0x4800;
	s24 =	sadd.s32 $0x400, s24;
	_ =	swait.ge [sflag:s17], $0x4000  }
0x34: {  	s25 =	sshra.s32 s25, $0x2;
	[sflag:s17] =	ssyncset.done $0x0  }
0x35: {  	s26 =	sadd.s32 $0x1400, s25;
	[sflag:s17] =	ssyncadd.s32 $0xFFFFC000  }
0x36: {  	[spmem:s2] =	stream.indirect.scatter.add.f32 [tilespmem:s15], [sflag:$0x3], $0x80, s26, s14, $0xb8;
	[tilespmem:$0x1E800] =	vst v63  }
0x37: {  	_ =	swait.ge [sflag:s18], $0x4000  }
0x38: {  	[sflag:s18] =	ssyncset.done $0x0  }
0x39: {  	s26 =	sadd.s32 $0x1480, s25;
	[sflag:s18] =	ssyncadd.s32 $0xFFFFC000  }
0x3a: {  	[spmem:s2] =	stream.indirect.scatter.add.f32 [tilespmem:s16], [sflag:$0x4], $0x80, s26, s14, $0xb8;
	[tilespmem:$0x1E800] =	vst v63  }
0x3b: {  	_ =	swait.ge [sflag:s19], $0x4000  }
0x3c: {  	[sflag:s19] =	ssyncset.done $0x0  }
.Ltmp0:
0x3d: {  	s26 =	sadd.s32 $0x100, s25;
	[sflag:s19] =	ssyncadd.s32 $0xFFFFC000;
	(pc) =	sbr.rel @p0 .LBB2_2-.Ltmp0, $4  }
0x3e: {  	[tilespmem:s15], [sflag:$0x1] =	stream.indirect.gather [hbm4b:s4+s14], $0x80, s26, s14, $0xb8;
	[tilespmem:$0x1E800] =	vst v63  }
0x3f: {  	_ =	swait.ge [sflag:s20], $0x4000  }
0x40: {  	[sflag:s20] =	ssyncset.done $0x0  }
0x41: {  	s25 =	sadd.s32 $0x180, s25;
	[sflag:s20] =	ssyncadd.s32 $0xFFFFC000  }
0x42: {  	[tilespmem:s16], [sflag:$0x2] =	stream.indirect.gather [hbm4b:s4+s14], $0x80, s25, s14, $0xb8;
	[tilespmem:$0x1E800] =	vst v63  }
0x43: {  	_ =	swait.ge [sflag:s17], $0x4000  }
0x44: {  	[sflag:s17] =	ssyncset.done $0x0  }
0x45: {  	[sflag:s17] =	ssyncadd.s32 $0xFFFFC000  }
0x46: {  	[spmem:s2] =	stream.indirect.scatter.add.f32 [tilespmem:s15], [sflag:$0x3], $0x80, s21, s14, $0xb8;
	[tilespmem:$0x1E800] =	vst v63  }
0x47: {  	_ =	swait.ge [sflag:s18], $0x4000  }
0x48: {  	[sflag:s18] =	ssyncset.done $0x0  }
0x49: {  	[sflag:s18] =	ssyncadd.s32 $0xFFFFC000  }
0x4a: {  	[spmem:s2] =	stream.indirect.scatter.add.f32 [tilespmem:s16], [sflag:$0x4], $0x80, s22, s14, $0xb8;
	[tilespmem:$0x1E800] =	vst v63  }
0x4b: {  	_ =	swait.ge [sflag:s19], $0x4000  }
0x4c: {  	[sflag:s19] =	ssyncset.done $0x0  }
0x4d: {  	[sflag:s19] =	ssyncadd.s32 $0xFFFFC000  }
0x4e: {  	_ =	swait.ge [sflag:s20], $0x4000  }
0x4f: {  	s23 =	sadd.s32 $0x1, s23;
	[sflag:s20] =	ssyncset.done $0x0  }
0x50: {  	p0 =	sne.s32 s23, s10;
	[sflag:s20] =	ssyncadd.s32 $0xFFFFC000  }
.Ltmp1:
0x51: {  	[bflag:$0x0] =	sbarrier.arrive $0xFFFF;
	(pc) =	sbr.rel @p0 .LBB2_1-.Ltmp1, $4  }
0x52: {  	[hbm:s9], [sflag:s6] =	dma.local [spmem:s11], $0x2800  }
0x53: {  	_ =	swait.ge [sflag:s12], $0x2800  }
0x54: {  	[sflag:s12] =	ssyncset.done $0x0  }
0x55: {  	[sflag:s12] =	ssyncadd.s32 $0xFFFFD800  }
0x56: {  	_ =	sfence.sel $0x180000  }
0x57: {  	[bflag:$0x0] =	sbarrier.arrive $0xFFFF  }
0x58: {  	p0 =	sne.s32 s0, $0x0;
	_ =	strace $0x90000047  }
0x59: {  	s0 =	sadd.s32 @!p0 $0x100000, s1;
	[bflag:$0x2] =	sbarrier.arrive $0xFFFF  }
0x5a: {  	[sflag:s0] =	ssyncadd.tile.s32 @!p0 $0x1;
	_ =	shalt  }
.Lfunc_end2:
_tile_overlayer_lowered:
.L_overlay_start_2:
0x5b: {  	(tag) =	ssettag $0x2  }
0x5c: {  	s0 =	rddreg [dreg:$0x0];
	s2 =	stileid.u32  }
0x5d: {  	s1 =	rddreg [dreg:$0x1];
	p0 =	sne.s32 s2, $0x0  }
0x5e: {  	s3 =	rddreg [dreg:$0x2];
	[bflag:$0x3] =	sbarrier.arrive $0xFFFF;
	s2 =	simm.s32 @!p0 $0x1C05  }
0x5f: {  	[timem:s3], [sflag:s2] =	dma.local @!p0 [hbm:s0], s1  }
0x60: {  	s0 =	simm.s32 @!p0 $0x5  }
0x61: {  	_ =	swait.ge @!p0 [sflag:s0], s1  }
0x62: {  	s1 =	ssub.s32 @!p0 $0x0, s1;
	[sflag:s0] =	ssyncset.done @!p0 $0x0  }
0x63: {  	[sflag:s0] =	ssyncadd.s32 @!p0 s1  }
0x64: {  	[bflag:$0x3] =	sbarrier.arrive $0xFFFF  }
0x65: {  	_ =	shalt  }

// kernel: kernel.17.cloned.1.call-start
scs
__scs_entry_jumppad:
0x0: {  	(pc) =	sbr.rel $0x88, $3  }
0x1: {  	(tag) =	ssettag $0x0;
	lr =	simm.s32 $0x1  }
0x2: {  	[smem:$0x3F99] =	sst lr;
	_ =	strace $0xD0000000  }
0x3: {  	_ = 	snop  }
0x4: {  	_ = 	snop  }
0x5: {  	_ = 	snop  }
0x6: {  	_ = 	snop  }
0x7: {  	_ = 	snop  }
__scs_overlays_trampoline_lowered:
0x8: {  	[smem:$0x3FA8] =	sst s0  }
0x9: {  	[smem:$0x3FA9] =	sst s1  }
0xa: {  	[smem:$0x3FAA] =	sst s2  }
0xb: {  	[smem:$0x3FAB] =	sst s3  }
0xc: {  	[smem:$0x3FAC] =	sst s4  }
0xd: {  	[smem:$0x3FAD] =	sst s5  }
0xe: {  	[smem:$0x3FAE] =	sst s6  }
0xf: {  	[smem:$0x3FAF] =	sst s7  }
0x10: {  	[smem:$0x3FB0] =	sst s8  }
0x11: {  	[smem:$0x3FB1] =	sst s9;
	s0 =	simm.s32 @!p0 $0x0  }
0x12: {  	s1 =	sld [smem:$0x3F97];
	s0 =	simm.s32 @p0 $0x1  }
0x13: {  	[smem:$0x3FB2] =	sst s0;
	s0 =	simm.s32 @!p1 $0x0  }
0x14: {  	s2 =	sld [smem:$0x3F96];
	s0 =	simm.s32 @p1 $0x1  }
0x15: {  	[smem:$0x3FB3] =	sst s0;
	s0 =	simm.s32 @!p2 $0x0  }
0x16: {  	s3 =	sld [smem:$0x3FDB];
	s0 =	simm.s32 @p2 $0x1  }
0x17: {  	s4 =	simm.s32 $0x1BF5;
	[smem:$0x3FB5] =	sst s0  }
0x18: {  	s0 =	sld [smem:$0x3F98];
	_ =	swait.ge [sflag:s4], $0x0  }
0x19: {  	s7 =	sld [smem:$0x3F99]  }
0x1a: {  	s8 =	sadd.s32 $0xFFFFE003, lr  }
0x1b: {  	s9 =	sadd.s32 $0xFFFFFEF7, lr;
	s5 =	simm.s32 $0xFFFFFFFF;
	p2 =	slt.u32 s8, $0xFFFFF086  }
0x1c: {  	p1 =	slt.u32 s9, $0xF7A;
	s5 =	simm.s32 @!p2 $0x0  }
0x1d: {  	s5 =	simm.s32 @p1 $0x1;
	p0 =	seq.s32 s7, s2  }
0x1e: {  	s7 =	smul.u32 @!p0 $0xF7A, s2;
	p2 =	seq.s32 @!p0 s5, $0x0  }
0x1f: {  	s9 =	smul.u32 $0xF7A, s1;
	s8 =	simm.s32 @!p0 $0x1BF5;
	p2 =	por !p2, p0  }
0x20: {  	[sflag:s8] =	ssyncset.s32 @!p0 $0xFFFFF086;
	s6 =	sadd.s32 @!p0 s3, s7;
	s7 =	simm.s32 @!p0 $0x108  }
0x21: {  	s3 =	sadd.s32 s3, s9;
	s6 =	sadd.s32 @!p0 $0x88, s6;
	s7 =	simm.s32 @p2 $0x1082  }
0x22: {  	[simem:s7], [sflag:s8] =	dma.local @!p0 [hbm:s6], $0xF7A  }
0x23: {  	s9 =	sor.u32 $0xD0000000, s2;
	s6 =	simm.s32 $0x108;
	_ =	swait.ge @!p0 [sflag:s8], $0x0  }
0x24: {  	s3 =	sadd.s32 $0x88, s3;
	s6 =	simm.s32 @!p1 $0x1082;
	[sflag:s4] =	ssyncset.s32 $0xFFFFF086  }
0x25: {  	[simem:s6], [sflag:s4] =	dma.local [hbm:s3], $0xF7A  }
0x26: {  	[smem:$0x3F99] =	sst s1;
	(tag) =	ssettag s2;
	_ =	strace s9  }
0x27: {  	s1 =	sld [smem:$0x3FA9]  }
0x28: {  	s2 =	sld [smem:$0x3FAA]  }
0x29: {  	s4 =	sld [smem:$0x3FAC]  }
0x2a: {  	p0 =	seq.s32 s5, $0x0;
	s5 =	sld [smem:$0x3FAD]  }
0x2b: {  	s6 =	sld [smem:$0x3FAE]  }
0x2c: {  	s7 =	sld [smem:$0x3FAF]  }
0x2d: {  	s3 =	simm.s32 $0x108;
	s8 =	sld [smem:$0x3FB0]  }
0x2e: {  	s3 =	simm.s32 @!p0 $0x1082;
	s9 =	sld [smem:$0x3FB1]  }
0x2f: {  	lr =	sadd.s32 s0, s3;
	s0 =	sld [smem:$0x3FA8]  }
0x30: {  	s3 =	sld [smem:$0x3FAB]  }
0x31: {  	[smem:$0x3FB4] =	sst s10  }
0x32: {  	s10 =	sld [smem:$0x3FB2];
	_ =	sdelay $0x3  }
0x33: {  	p0 =	seq.s32 s10, $0x1;
	s10 =	sld [smem:$0x3FB4];
	_ =	sdelay $0x3  }
0x34: {  	[smem:$0x3FB4] =	sst s10  }
0x35: {  	s10 =	sld [smem:$0x3FB3];
	_ =	sdelay $0x3  }
0x36: {  	p1 =	seq.s32 s10, $0x1;
	s10 =	sld [smem:$0x3FB4];
	_ =	sdelay $0x3  }
0x37: {  	[smem:$0x3FB4] =	sst s10  }
0x38: {  	s10 =	sld [smem:$0x3FB5]  }
0x39: {  	_ = 	snop;
	(pc) =	sbr.ind lr, $3  }
0x3a: {  	_ = 	snop  }
0x3b: {  	_ = 	snop  }
0x3c: {  	p2 =	seq.s32 s10, $0x1;
	s10 =	sld [smem:$0x3FB4]  }
0x3d: {  	_ =	shalt  }
0x3e: {  	_ =	shalt  }
0x3f: {  	_ =	shalt  }
0x40: {  	_ =	shalt  }
0x41: {  	_ =	shalt  }
0x42: {  	_ =	shalt  }
0x43: {  	_ =	shalt  }
0x44: {  	_ =	shalt  }
0x45: {  	_ =	shalt  }
0x46: {  	_ =	shalt  }
0x47: {  	_ =	shalt  }
0x48: {  	_ =	shalt  }
0x49: {  	_ =	shalt  }
0x4a: {  	_ =	shalt  }
0x4b: {  	_ =	shalt  }
0x4c: {  	_ =	shalt  }
0x4d: {  	_ =	shalt  }
0x4e: {  	_ =	shalt  }
0x4f: {  	_ =	shalt  }
0x50: {  	_ =	shalt  }
0x51: {  	_ =	shalt  }
0x52: {  	_ =	shalt  }
0x53: {  	_ =	shalt  }
0x54: {  	_ =	shalt  }
0x55: {  	_ =	shalt  }
0x56: {  	_ =	shalt  }
0x57: {  	_ =	shalt  }
0x58: {  	_ =	shalt  }
0x59: {  	_ =	shalt  }
0x5a: {  	_ =	shalt  }
0x5b: {  	_ =	shalt  }
0x5c: {  	_ =	shalt  }
0x5d: {  	_ =	shalt  }
0x5e: {  	_ =	shalt  }
0x5f: {  	_ =	shalt  }
0x60: {  	_ =	shalt  }
0x61: {  	_ =	shalt  }
0x62: {  	_ =	shalt  }
0x63: {  	_ =	shalt  }
0x64: {  	_ =	shalt  }
0x65: {  	_ =	shalt  }
0x66: {  	_ =	shalt  }
0x67: {  	_ =	shalt  }
0x68: {  	_ =	shalt  }
0x69: {  	_ =	shalt  }
0x6a: {  	_ =	shalt  }
0x6b: {  	_ =	shalt  }
0x6c: {  	_ =	shalt  }
0x6d: {  	_ =	shalt  }
0x6e: {  	_ =	shalt  }
0x6f: {  	_ =	shalt  }
0x70: {  	_ =	shalt  }
0x71: {  	_ =	shalt  }
0x72: {  	_ =	shalt  }
0x73: {  	_ =	shalt  }
0x74: {  	_ =	shalt  }
0x75: {  	_ =	shalt  }
0x76: {  	_ =	shalt  }
0x77: {  	_ =	shalt  }
0x78: {  	_ =	shalt  }
0x79: {  	_ =	shalt  }
0x7a: {  	_ =	shalt  }
0x7b: {  	_ =	shalt  }
0x7c: {  	_ =	shalt  }
0x7d: {  	_ =	shalt  }
0x7e: {  	_ =	shalt  }
0x7f: {  	_ =	shalt  }
0x80: {  	_ =	shalt  }
0x81: {  	_ =	shalt  }
0x82: {  	_ =	shalt  }
0x83: {  	_ =	shalt  }
0x84: {  	_ =	shalt  }
0x85: {  	_ =	shalt  }
0x86: {  	_ =	shalt  }
0x87: {  	_ =	shalt  }
.Lfunc_end0:
.L_simem_size_0:
called_computation.3_lowered:
.L_overlay_start_0:
0x88: {  	s2 =	sld [smem:$0x3FD9]  }
0x89: {  	s3 =	sld [smem:$0x3FFE];
	_ =	sdelay $0x1  }
0x8a: {  	s1 =	srdreg.scid  }
0x8b: {  	s0 =	sand.u32 $0x1, s1  }
0x8c: {  	s17 =	sshll.u32 s0, $0xA;
	s2 =	sadd.s32 s3, s2  }
0x8d: {  	s2 =	sadd.s32 s2, s17  }
0x8e: {  	[smem:$0x3FC0] =	sst s2  }
0x8f: {  	_ = 	snop  }
0x90: {  	s2 =	sld [smem:$0x3FD0];
	(tm) =	ssettm $0x1  }
0x91: {  	s18 =	sld [smem:$0x3FFB];
	_ =	sdelay $0x3  }
0x92: {  	_ =	strace s18  }
0x93: {  	s3 =	sld [smem:$0x3FFC];
	_ =	sdelay $0x3  }
0x94: {  	_ =	strace s3  }
0x95: {  	s3 =	sld [smem:$0x3FFD];
	_ =	sdelay $0x3  }
0x96: {  	_ =	strace s3  }
0x97: {  	_ =	strace $0x8FFFFFFF  }
0x98: {  	s19 =	sld [smem:$0x3FDB];
	_ =	sdelay $0x1  }
0x99: {  	s4 =	simm.s32 $_scs_section_size  }
0x9a: {  	s5 =	simm.s32 $_size__tile_overlayer_lowered;
	s6 =	simm.s32 $_tile_overlayer_lowered  }
0x9b: {  	s22 =	simm.s32 $0x1BFF;
	s21 =	sshll.u32 s6, $0x1;
	s3 =	sadd.s32 s4, s19  }
0x9c: {  	s7 =	simm.s32 $0x0;
	s20 =	sshll.u32 s5, $0x1;
	s5 =	sadd.s32 s21, s3  }
0x9d: {  	[timem:s7], [sflag:s22] =	dma.local [hbm:s5], s20  }
0x9e: {  	_ =	swait.ge [sflag:s22], s20  }
0x9f: {  	s4 =	ssub.s32 $0x0, s20;
	[sflag:s22] =	ssyncset.done $0x0  }
0xa0: {  	[sflag:s22] =	ssyncadd.s32 s4;
	_ =	sdelay $0x1  }
0xa1: {  	s23 =	simm.s32 $0x1B8B  }
0xa2: {  	_ =	swait.ge [sflag:s23], $0x1  }
0xa3: {  	[sflag:s23] =	ssyncset.done $0x0  }
0xa4: {  	s25 =	simm.s32 $0x1B8E;
	s24 =	sld [smem:$0x3FFE];
	[sflag:s23] =	ssyncadd.s32 $0xFFFFFFFF  }
0xa5: {  	s26 =	simm.s32 $execute0_lowered;
	[smem:$0x3FD2] =	sst s25  }
0xa6: {  	s5 =	sshll.u32 s26, $0x1;
	_ =	strace $0x8000004F;
	[dreg:$0x1] =	wrdreg $0xFFFFFFFF  }
0xa7: {  	s28 =	simm.s32 $_size_execute0_lowered;
	s3 =	sadd.s32 s3, s5;
	[dreg:$0x0] =	wrdreg $0x0  }
0xa8: {  	s5 =	sshll.u32 s28, $0x1;
	[dreg:$0x2] =	wrdreg s3  }
0xa9: {  	[dreg:$0x3] =	wrdreg s5  }
0xaa: {  	[dreg:$0x4] =	wrdreg $0xC0  }
0xab: {  	_ =	task [dreg:s7], $0x5FFFF  }
0xac: {  	[dreg:$0x1] =	wrdreg $0xFFFFFFFF  }
0xad: {  	[dreg:$0x0] =	wrdreg $0x60  }
0xae: {  	[dreg:$0x2] =	wrdreg s24  }
0xaf: {  	[dreg:$0x3] =	wrdreg s2  }
0xb0: {  	[dreg:$0x4] =	wrdreg $0xA8000  }
0xb1: {  	[dreg:$0x5] =	wrdreg $0x9  }
0xb2: {  	_ =	task.clear_ibuf [dreg:s7], $0x6FFFF;
	_ =	strace $0x9000004F  }
0xb3: {  	s29 =	simm.s32 $0x9;
	_ =	strace $0x80000051  }
0xb4: {  	_ =	swait.ge [sflag:s29], $0x1  }
0xb5: {  	[sflag:s29] =	ssyncadd.s32 $0xFFFFFFFF  }
0xb6: {  	_ =	strace $0x90000051  }
0xb7: {  	_ =	sfence  }
0xb8: {  	s30 =	sld [smem:$0x0];
	_ =	sdelay $0x2  }
0xb9: {  	s31 =	sshll.u32 s1, $0xD;
	s1 =	sshrl.u32 s1, $0x2  }
0xba: {  	s3 =	sand.u32 $0x4000, s31;
	s1 =	sadd.s32 s1, s30  }
0xbb: {  	s0 =	sor.u32 s3, s0;
	s1 =	sshll.u32 s1, $0x11  }
0xbc: {  	s0 =	sor.u32 s1, s0  }
0xbd: {  	s0 =	sadd.s32 $0x8F2B, s0  }
0xbe: {  	[sflag:s0] =	ssyncadd.remote.s32 $0x1  }
0xbf: {  	_ =	sfence.sel $0xFFFF  }
0xc0: {  	[dreg:$0x0] =	wrdreg $0xFFFFFFFF;
	(pc) =	sbr.abs _section_cstart, $3  }
0xc1: {  	[dreg:$0x1] =	wrdreg $0xFFFFFFFF  }
0xc2: {  	_ =	task.clear_ibuf [dreg:s7], $0x2FFFF;
	_ =	strace $0x9FFFFFFF  }
0xc3: {  	(tm) =	ssettm $0x7FFFFFFF  }
tec
execute0_lowered:
.L_overlay_start_1:
0x0: {  	(tag) =	ssettag $0x1  }
0x1: {  	s5 =	rddreg [dreg:$0x0]  }
0x2: {  	s0 =	srdreg.scid;
	s7 =	rddreg [dreg:$0x1]  }
0x3: {  	s2 =	rddreg [dreg:$0x2];
	s3 =	simm.s32 $0x0;
	s15 =	simm.s32 $0x2800  }
0x4: {  	s16 =	simm.s32 $0x6800;
	s17 =	simm.s32 $0x1;
	s18 =	simm.s32 $0x2  }
0x5: {  	s19 =	simm.s32 $0x3;
	s20 =	simm.s32 $0x4;
	s21 =	simm.s32 $0x2700  }
0x6: {  	s22 =	simm.s32 $0x2780;
	s6 =	sand.u32 $0x1, s0;
	s0 =	stileid.u32  }
0x7: {  	s23 =	simm.s32 $0x0;
	[smem:$0x7FF] =	sst s3;
	s9 =	smul.u32 $0x14000, s0  }
0x8: {  	s1 =	sshll.u32 s6, $0x4;
	s10 =	smul.u32 $0x140000, s6;
	s6 =	ssub.s32 $0x2, s6  }
0x9: {  	s29 =	smul.u32 $0x50000, s0;
	s31 =	sshll.u32 s0, $0x6;
	s4 =	sor.u32 s0, s1  }
0xa: {  	s1 =	rddreg [dreg:$0x3];
	_ =	strace $0x80000050;
	s13 =	sshrl.u32 s6, $0x1  }
0xb: {  	s8 =	smul.u32 $0x280, s4;
	s4 =	sadd.s32 $0x7000, s5;
	s12 =	sshrl.u32 s9, $0x3  }
0xc: {  	s9 =	sadd.s32 s9, s10;
	s13 =	ssub.s32 s6, s13;
	s30 =	sshrl.u32 s29, $0x2  }
0xd: {  	s6 =	sor.u32 $0x1C05, s31;
	s12 =	sadd.s32 s12, s5;
	s9 =	sshrl.u32 s9, $0x3  }
0xe: {  	s14 =	sadd.s32 s30, s2;
	s10 =	smax.u32 s13, $0x1;
	s13 =	simm.s32 $0x1400  }
0xf: {  	s11 =	sadd.s32 s8, s5;
	s9 =	sadd.s32 s9, s5;
	s5 =	sadd.s32 $0x57000, s12  }
0x10: {  	s7 =	sadd.s32 s7, s8;
	s12 =	simm.s32 $0x5;
	s8 =	sadd.s32 $0x2000, s11  }
0x11: {  	s9 =	sadd.s32 $0x7F000, s9;
	s11 =	sshrl.u32 s14, $0x3;
	s14 =	simm.s32 $0x80  }
.LBB2_1:
0x12: {  	[spmem:s11], [sflag:s6] =	dma.local [hbm:s5], $0x2800  }
0x13: {  	_ =	swait.ge [sflag:s12], $0x2800  }
0x14: {  	[sflag:s12] =	ssyncset.done $0x0  }
0x15: {  	[sflag:s12] =	ssyncadd.s32 $0xFFFFD800  }
0x16: {  	[tilespmem:s3], [sflag:$0x5] =	stream.linear.gather [hbm4b:s7+s3], $0x1400, $0x38;
	[tilespmem:$0x1E800] =	vst v63  }
0x17: {  	_ =	swait.ge [sflag:s12], $0x1400  }
0x18: {  	[sflag:s12] =	ssyncset.done $0x0  }
0x19: {  	[sflag:s12] =	ssyncadd.s32 $0xFFFFEC00  }
0x1a: {  	[tilespmem:s13], [sflag:$0x5] =	stream.linear.gather [hbm4b:s8+s3], $0x1400, $0x38;
	[tilespmem:$0x1E800] =	vst v63  }
0x1b: {  	_ =	swait.ge [sflag:s12], $0x1400  }
0x1c: {  	[sflag:s12] =	ssyncset.done $0x0  }
0x1d: {  	[sflag:s12] =	ssyncadd.s32 $0xFFFFEC00  }
0x1e: {  	[bflag:$0x0] =	sbarrier.arrive $0xFFFF  }
0x1f: {  	[tilespmem:s15], [sflag:$0x1] =	stream.indirect.gather [hbm4b:s4+s14], $0x80, s3, s14, $0xb8;
	[tilespmem:$0x1E800] =	vst v63  }
0x20: {  	_ = 	snop  }
0x21: {  	[tilespmem:s16], [sflag:$0x2] =	stream.indirect.gather [hbm4b:s4+s14], $0x80, s14, s14, $0xb8;
	[tilespmem:$0x1E800] =	vst v63  }
0x22: {  	_ =	swait.ge [sflag:s17], $0x4000  }
0x23: {  	[sflag:s17] =	ssyncset.done $0x0  }
0x24: {  	s24 =	simm.s32 $0x1400;
	[sflag:s17] =	ssyncadd.s32 $0xFFFFC000  }
0x25: {  	[spmem:s2] =	stream.indirect.scatter.add.f32 [tilespmem:s15], [sflag:$0x3], $0x80, s24, s14, $0xb8;
	[tilespmem:$0x1E800] =	vst v63  }
0x26: {  	_ =	swait.ge [sflag:s18], $0x4000  }
0x27: {  	[sflag:s18] =	ssyncset.done $0x0  }
0x28: {  	s30 =	simm.s32 $0x1480;
	[sflag:s18] =	ssyncadd.s32 $0xFFFFC000  }
0x29: {  	[spmem:s2] =	stream.indirect.scatter.add.f32 [tilespmem:s16], [sflag:$0x4], $0x80, s30, s14, $0xb8;
	[tilespmem:$0x1E800] =	vst v63  }
0x2a: {  	_ =	swait.ge [sflag:s19], $0x4000  }
0x2b: {  	[sflag:s19] =	ssyncset.done $0x0  }
0x2c: {  	s31 =	simm.s32 $0x100;
	[sflag:s19] =	ssyncadd.s32 $0xFFFFC000  }
0x2d: {  	[tilespmem:s15], [sflag:$0x1] =	stream.indirect.gather [hbm4b:s4+s14], $0x80, s31, s14, $0xb8;
	[tilespmem:$0x1E800] =	vst v63  }
0x2e: {  	_ =	swait.ge [sflag:s20], $0x4000  }
0x2f: {  	[sflag:s20] =	ssyncset.done $0x0  }
0x30: {  	s25 =	simm.s32 $0x180;
	s24 =	simm.s32 $0x400;
	[sflag:s20] =	ssyncadd.s32 $0xFFFFC000  }
.LBB2_2:
0x31: {  	[tilespmem:s16], [sflag:$0x2] =	stream.indirect.gather [hbm4b:s4+s14], $0x80, s25, s14, $0xb8;
	[tilespmem:$0x1E800] =	vst v63  }
0x32: {  	s25 =	smov.u32 s24  }
0x33: {  	p0 =	sne.s32 s24, $0x4800;
	s24 =	sadd.s32 $0x400, s24;
	_ =	swait.ge [sflag:s17], $0x4000  }
0x34: {  	s25 =	sshra.s32 s25, $0x2;
	[sflag:s17] =	ssyncset.done $0x0  }
0x35: {  	s26 =	sadd.s32 $0x1400, s25;
	[sflag:s17] =	ssyncadd.s32 $0xFFFFC000  }
0x36: {  	[spmem:s2] =	stream.indirect.scatter.add.f32 [tilespmem:s15], [sflag:$0x3], $0x80, s26, s14, $0xb8;
	[tilespmem:$0x1E800] =	vst v63  }
0x37: {  	_ =	swait.ge [sflag:s18], $0x4000  }
0x38: {  	[sflag:s18] =	ssyncset.done $0x0  }
0x39: {  	s26 =	sadd.s32 $0x1480, s25;
	[sflag:s18] =	ssyncadd.s32 $0xFFFFC000  }
0x3a: {  	[spmem:s2] =	stream.indirect.scatter.add.f32 [tilespmem:s16], [sflag:$0x4], $0x80, s26, s14, $0xb8;
	[tilespmem:$0x1E800] =	vst v63  }
0x3b: {  	_ =	swait.ge [sflag:s19], $0x4000  }
0x3c: {  	[sflag:s19] =	ssyncset.done $0x0  }
.Ltmp0:
0x3d: {  	s26 =	sadd.s32 $0x100, s25;
	[sflag:s19] =	ssyncadd.s32 $0xFFFFC000;
	(pc) =	sbr.rel @p0 .LBB2_2-.Ltmp0, $4  }
0x3e: {  	[tilespmem:s15], [sflag:$0x1] =	stream.indirect.gather [hbm4b:s4+s14], $0x80, s26, s14, $0xb8;
	[tilespmem:$0x1E800] =	vst v63  }
0x3f: {  	_ =	swait.ge [sflag:s20], $0x4000  }
0x40: {  	[sflag:s20] =	ssyncset.done $0x0  }
0x41: {  	s25 =	sadd.s32 $0x180, s25;
	[sflag:s20] =	ssyncadd.s32 $0xFFFFC000  }
0x42: {  	[tilespmem:s16], [sflag:$0x2] =	stream.indirect.gather [hbm4b:s4+s14], $0x80, s25, s14, $0xb8;
	[tilespmem:$0x1E800] =	vst v63  }
0x43: {  	_ =	swait.ge [sflag:s17], $0x4000  }
0x44: {  	[sflag:s17] =	ssyncset.done $0x0  }
0x45: {  	[sflag:s17] =	ssyncadd.s32 $0xFFFFC000  }
0x46: {  	[spmem:s2] =	stream.indirect.scatter.add.f32 [tilespmem:s15], [sflag:$0x3], $0x80, s21, s14, $0xb8;
	[tilespmem:$0x1E800] =	vst v63  }
0x47: {  	_ =	swait.ge [sflag:s18], $0x4000  }
0x48: {  	[sflag:s18] =	ssyncset.done $0x0  }
0x49: {  	[sflag:s18] =	ssyncadd.s32 $0xFFFFC000  }
0x4a: {  	[spmem:s2] =	stream.indirect.scatter.add.f32 [tilespmem:s16], [sflag:$0x4], $0x80, s22, s14, $0xb8;
	[tilespmem:$0x1E800] =	vst v63  }
0x4b: {  	_ =	swait.ge [sflag:s19], $0x4000  }
0x4c: {  	[sflag:s19] =	ssyncset.done $0x0  }
0x4d: {  	[sflag:s19] =	ssyncadd.s32 $0xFFFFC000  }
0x4e: {  	_ =	swait.ge [sflag:s20], $0x4000  }
0x4f: {  	s23 =	sadd.s32 $0x1, s23;
	[sflag:s20] =	ssyncset.done $0x0  }
0x50: {  	p0 =	sne.s32 s23, s10;
	[sflag:s20] =	ssyncadd.s32 $0xFFFFC000  }
.Ltmp1:
0x51: {  	[bflag:$0x0] =	sbarrier.arrive $0xFFFF;
	(pc) =	sbr.rel @p0 .LBB2_1-.Ltmp1, $4  }
0x52: {  	[hbm:s9], [sflag:s6] =	dma.local [spmem:s11], $0x2800  }
0x53: {  	_ =	swait.ge [sflag:s12], $0x2800  }
0x54: {  	[sflag:s12] =	ssyncset.done $0x0  }
0x55: {  	[sflag:s12] =	ssyncadd.s32 $0xFFFFD800  }
0x56: {  	_ =	sfence.sel $0x180000  }
0x57: {  	[bflag:$0x0] =	sbarrier.arrive $0xFFFF  }
0x58: {  	p0 =	sne.s32 s0, $0x0;
	_ =	strace $0x90000050  }
0x59: {  	s0 =	sadd.s32 @!p0 $0x100000, s1;
	[bflag:$0x2] =	sbarrier.arrive $0xFFFF  }
0x5a: {  	[sflag:s0] =	ssyncadd.tile.s32 @!p0 $0x1;
	_ =	shalt  }
.Lfunc_end2:
_tile_overlayer_lowered:
.L_overlay_start_2:
0x5b: {  	(tag) =	ssettag $0x2  }
0x5c: {  	s0 =	rddreg [dreg:$0x0];
	s2 =	stileid.u32  }
0x5d: {  	s1 =	rddreg [dreg:$0x1];
	p0 =	sne.s32 s2, $0x0  }
0x5e: {  	s3 =	rddreg [dreg:$0x2];
	[bflag:$0x3] =	sbarrier.arrive $0xFFFF;
	s2 =	simm.s32 @!p0 $0x1C05  }
0x5f: {  	[timem:s3], [sflag:s2] =	dma.local @!p0 [hbm:s0], s1  }
0x60: {  	s0 =	simm.s32 @!p0 $0x5  }
0x61: {  	_ =	swait.ge @!p0 [sflag:s0], s1  }
0x62: {  	s1 =	ssub.s32 @!p0 $0x0, s1;
	[sflag:s0] =	ssyncset.done @!p0 $0x0  }
0x63: {  	[sflag:s0] =	ssyncadd.s32 @!p0 s1  }
0x64: {  	[bflag:$0x3] =	sbarrier.arrive $0xFFFF  }
0x65: {  	_ =	shalt  }

// kernel: kernel.8.cloned.1.call-start
scs
__scs_entry_jumppad:
0x0: {  	(pc) =	sbr.rel $0x88, $3  }
0x1: {  	(tag) =	ssettag $0x0;
	lr =	simm.s32 $0x1  }
0x2: {  	[smem:$0x3F99] =	sst lr;
	_ =	strace $0xD0000000  }
0x3: {  	_ = 	snop  }
0x4: {  	_ = 	snop  }
0x5: {  	_ = 	snop  }
0x6: {  	_ = 	snop  }
0x7: {  	_ = 	snop  }
__scs_overlays_trampoline_lowered:
0x8: {  	[smem:$0x3FA8] =	sst s0  }
0x9: {  	[smem:$0x3FA9] =	sst s1  }
0xa: {  	[smem:$0x3FAA] =	sst s2  }
0xb: {  	[smem:$0x3FAB] =	sst s3  }
0xc: {  	[smem:$0x3FAC] =	sst s4  }
0xd: {  	[smem:$0x3FAD] =	sst s5  }
0xe: {  	[smem:$0x3FAE] =	sst s6  }
0xf: {  	[smem:$0x3FAF] =	sst s7  }
0x10: {  	[smem:$0x3FB0] =	sst s8  }
0x11: {  	[smem:$0x3FB1] =	sst s9;
	s0 =	simm.s32 @!p0 $0x0  }
0x12: {  	s1 =	sld [smem:$0x3F97];
	s0 =	simm.s32 @p0 $0x1  }
0x13: {  	[smem:$0x3FB2] =	sst s0;
	s0 =	simm.s32 @!p1 $0x0  }
0x14: {  	s2 =	sld [smem:$0x3F96];
	s0 =	simm.s32 @p1 $0x1  }
0x15: {  	[smem:$0x3FB3] =	sst s0;
	s0 =	simm.s32 @!p2 $0x0  }
0x16: {  	s3 =	sld [smem:$0x3FDB];
	s0 =	simm.s32 @p2 $0x1  }
0x17: {  	s4 =	simm.s32 $0x1BF5;
	[smem:$0x3FB5] =	sst s0  }
0x18: {  	s0 =	sld [smem:$0x3F98];
	_ =	swait.ge [sflag:s4], $0x0  }
0x19: {  	s7 =	sld [smem:$0x3F99]  }
0x1a: {  	s8 =	sadd.s32 $0xFFFFE003, lr  }
0x1b: {  	s9 =	sadd.s32 $0xFFFFFEF7, lr;
	s5 =	simm.s32 $0xFFFFFFFF;
	p2 =	slt.u32 s8, $0xFFFFF086  }
0x1c: {  	p1 =	slt.u32 s9, $0xF7A;
	s5 =	simm.s32 @!p2 $0x0  }
0x1d: {  	s5 =	simm.s32 @p1 $0x1;
	p0 =	seq.s32 s7, s2  }
0x1e: {  	s7 =	smul.u32 @!p0 $0xF7A, s2;
	p2 =	seq.s32 @!p0 s5, $0x0  }
0x1f: {  	s9 =	smul.u32 $0xF7A, s1;
	s8 =	simm.s32 @!p0 $0x1BF5;
	p2 =	por !p2, p0  }
0x20: {  	[sflag:s8] =	ssyncset.s32 @!p0 $0xFFFFF086;
	s6 =	sadd.s32 @!p0 s3, s7;
	s7 =	simm.s32 @!p0 $0x108  }
0x21: {  	s3 =	sadd.s32 s3, s9;
	s6 =	sadd.s32 @!p0 $0x88, s6;
	s7 =	simm.s32 @p2 $0x1082  }
0x22: {  	[simem:s7], [sflag:s8] =	dma.local @!p0 [hbm:s6], $0xF7A  }
0x23: {  	s9 =	sor.u32 $0xD0000000, s2;
	s6 =	simm.s32 $0x108;
	_ =	swait.ge @!p0 [sflag:s8], $0x0  }
0x24: {  	s3 =	sadd.s32 $0x88, s3;
	s6 =	simm.s32 @!p1 $0x1082;
	[sflag:s4] =	ssyncset.s32 $0xFFFFF086  }
0x25: {  	[simem:s6], [sflag:s4] =	dma.local [hbm:s3], $0xF7A  }
0x26: {  	[smem:$0x3F99] =	sst s1;
	(tag) =	ssettag s2;
	_ =	strace s9  }
0x27: {  	s1 =	sld [smem:$0x3FA9]  }
0x28: {  	s2 =	sld [smem:$0x3FAA]  }
0x29: {  	s4 =	sld [smem:$0x3FAC]  }
0x2a: {  	p0 =	seq.s32 s5, $0x0;
	s5 =	sld [smem:$0x3FAD]  }
0x2b: {  	s6 =	sld [smem:$0x3FAE]  }
0x2c: {  	s7 =	sld [smem:$0x3FAF]  }
0x2d: {  	s3 =	simm.s32 $0x108;
	s8 =	sld [smem:$0x3FB0]  }
0x2e: {  	s3 =	simm.s32 @!p0 $0x1082;
	s9 =	sld [smem:$0x3FB1]  }
0x2f: {  	lr =	sadd.s32 s0, s3;
	s0 =	sld [smem:$0x3FA8]  }
0x30: {  	s3 =	sld [smem:$0x3FAB]  }
0x31: {  	[smem:$0x3FB4] =	sst s10  }
0x32: {  	s10 =	sld [smem:$0x3FB2];
	_ =	sdelay $0x3  }
0x33: {  	p0 =	seq.s32 s10, $0x1;
	s10 =	sld [smem:$0x3FB4];
	_ =	sdelay $0x3  }
0x34: {  	[smem:$0x3FB4] =	sst s10  }
0x35: {  	s10 =	sld [smem:$0x3FB3];
	_ =	sdelay $0x3  }
0x36: {  	p1 =	seq.s32 s10, $0x1;
	s10 =	sld [smem:$0x3FB4];
	_ =	sdelay $0x3  }
0x37: {  	[smem:$0x3FB4] =	sst s10  }
0x38: {  	s10 =	sld [smem:$0x3FB5]  }
0x39: {  	_ = 	snop;
	(pc) =	sbr.ind lr, $3  }
0x3a: {  	_ = 	snop  }
0x3b: {  	_ = 	snop  }
0x3c: {  	p2 =	seq.s32 s10, $0x1;
	s10 =	sld [smem:$0x3FB4]  }
0x3d: {  	_ =	shalt  }
0x3e: {  	_ =	shalt  }
0x3f: {  	_ =	shalt  }
0x40: {  	_ =	shalt  }
0x41: {  	_ =	shalt  }
0x42: {  	_ =	shalt  }
0x43: {  	_ =	shalt  }
0x44: {  	_ =	shalt  }
0x45: {  	_ =	shalt  }
0x46: {  	_ =	shalt  }
0x47: {  	_ =	shalt  }
0x48: {  	_ =	shalt  }
0x49: {  	_ =	shalt  }
0x4a: {  	_ =	shalt  }
0x4b: {  	_ =	shalt  }
0x4c: {  	_ =	shalt  }
0x4d: {  	_ =	shalt  }
0x4e: {  	_ =	shalt  }
0x4f: {  	_ =	shalt  }
0x50: {  	_ =	shalt  }
0x51: {  	_ =	shalt  }
0x52: {  	_ =	shalt  }
0x53: {  	_ =	shalt  }
0x54: {  	_ =	shalt  }
0x55: {  	_ =	shalt  }
0x56: {  	_ =	shalt  }
0x57: {  	_ =	shalt  }
0x58: {  	_ =	shalt  }
0x59: {  	_ =	shalt  }
0x5a: {  	_ =	shalt  }
0x5b: {  	_ =	shalt  }
0x5c: {  	_ =	shalt  }
0x5d: {  	_ =	shalt  }
0x5e: {  	_ =	shalt  }
0x5f: {  	_ =	shalt  }
0x60: {  	_ =	shalt  }
0x61: {  	_ =	shalt  }
0x62: {  	_ =	shalt  }
0x63: {  	_ =	shalt  }
0x64: {  	_ =	shalt  }
0x65: {  	_ =	shalt  }
0x66: {  	_ =	shalt  }
0x67: {  	_ =	shalt  }
0x68: {  	_ =	shalt  }
0x69: {  	_ =	shalt  }
0x6a: {  	_ =	shalt  }
0x6b: {  	_ =	shalt  }
0x6c: {  	_ =	shalt  }
0x6d: {  	_ =	shalt  }
0x6e: {  	_ =	shalt  }
0x6f: {  	_ =	shalt  }
0x70: {  	_ =	shalt  }
0x71: {  	_ =	shalt  }
0x72: {  	_ =	shalt  }
0x73: {  	_ =	shalt  }
0x74: {  	_ =	shalt  }
0x75: {  	_ =	shalt  }
0x76: {  	_ =	shalt  }
0x77: {  	_ =	shalt  }
0x78: {  	_ =	shalt  }
0x79: {  	_ =	shalt  }
0x7a: {  	_ =	shalt  }
0x7b: {  	_ =	shalt  }
0x7c: {  	_ =	shalt  }
0x7d: {  	_ =	shalt  }
0x7e: {  	_ =	shalt  }
0x7f: {  	_ =	shalt  }
0x80: {  	_ =	shalt  }
0x81: {  	_ =	shalt  }
0x82: {  	_ =	shalt  }
0x83: {  	_ =	shalt  }
0x84: {  	_ =	shalt  }
0x85: {  	_ =	shalt  }
0x86: {  	_ =	shalt  }
0x87: {  	_ =	shalt  }
.Lfunc_end0:
.L_simem_size_0:
called_computation_lowered:
.L_overlay_start_0:
0x88: {  	s2 =	sld [smem:$0x3FD9]  }
0x89: {  	s3 =	sld [smem:$0x3FFE];
	_ =	sdelay $0x1  }
0x8a: {  	s1 =	srdreg.scid  }
0x8b: {  	s0 =	sand.u32 $0x1, s1  }
0x8c: {  	s17 =	sshll.u32 s0, $0xA;
	s2 =	sadd.s32 s3, s2  }
0x8d: {  	s2 =	sadd.s32 s2, s17  }
0x8e: {  	[smem:$0x3FC0] =	sst s2  }
0x8f: {  	_ = 	snop  }
0x90: {  	(tm) =	ssettm $0x1  }
0x91: {  	s18 =	sld [smem:$0x3FFB];
	_ =	sdelay $0x3  }
0x92: {  	_ =	strace s18  }
0x93: {  	s2 =	sld [smem:$0x3FFC];
	_ =	sdelay $0x3  }
0x94: {  	_ =	strace s2  }
0x95: {  	s2 =	sld [smem:$0x3FFD];
	_ =	sdelay $0x3  }
0x96: {  	_ =	strace s2  }
0x97: {  	_ =	strace $0x8FFFFFFF  }
0x98: {  	s19 =	sld [smem:$0x3FDB];
	_ =	sdelay $0x1  }
0x99: {  	s20 =	simm.s32 $_scs_section_size  }
0x9a: {  	s4 =	simm.s32 $_size__tile_overlayer_lowered;
	s5 =	simm.s32 $_tile_overlayer_lowered  }
0x9b: {  	s6 =	simm.s32 $0x1BFF;
	s21 =	sshll.u32 s5, $0x1;
	s3 =	sadd.s32 s20, s19  }
0x9c: {  	s22 =	simm.s32 $0x0;
	s4 =	sshll.u32 s4, $0x1;
	s5 =	sadd.s32 s21, s3  }
0x9d: {  	[timem:s22], [sflag:s6] =	dma.local [hbm:s5], s4  }
0x9e: {  	_ =	swait.ge [sflag:s6], s4  }
0x9f: {  	s4 =	ssub.s32 $0x0, s4;
	[sflag:s6] =	ssyncset.done $0x0  }
0xa0: {  	[sflag:s6] =	ssyncadd.s32 s4;
	_ =	sdelay $0x1  }
0xa1: {  	s23 =	simm.s32 $0x1B8B  }
0xa2: {  	_ =	swait.ge [sflag:s23], $0x1  }
0xa3: {  	[sflag:s23] =	ssyncset.done $0x0  }
0xa4: {  	[sflag:s23] =	ssyncadd.s32 $0xFFFFFFFF  }
0xa5: {  	s4 =	sld [smem:$0x0]  }
0xa6: {  	s5 =	sand.u32 $0xFFFFFFFE, s1  }
0xa7: {  	p0 =	sne.s32 s1, s5  }
0xa8: {  	s5 =	sshll.u32 @p0 s5, $0xE  }
0xa9: {  	s5 =	sadd.s32 @p0 $0x11B8D, s5;
	s6 =	sshll.u32 @p0 s4, $0x11  }
0xaa: {  	s5 =	sor.u32 @p0 s6, s5  }
0xab: {  	[sflag:s5] =	ssyncadd.remote.s32 @p0 $0x1;
	_ =	sdelay $0x1  }
0xac: {  	s5 =	simm.s32 @p0 $0x1B8D  }
0xad: {  	_ =	swait.eq @p0 [sflag:s5], $0x1  }
0xae: {  	[sflag:s5] =	ssyncadd.s32 @p0 $0xFFFFFFFF  }
0xaf: {  	s6 =	sshll.u32 @!p0 s1, $0xE  }
0xb0: {  	s6 =	sor.u32 @!p0 $0x4000, s6;
	s5 =	simm.s32 @!p0 $0x1B8D  }
0xb1: {  	s4 =	sshll.u32 @!p0 s4, $0x11;
	s6 =	sadd.s32 @!p0 $0x11B8D, s6;
	_ =	swait.eq @!p0 [sflag:s5], $0x1  }
0xb2: {  	s4 =	sor.u32 @!p0 s4, s6;
	[sflag:s5] =	ssyncadd.s32 @!p0 $0xFFFFFFFF  }
0xb3: {  	s25 =	simm.s32 $0x1B8E;
	s24 =	sld [smem:$0x3FFE];
	[sflag:s4] =	ssyncadd.remote.s32 @!p0 $0x1  }
0xb4: {  	s26 =	simm.s32 $execute0_lowered;
	[smem:$0x3FD2] =	sst s25  }
0xb5: {  	s5 =	sshll.u32 s26, $0x1;
	_ =	strace $0x8000004C;
	[dreg:$0x1] =	wrdreg $0xFFFFFFFF  }
0xb6: {  	s28 =	simm.s32 $_size_execute0_lowered;
	s3 =	sadd.s32 s3, s5;
	[dreg:$0x0] =	wrdreg $0x0  }
0xb7: {  	s5 =	sshll.u32 s28, $0x1;
	[dreg:$0x2] =	wrdreg s3  }
0xb8: {  	[dreg:$0x3] =	wrdreg s5  }
0xb9: {  	[dreg:$0x4] =	wrdreg $0xC0  }
0xba: {  	_ =	task [dreg:s22], $0x5FFFF  }
0xbb: {  	[dreg:$0x1] =	wrdreg $0xFFFFFFFF  }
0xbc: {  	[dreg:$0x0] =	wrdreg $0x60  }
0xbd: {  	[dreg:$0x2] =	wrdreg s24  }
0xbe: {  	[dreg:$0x3] =	wrdreg $0x54000  }
0xbf: {  	[dreg:$0x4] =	wrdreg $0x9  }
0xc0: {  	_ =	task.clear_ibuf [dreg:s22], $0x5FFFF;
	_ =	strace $0x9000004C  }
0xc1: {  	s29 =	simm.s32 $0x9;
	_ =	strace $0x8000004E  }
0xc2: {  	_ =	swait.ge [sflag:s29], $0x1  }
0xc3: {  	[sflag:s29] =	ssyncadd.s32 $0xFFFFFFFF  }
0xc4: {  	_ =	strace $0x9000004E  }
0xc5: {  	_ =	sfence  }
0xc6: {  	s30 =	sld [smem:$0x0];
	_ =	sdelay $0x2  }
0xc7: {  	s31 =	sshll.u32 s1, $0xD;
	s1 =	sshrl.u32 s1, $0x2  }
0xc8: {  	s4 =	sand.u32 $0x4000, s31;
	s1 =	sadd.s32 s1, s30  }
0xc9: {  	s0 =	sor.u32 s4, s0;
	s1 =	sshll.u32 s1, $0x11  }
0xca: {  	s0 =	sor.u32 s1, s0  }
0xcb: {  	s0 =	sadd.s32 $0x8F2B, s0  }
0xcc: {  	[sflag:s0] =	ssyncadd.remote.s32 $0x1  }
0xcd: {  	_ =	sfence.sel $0xFFFF  }
0xce: {  	[dreg:$0x0] =	wrdreg $0xFFFFFFFF;
	(pc) =	sbr.abs _section_cstart, $3  }
0xcf: {  	[dreg:$0x1] =	wrdreg $0xFFFFFFFF  }
0xd0: {  	_ =	task.clear_ibuf [dreg:s22], $0x2FFFF;
	_ =	strace $0x9FFFFFFF  }
0xd1: {  	(tm) =	ssettm $0x7FFFFFFF  }
tec
execute0_lowered:
.L_overlay_start_1:
0x0: {  	(tag) =	ssettag $0x1  }
0x1: {  	s0 =	srdreg.scid  }
0x2: {  	s1 =	rddreg [dreg:$0x0];
	s11 =	stileid.u32  }
0x3: {  	s2 =	rddreg [dreg:$0x1];
	s12 =	simm.s32 $0x1400;
	s13 =	simm.s32 $0x80  }
0x4: {  	s17 =	simm.s32 $0xC00;
	s18 =	simm.s32 $0xC80;
	s19 =	simm.s32 $0xD00  }
0x5: {  	s20 =	simm.s32 $0xD80;
	s21 =	simm.s32 $0xE00;
	s22 =	simm.s32 $0xE80  }
0x6: {  	s23 =	simm.s32 $0xF00;
	s28 =	simm.s32 $0x1100;
	s29 =	simm.s32 $0x1180  }
0x7: {  	s30 =	simm.s32 $0x1200;
	s31 =	simm.s32 $0x1280;
	s14 =	simm.s32 $0x1  }
0x8: {  	s15 =	simm.s32 $0x0;
	s0 =	sand.u32 $0x1, s0;
	s5 =	smul.u32 $0x14000, s11  }
0x9: {  	s24 =	smul.u32 $0x50000, s11;
	s26 =	sshll.u32 s11, $0x6;
	s3 =	sshll.u32 s0, $0x4  }
0xa: {  	s6 =	smul.u32 $0x140000, s0;
	s0 =	ssub.s32 $0x2, s0;
	s4 =	sor.u32 s11, s3  }
0xb: {  	s3 =	simm.s32 $0x0;
	s8 =	sshrl.u32 s5, $0x3;
	s9 =	sshrl.u32 s0, $0x1  }
0xc: {  	s25 =	sshrl.u32 s24, $0x2;
	s11 =	simm.s32 $0x2;
	s24 =	simm.s32 $0xF80  }
0xd: {  	s4 =	smul.u32 $0x280, s4;
	[smem:$0x7FF] =	sst s3;
	s5 =	sadd.s32 s5, s6  }
0xe: {  	s8 =	sadd.s32 s8, s1;
	s0 =	ssub.s32 s0, s9;
	s10 =	sadd.s32 s25, s2  }
0xf: {  	s6 =	sor.u32 $0x1C02, s26;
	s25 =	simm.s32 $0x1000;
	s26 =	simm.s32 $0x1080  }
0x10: {  	_ =	strace $0x8000004D;
	s5 =	sshrl.u32 s5, $0x3;
	s9 =	smax.u32 s0, $0x1  }
0x11: {  	s10 =	sshrl.u32 s10, $0x3;
	s0 =	simm.s32 $0x1380;
	s7 =	sadd.s32 s4, s1  }
0x12: {  	s4 =	sadd.s32 $0x11F000, s1;
	s1 =	sadd.s32 s5, s1;
	s5 =	sadd.s32 $0x57000, s8  }
0x13: {  	s7 =	sadd.s32 $0x2000, s7;
	s8 =	sadd.s32 $0x11F800, s1;
	s1 =	simm.s32 $0x1300  }
.LBB2_1:
0x14: {  	[spmem:s10], [sflag:s6] =	dma.local [hbm:s5], $0x2800  }
0x15: {  	_ =	swait.ge [sflag:s11], $0x2800  }
0x16: {  	[sflag:s11] =	ssyncset.done $0x0  }
0x17: {  	[sflag:s11] =	ssyncadd.s32 $0xFFFFD800  }
0x18: {  	[tilespmem:s3], [sflag:$0x2] =	stream.linear.gather [hbm4b:s7+s3], $0x1400, $0x38;
	[tilespmem:$0x19400] =	vst v63  }
0x19: {  	_ =	swait.ge [sflag:s11], $0x1400  }
0x1a: {  	[sflag:s11] =	ssyncset.done $0x0  }
0x1b: {  	[sflag:s11] =	ssyncadd.s32 $0xFFFFEC00  }
0x1c: {  	[tilespmem:s12], [sflag:$0x2] =	stream.linear.gather [hbm4b:s4+s3], $0x4000, $0x38;
	[tilespmem:$0x19400] =	vst v63  }
0x1d: {  	_ =	swait.ge [sflag:s11], $0x4000  }
0x1e: {  	[sflag:s11] =	ssyncset.done $0x0  }
0x1f: {  	[sflag:s11] =	ssyncadd.s32 $0xFFFFC000  }
0x20: {  	[bflag:$0x0] =	sbarrier.arrive $0xFFFF  }
0x21: {  	[spmem:s2] =	stream.indirect.scatter.add.f32 [tilespmem:s12], [sflag:$0x1], $0x80, s3, s13, $0xb8;
	[tilespmem:$0x19400] =	vst v63  }
0x22: {  	_ = 	snop  }
0x23: {  	[spmem:s2] =	stream.indirect.scatter.add.f32 [tilespmem:s12], [sflag:$0x1], $0x80, s13, s13, $0xb8;
	[tilespmem:$0x19400] =	vst v63  }
0x24: {  	s16 =	simm.s32 $0x100  }
0x25: {  	[spmem:s2] =	stream.indirect.scatter.add.f32 [tilespmem:s12], [sflag:$0x1], $0x80, s16, s13, $0xb8;
	[tilespmem:$0x19400] =	vst v63  }
0x26: {  	s16 =	simm.s32 $0x180  }
0x27: {  	[spmem:s2] =	stream.indirect.scatter.add.f32 [tilespmem:s12], [sflag:$0x1], $0x80, s16, s13, $0xb8;
	[tilespmem:$0x19400] =	vst v63  }
0x28: {  	s16 =	simm.s32 $0x200  }
0x29: {  	[spmem:s2] =	stream.indirect.scatter.add.f32 [tilespmem:s12], [sflag:$0x1], $0x80, s16, s13, $0xb8;
	[tilespmem:$0x19400] =	vst v63  }
0x2a: {  	s16 =	simm.s32 $0x280  }
0x2b: {  	[spmem:s2] =	stream.indirect.scatter.add.f32 [tilespmem:s12], [sflag:$0x1], $0x80, s16, s13, $0xb8;
	[tilespmem:$0x19400] =	vst v63  }
0x2c: {  	s16 =	simm.s32 $0x300  }
0x2d: {  	[spmem:s2] =	stream.indirect.scatter.add.f32 [tilespmem:s12], [sflag:$0x1], $0x80, s16, s13, $0xb8;
	[tilespmem:$0x19400] =	vst v63  }
0x2e: {  	s16 =	simm.s32 $0x380  }
0x2f: {  	[spmem:s2] =	stream.indirect.scatter.add.f32 [tilespmem:s12], [sflag:$0x1], $0x80, s16, s13, $0xb8;
	[tilespmem:$0x19400] =	vst v63  }
0x30: {  	s16 =	simm.s32 $0x400  }
0x31: {  	[spmem:s2] =	stream.indirect.scatter.add.f32 [tilespmem:s12], [sflag:$0x1], $0x80, s16, s13, $0xb8;
	[tilespmem:$0x19400] =	vst v63  }
0x32: {  	s16 =	simm.s32 $0x480  }
0x33: {  	[spmem:s2] =	stream.indirect.scatter.add.f32 [tilespmem:s12], [sflag:$0x1], $0x80, s16, s13, $0xb8;
	[tilespmem:$0x19400] =	vst v63  }
0x34: {  	s16 =	simm.s32 $0x500  }
0x35: {  	[spmem:s2] =	stream.indirect.scatter.add.f32 [tilespmem:s12], [sflag:$0x1], $0x80, s16, s13, $0xb8;
	[tilespmem:$0x19400] =	vst v63  }
0x36: {  	s16 =	simm.s32 $0x580  }
0x37: {  	[spmem:s2] =	stream.indirect.scatter.add.f32 [tilespmem:s12], [sflag:$0x1], $0x80, s16, s13, $0xb8;
	[tilespmem:$0x19400] =	vst v63  }
0x38: {  	s16 =	simm.s32 $0x600  }
0x39: {  	[spmem:s2] =	stream.indirect.scatter.add.f32 [tilespmem:s12], [sflag:$0x1], $0x80, s16, s13, $0xb8;
	[tilespmem:$0x19400] =	vst v63  }
0x3a: {  	s16 =	simm.s32 $0x680  }
0x3b: {  	[spmem:s2] =	stream.indirect.scatter.add.f32 [tilespmem:s12], [sflag:$0x1], $0x80, s16, s13, $0xb8;
	[tilespmem:$0x19400] =	vst v63  }
0x3c: {  	s16 =	simm.s32 $0x700  }
0x3d: {  	[spmem:s2] =	stream.indirect.scatter.add.f32 [tilespmem:s12], [sflag:$0x1], $0x80, s16, s13, $0xb8;
	[tilespmem:$0x19400] =	vst v63  }
0x3e: {  	s16 =	simm.s32 $0x780  }
0x3f: {  	[spmem:s2] =	stream.indirect.scatter.add.f32 [tilespmem:s12], [sflag:$0x1], $0x80, s16, s13, $0xb8;
	[tilespmem:$0x19400] =	vst v63  }
0x40: {  	s16 =	simm.s32 $0x800  }
0x41: {  	[spmem:s2] =	stream.indirect.scatter.add.f32 [tilespmem:s12], [sflag:$0x1], $0x80, s16, s13, $0xb8;
	[tilespmem:$0x19400] =	vst v63  }
0x42: {  	s16 =	simm.s32 $0x880  }
0x43: {  	[spmem:s2] =	stream.indirect.scatter.add.f32 [tilespmem:s12], [sflag:$0x1], $0x80, s16, s13, $0xb8;
	[tilespmem:$0x19400] =	vst v63  }
0x44: {  	s16 =	simm.s32 $0x900  }
0x45: {  	[spmem:s2] =	stream.indirect.scatter.add.f32 [tilespmem:s12], [sflag:$0x1], $0x80, s16, s13, $0xb8;
	[tilespmem:$0x19400] =	vst v63  }
0x46: {  	s16 =	simm.s32 $0x980  }
0x47: {  	[spmem:s2] =	stream.indirect.scatter.add.f32 [tilespmem:s12], [sflag:$0x1], $0x80, s16, s13, $0xb8;
	[tilespmem:$0x19400] =	vst v63  }
0x48: {  	s16 =	simm.s32 $0xA00  }
0x49: {  	[spmem:s2] =	stream.indirect.scatter.add.f32 [tilespmem:s12], [sflag:$0x1], $0x80, s16, s13, $0xb8;
	[tilespmem:$0x19400] =	vst v63  }
0x4a: {  	s16 =	simm.s32 $0xA80  }
0x4b: {  	[spmem:s2] =	stream.indirect.scatter.add.f32 [tilespmem:s12], [sflag:$0x1], $0x80, s16, s13, $0xb8;
	[tilespmem:$0x19400] =	vst v63  }
0x4c: {  	s16 =	simm.s32 $0xB00  }
0x4d: {  	[spmem:s2] =	stream.indirect.scatter.add.f32 [tilespmem:s12], [sflag:$0x1], $0x80, s16, s13, $0xb8;
	[tilespmem:$0x19400] =	vst v63  }
0x4e: {  	s16 =	simm.s32 $0xB80  }
0x4f: {  	[spmem:s2] =	stream.indirect.scatter.add.f32 [tilespmem:s12], [sflag:$0x1], $0x80, s16, s13, $0xb8;
	[tilespmem:$0x19400] =	vst v63  }
0x50: {  	_ = 	snop  }
0x51: {  	[spmem:s2] =	stream.indirect.scatter.add.f32 [tilespmem:s12], [sflag:$0x1], $0x80, s17, s13, $0xb8;
	[tilespmem:$0x19400] =	vst v63  }
0x52: {  	_ = 	snop  }
0x53: {  	[spmem:s2] =	stream.indirect.scatter.add.f32 [tilespmem:s12], [sflag:$0x1], $0x80, s18, s13, $0xb8;
	[tilespmem:$0x19400] =	vst v63  }
0x54: {  	_ = 	snop  }
0x55: {  	[spmem:s2] =	stream.indirect.scatter.add.f32 [tilespmem:s12], [sflag:$0x1], $0x80, s19, s13, $0xb8;
	[tilespmem:$0x19400] =	vst v63  }
0x56: {  	_ = 	snop  }
0x57: {  	[spmem:s2] =	stream.indirect.scatter.add.f32 [tilespmem:s12], [sflag:$0x1], $0x80, s20, s13, $0xb8;
	[tilespmem:$0x19400] =	vst v63  }
0x58: {  	_ = 	snop  }
0x59: {  	[spmem:s2] =	stream.indirect.scatter.add.f32 [tilespmem:s12], [sflag:$0x1], $0x80, s21, s13, $0xb8;
	[tilespmem:$0x19400] =	vst v63  }
0x5a: {  	_ = 	snop  }
0x5b: {  	[spmem:s2] =	stream.indirect.scatter.add.f32 [tilespmem:s12], [sflag:$0x1], $0x80, s22, s13, $0xb8;
	[tilespmem:$0x19400] =	vst v63  }
0x5c: {  	_ = 	snop  }
0x5d: {  	[spmem:s2] =	stream.indirect.scatter.add.f32 [tilespmem:s12], [sflag:$0x1], $0x80, s23, s13, $0xb8;
	[tilespmem:$0x19400] =	vst v63  }
0x5e: {  	_ = 	snop  }
0x5f: {  	[spmem:s2] =	stream.indirect.scatter.add.f32 [tilespmem:s12], [sflag:$0x1], $0x80, s24, s13, $0xb8;
	[tilespmem:$0x19400] =	vst v63  }
0x60: {  	_ = 	snop  }
0x61: {  	[spmem:s2] =	stream.indirect.scatter.add.f32 [tilespmem:s12], [sflag:$0x1], $0x80, s25, s13, $0xb8;
	[tilespmem:$0x19400] =	vst v63  }
0x62: {  	_ = 	snop  }
0x63: {  	[spmem:s2] =	stream.indirect.scatter.add.f32 [tilespmem:s12], [sflag:$0x1], $0x80, s26, s13, $0xb8;
	[tilespmem:$0x19400] =	vst v63  }
0x64: {  	_ = 	snop  }
0x65: {  	[spmem:s2] =	stream.indirect.scatter.add.f32 [tilespmem:s12], [sflag:$0x1], $0x80, s28, s13, $0xb8;
	[tilespmem:$0x19400] =	vst v63  }
0x66: {  	_ = 	snop  }
0x67: {  	[spmem:s2] =	stream.indirect.scatter.add.f32 [tilespmem:s12], [sflag:$0x1], $0x80, s29, s13, $0xb8;
	[tilespmem:$0x19400] =	vst v63  }
0x68: {  	_ = 	snop  }
0x69: {  	[spmem:s2] =	stream.indirect.scatter.add.f32 [tilespmem:s12], [sflag:$0x1], $0x80, s30, s13, $0xb8;
	[tilespmem:$0x19400] =	vst v63  }
0x6a: {  	_ = 	snop  }
0x6b: {  	[spmem:s2] =	stream.indirect.scatter.add.f32 [tilespmem:s12], [sflag:$0x1], $0x80, s31, s13, $0xb8;
	[tilespmem:$0x19400] =	vst v63  }
0x6c: {  	_ = 	snop  }
0x6d: {  	[spmem:s2] =	stream.indirect.scatter.add.f32 [tilespmem:s12], [sflag:$0x1], $0x80, s1, s13, $0xb8;
	[tilespmem:$0x19400] =	vst v63  }
0x6e: {  	_ = 	snop  }
0x6f: {  	[spmem:s2] =	stream.indirect.scatter.add.f32 [tilespmem:s12], [sflag:$0x1], $0x80, s0, s13, $0xb8;
	[tilespmem:$0x19400] =	vst v63  }
0x70: {  	_ =	swait.ge [sflag:s14], $0x4000  }
0x71: {  	s16 =	simm.s32 $0x27;
	[sflag:s14] =	ssyncset.done $0x0  }
.LBB2_2:
0x72: {  	p0 =	sne.s32 s16, $0x1;
	s16 =	sadd.s32 $0xFFFFFFFF, s16;
	[sflag:s14] =	ssyncadd.s32 $0xFFFFC000  }
.Ltmp0:
0x73: {  	(pc) =	sbr.rel @p0 .LBB2_2-.Ltmp0, $3  }
0x74: {  	_ =	sdelay $0x1  }
0x75: {  	_ =	swait.ge [sflag:s14], $0x4000  }
0x76: {  	[sflag:s14] =	ssyncset.done $0x0  }
0x77: {  	s15 =	sadd.s32 $0x1, s15  }
0x78: {  	[sflag:s14] =	ssyncadd.s32 $0xFFFFC000;
	p0 =	sne.s32 s15, s9  }
.Ltmp1:
0x79: {  	[bflag:$0x0] =	sbarrier.arrive $0xFFFF;
	(pc) =	sbr.rel @p0 .LBB2_1-.Ltmp1, $4  }
0x7a: {  	[hbm:s8], [sflag:s6] =	dma.local [spmem:s10], $0x2800  }
0x7b: {  	_ =	swait.ge [sflag:s11], $0x2800  }
0x7c: {  	[sflag:s11] =	ssyncset.done $0x0  }
0x7d: {  	[sflag:s11] =	ssyncadd.s32 $0xFFFFD800  }
0x7e: {  	_ =	sfence.sel $0x180000  }
0x7f: {  	[bflag:$0x0] =	sbarrier.arrive $0xFFFF  }
0x80: {  	_ =	strace $0x9000004D  }
0x81: {  	s0 =	stileid.u32;
	[bflag:$0x2] =	sbarrier.arrive $0xFFFF  }
0x82: {  	p0 =	sne.s32 s0, $0x0;
	s0 =	rddreg [dreg:$0x2]  }
0x83: {  	s0 =	sadd.s32 @!p0 $0x100000, s0  }
0x84: {  	[sflag:s0] =	ssyncadd.tile.s32 @!p0 $0x1;
	_ =	shalt  }
.Lfunc_end2:
_tile_overlayer_lowered:
.L_overlay_start_2:
0x85: {  	(tag) =	ssettag $0x2  }
0x86: {  	s0 =	rddreg [dreg:$0x0];
	s2 =	stileid.u32  }
0x87: {  	s1 =	rddreg [dreg:$0x1];
	p0 =	sne.s32 s2, $0x0  }
0x88: {  	s3 =	rddreg [dreg:$0x2];
	[bflag:$0x3] =	sbarrier.arrive $0xFFFF;
	s2 =	simm.s32 @!p0 $0x1C02  }
0x89: {  	[timem:s3], [sflag:s2] =	dma.local @!p0 [hbm:s0], s1  }
0x8a: {  	s0 =	simm.s32 @!p0 $0x2  }
0x8b: {  	_ =	swait.ge @!p0 [sflag:s0], s1  }
0x8c: {  	s1 =	ssub.s32 @!p0 $0x0, s1;
	[sflag:s0] =	ssyncset.done @!p0 $0x0  }
0x8d: {  	[sflag:s0] =	ssyncadd.s32 @!p0 s1  }
0x8e: {  	[bflag:$0x3] =	sbarrier.arrive $0xFFFF  }
0x8f: {  	_ =	shalt  }

</sc_bundles>
